<compile_context>
chip_gen: v7x
topology: tpu7x:2x2x1
jax: 0.10.2.dev20260603
libtpu: 0.0.44.dev20260713+nightly
codegen_flags: <defaults>
</compile_context>

<pallas_src>
import functools

import jax
import jax.numpy as jnp
from jax import lax
from jax.experimental import pallas as pl
from jax.experimental.pallas import tpu as pltpu
from jax.experimental.pallas import tpu_sc as plsc

E = 64
K = 4
T = 288
NB = 512

_NC, _NS = 2, 16
_NW = _NC * _NS


def _routing_body(x_ref, wg_ref, bg_ref, logits_ref, wtop_ref, itop_ref,
                  rank_ref, counts_ref, carry_ref):
    pid = pl.program_id(0)

    @pl.when(pid == 0)
    def _():
        carry_ref[...] = jnp.zeros_like(carry_ref)

    x = x_ref[...]
    wg = wg_ref[...]
    logits = lax.dot_general(
        x, wg, (((1,), (1,)), ((), ())),
        preferred_element_type=jnp.float32,
    ) + bg_ref[...]
    logits_ref[...] = logits

    iota = lax.broadcasted_iota(jnp.int32, logits.shape, 1)
    cur = logits
    sel_l, sel_i = [], []
    for _ in range(K):
        mk = jnp.max(cur, axis=1, keepdims=True)
        ik = jnp.min(jnp.where(cur == mk, iota, E), axis=1, keepdims=True)
        sel_l.append(mk)
        sel_i.append(ik)
        cur = jnp.where(iota == ik, -1e30, cur)
    m0 = sel_l[0]
    exps = [jnp.exp(l - m0) for l in sel_l]
    denom = exps[0] + exps[1] + exps[2] + exps[3]
    wtop_ref[...] = jnp.concatenate([e / denom for e in exps], axis=1)
    itop_ref[...] = jnp.concatenate(sel_i, axis=1)

    oh_k = [(iota == sel_i[k]).astype(jnp.float32) for k in range(K)]
    cnt_tok = oh_k[0] + oh_k[1] + oh_k[2] + oh_k[3]
    ii = lax.broadcasted_iota(jnp.int32, (NB, NB), 0)
    jj = lax.broadcasted_iota(jnp.int32, (NB, NB), 1)
    tril = (jj < ii).astype(jnp.float32)
    c_excl = lax.dot_general(
        tril, cnt_tok, (((1,), (0,)), ((), ())),
        preferred_element_type=jnp.float32)
    base = c_excl + carry_ref[0:1, :]
    ranks = [jnp.sum(oh_k[k] * base, axis=1, keepdims=True) for k in range(K)]
    rank_ref[...] = jnp.concatenate(ranks, axis=1).astype(jnp.int32)
    carry_new = carry_ref[0:1, :] + jnp.sum(cnt_tok, axis=0, keepdims=True)
    carry_ref[0:1, :] = carry_new
    counts_ref[...] = carry_new.astype(jnp.int32)


def _routing(x2d, Wg, bg):
    n, d = x2d.shape
    grid = (n // NB,)
    return pl.pallas_call(
        _routing_body,
        grid=grid,
        in_specs=[
            pl.BlockSpec((NB, d), lambda i: (i, 0)),
            pl.BlockSpec((E, d), lambda i: (0, 0)),
            pl.BlockSpec((1, E), lambda i: (0, 0)),
        ],
        out_specs=[
            pl.BlockSpec((NB, E), lambda i: (i, 0)),
            pl.BlockSpec((NB, K), lambda i: (i, 0)),
            pl.BlockSpec((NB, K), lambda i: (i, 0)),
            pl.BlockSpec((NB, K), lambda i: (i, 0)),
            pl.BlockSpec((1, E), lambda i: (0, 0)),
        ],
        out_shape=[
            jax.ShapeDtypeStruct((n, E), jnp.float32),
            jax.ShapeDtypeStruct((n, K), jnp.float32),
            jax.ShapeDtypeStruct((n, K), jnp.int32),
            jax.ShapeDtypeStruct((n, K), jnp.int32),
            jax.ShapeDtypeStruct((1, E), jnp.int32),
        ],
        scratch_shapes=[pltpu.VMEM((8, E), jnp.float32)],
    )(x2d, Wg, bg.reshape(1, E))


def _dispatch_metadata(itop, rank, counts, n_tiles_max):
    i32 = jnp.int32
    iflat = itop.reshape(-1).astype(i32)
    rank = rank.reshape(-1)
    counts = counts.reshape(-1)
    tiles_e = (counts + T - 1) // T
    pad_sz = tiles_e * T
    pad_off = jnp.cumsum(pad_sz) - pad_sz
    oh = (iflat[:, None] == jnp.arange(E, dtype=i32)[None, :])
    base = jnp.dot(oh.astype(jnp.float32), pad_off.astype(jnp.float32),
                   precision=lax.Precision.HIGHEST)
    slot = base.astype(i32) + rank
    total_tiles = jnp.sum(tiles_e)
    tile_cum = jnp.cumsum(tiles_e)
    gidx = jnp.arange(n_tiles_max, dtype=i32)
    tile_expert = jnp.minimum(
        jnp.searchsorted(tile_cum, gidx, side="right").astype(i32), E - 1)
    tile_valid = (gidx < total_tiles).astype(i32)
    tile_blk = jnp.where(tile_valid == 1, gidx, total_tiles - 1).astype(i32)
    n = itop.shape[0]
    slot_km = slot.reshape(n, K).T.reshape(-1)
    return slot_km, tile_expert, tile_blk, tile_valid


def _sc_scatter_dispatch(src, idx, n_rows_out, chunk):
    m = idx.shape[0]
    n, d = src.shape
    per_w = m // _NW
    n_iter = per_w // chunk
    planes_per_w = n // per_w
    mesh = plsc.VectorSubcoreMesh(core_axis_name="c", subcore_axis_name="s")

    @functools.partial(
        pl.kernel,
        out_type=jax.ShapeDtypeStruct((n_rows_out, d), src.dtype),
        mesh=mesh,
        scratch_types=[
            pltpu.VMEM((chunk,), jnp.int32),
            pltpu.VMEM((chunk, d), src.dtype),
            pltpu.SemaphoreType.DMA,
        ],
    )
    def scatter_k(src_hbm, idx_hbm, out_hbm, idx_v, rows_v, sem):
        wid = lax.axis_index("s") * _NC + lax.axis_index("c")
        base = wid * per_w
        t_base = (wid % planes_per_w) * per_w
        for i in range(n_iter):
            pltpu.sync_copy(idx_hbm.at[pl.ds(base + i * chunk, chunk)], idx_v)
            pltpu.sync_copy(src_hbm.at[pl.ds(t_base + i * chunk, chunk)], rows_v)
            pltpu.async_copy(rows_v, out_hbm.at[idx_v], sem).wait()

    return scatter_k(src, idx)


def _sc_gather(src, idx, chunk):
    m = idx.shape[0]
    d = src.shape[1]
    per_w = m // _NW
    n_iter = per_w // chunk
    mesh = plsc.VectorSubcoreMesh(core_axis_name="c", subcore_axis_name="s")

    @functools.partial(
        pl.kernel,
        out_type=jax.ShapeDtypeStruct((m, d), src.dtype),
        mesh=mesh,
        scratch_types=[
            pltpu.VMEM((chunk,), jnp.int32),
            pltpu.VMEM((chunk, d), src.dtype),
            pltpu.SemaphoreType.DMA,
        ],
    )
    def gather_k(src_hbm, idx_hbm, out_hbm, idx_v, rows_v, sem):
        wid = lax.axis_index("s") * _NC + lax.axis_index("c")
        base = wid * per_w
        for i in range(n_iter):
            off = base + i * chunk
            pltpu.sync_copy(idx_hbm.at[pl.ds(off, chunk)], idx_v)
            pltpu.async_copy(src_hbm.at[idx_v], rows_v, sem).wait()
            pltpu.sync_copy(rows_v, out_hbm.at[pl.ds(off, chunk)])

    return gather_k(src, idx)


def _ffn_body(blk_ref, exp_ref, val_ref, xg_ref, w1_ref, b1_ref, w2_ref,
              b2_ref, out_ref):
    g = pl.program_id(0)

    @pl.when(val_ref[g] == 1)
    def _():
        x = xg_ref[...]
        h = lax.dot_general(
            x, w1_ref[0], (((1,), (1,)), ((), ())),
            preferred_element_type=jnp.float32)
        h = h + b1_ref[0]
        h = 0.5 * h * (1.0 + lax.erf(h * 0.7071067811865476))
        y = lax.dot_general(
            h, w2_ref[0], (((1,), (1,)), ((), ())),
            preferred_element_type=jnp.float32)
        out_ref[...] = y + b2_ref[0]


def _grouped_ffn(xg, W1, b1, W2, b2, tile_blk, tile_expert, tile_valid,
                 n_tiles_max):
    d = W1.shape[2]
    h = W1.shape[1]
    n_rows = n_tiles_max * T
    grid_spec = pltpu.PrefetchScalarGridSpec(
        num_scalar_prefetch=3,
        grid=(n_tiles_max,),
        in_specs=[
            pl.BlockSpec((T, d), lambda g, blk, exp, val: (blk[g], 0)),
            pl.BlockSpec((1, h, d), lambda g, blk, exp, val: (exp[g], 0, 0)),
            pl.BlockSpec((1, 1, h), lambda g, blk, exp, val: (exp[g], 0, 0)),
            pl.BlockSpec((1, d, h), lambda g, blk, exp, val: (exp[g], 0, 0)),
            pl.BlockSpec((1, 1, d), lambda g, blk, exp, val: (exp[g], 0, 0)),
        ],
        out_specs=pl.BlockSpec((T, d), lambda g, blk, exp, val: (blk[g], 0)),
    )
    return pl.pallas_call(
        _ffn_body,
        grid_spec=grid_spec,
        out_shape=jax.ShapeDtypeStruct((n_rows, d), jnp.float32),
    )(tile_blk, tile_expert, tile_valid, xg, W1, b1.reshape(E, 1, h), W2,
      b2.reshape(E, 1, d))


def _combine_body(y0_ref, y1_ref, y2_ref, y3_ref, w_ref, out_ref):
    w = w_ref[...]
    acc = y0_ref[...] * w[:, 0:1]
    acc = acc + y1_ref[...] * w[:, 1:2]
    acc = acc + y2_ref[...] * w[:, 2:3]
    out_ref[...] = acc + y3_ref[...] * w[:, 3:4]


def _combine(yp, wtop, n, d):
    blk = 512
    nb = n // blk
    plane_specs = [
        pl.BlockSpec((blk, d), (lambda i, kk=kk: (i + kk * nb, 0)))
        for kk in range(K)
    ]
    return pl.pallas_call(
        _combine_body,
        grid=(nb,),
        in_specs=plane_specs + [pl.BlockSpec((blk, K), lambda i: (i, 0))],
        out_specs=pl.BlockSpec((blk, d), lambda i: (i, 0)),
        out_shape=jax.ShapeDtypeStruct((n, d), jnp.float32),
    )(yp, yp, yp, yp, wtop)


def kernel(x, Wg, bg, W1, b1, W2, b2):
    b, s, d = x.shape
    n = b * s
    nk = n * K
    n_tiles_max = nk // T + E
    x2d = x.reshape(n, d)

    logits, wtop, itop, rank, counts = _routing(x2d, Wg, bg)
    slot_km, tile_expert, tile_blk, tile_valid = (
        _dispatch_metadata(itop, rank, counts, n_tiles_max))

    n_rows = n_tiles_max * T
    xg = _sc_scatter_dispatch(x2d, slot_km, n_rows, chunk=128)
    yg = _grouped_ffn(xg, W1, b1, W2, b2, tile_blk, tile_expert,
                      tile_valid, n_tiles_max)
    yp = _sc_gather(yg, slot_km, chunk=128)
    final = _combine(yp, wtop, n, d)
    return final.reshape(b, s, d), logits

# --- scband reference (transcript-rebuilt; emitter-appended) ---
"""Pipeline reference for scband-parallel-experts-46291157516502 (READ-ONLY COPY).

The authoritative reference and input builder live on the scoring server;
editing this copy changes nothing except your own understanding.
"""

import jax, jax.numpy as jnp
import numpy as np

B, S, D, H, E, TOPK = 2, 2048, 768, 768, 64, 4

def setup_inputs(seed: int = 0) -> dict:
    key = jax.random.key(seed)
    ks = jax.random.split(key, 8)
    scale = 0.02
    x = jax.random.normal(ks[0], (B, S, D), dtype=jnp.float32)
    Wg = jax.random.normal(ks[1], (E, D), dtype=jnp.float32) * scale
    bg = jnp.zeros((E,), dtype=jnp.float32)
    W1 = jax.random.normal(ks[2], (E, H, D), dtype=jnp.float32) * scale
    b1 = jnp.zeros((E, H), dtype=jnp.float32)
    W2 = jax.random.normal(ks[3], (E, D, H), dtype=jnp.float32) * scale
    b2 = jnp.zeros((E, D), dtype=jnp.float32)
    return {"x": x, "Wg": Wg, "bg": bg, "W1": W1, "b1": b1, "W2": W2, "b2": b2}

def reference(x, Wg, bg, W1, b1, W2, b2):
    batch_size, seq_len, hidden_dim = x.shape
    xf = x.reshape(-1, hidden_dim)
    routing_logits = xf @ Wg.T + bg
    routing_weights = jax.nn.softmax(routing_logits.astype(jnp.float32), axis=1)
    routing_weights, selected_experts = jax.lax.top_k(routing_weights, TOPK)
    routing_weights = routing_weights / routing_weights.sum(axis=-1, keepdims=True)
    routing_weights = routing_weights.astype(x.dtype)
    # expert_mask[e, k, n] equivalent to torch one_hot(...).permute(2,1,0)
    expert_mask = jax.nn.one_hot(selected_experts, E, dtype=jnp.int32).transpose(2, 1, 0)
    final = jnp.zeros((xf.shape[0], xf.shape[1]), dtype=x.dtype)

    def body(e, acc):
        mask = expert_mask[e].astype(x.dtype)  # (TOPK, N)
        w = (mask * routing_weights.T).sum(axis=0)  # (N,)
        h = xf @ W1[e].T + b1[e]
        h = jax.nn.gelu(h, approximate=False)
        h = h @ W2[e].T + b2[e]
        h = h * w[:, None]
        return acc + h.astype(x.dtype)

    final = jax.lax.fori_loop(0, E, body, final)
    final = final.reshape(batch_size, seq_len, hidden_dim)
    return (final, routing_logits)

if __name__ == "__main__":
    import jax
    _d = setup_inputs()
    print(jax.jit(kernel)(*tuple(_d.values())))

</pallas_src>

<mosaic_0001>
#map = affine_map<(d0, d1) -> (0, 0)>
#map1 = affine_map<(d0, d1) -> (0)>
module attributes {stable_mosaic.version = 14 : i64} {
  func.func @gather_k(%arg0: i32, %arg1: i32, %arg2: memref<34560x768xf32, #tpu.memory_space<hbm>>, %arg3: memref<16384xi32, #tpu.memory_space<hbm>>, %arg4: memref<16384x768xf32, #tpu.memory_space<hbm>>, %arg5: memref<128xi32, #tpu.memory_space<vmem>>, %arg6: memref<128x768xf32, #tpu.memory_space<vmem>>, %arg7: memref<!tpu.dma_semaphore, #tpu.memory_space<semaphore_mem>>) attributes {dimension_semantics = [#tpu.dimension_semantics<core_parallel>, #tpu.dimension_semantics<subcore_parallel>], iteration_bounds = array<i64: 2, 16>, scalar_prefetch = 0 : i64, scratch_operands = 3 : i64, tpu.core_type = #tpu.core_type<sc_vector_subcore>, window_params = [{transform_indices = #map}, {transform_indices = #map1}, {transform_indices = #map}]} {
    %mul3A = arith.constant 2 : i32
    %mul3A_0 = arith.muli %arg1, %mul3A : i32
    %add3A = arith.addi %mul3A_0, %arg0 : i32
    %mul3A_1 = arith.constant 512 : i32
    %mul3A_2 = arith.muli %add3A, %mul3A_1 : i32
    %add3A_3 = arith.constant 0 : i32
    %add3A_4 = arith.addi %mul3A_2, %add3A_3 : i32
    "tpu.region"() ({
      %run_scoped3A = tpu.sem_alloc : memref<!tpu.dma_semaphore, #tpu.memory_space<semaphore_mem>>
      %dma_start3A_33 = tpu.memref_slice %arg3[%add3A_4] : memref<16384xi32, #tpu.memory_space<hbm>> -> memref<128xi32, #tpu.memory_space<hbm>>
      %dma_start3A_34 = tpu.memref_slice %arg3[%add3A_4] : memref<16384xi32, #tpu.memory_space<hbm>> -> memref<128xi32, #tpu.memory_space<hbm>>
      tpu.enqueue_dma source(%dma_start3A_34 : memref<128xi32, #tpu.memory_space<hbm>>) target(%arg5 : memref<128xi32, #tpu.memory_space<vmem>>) target_semaphore(%run_scoped3A : memref<!tpu.dma_semaphore, #tpu.memory_space<semaphore_mem>>)
      %dma_wait3A_35 = tpu.memref_slice %arg3[%add3A_4] : memref<16384xi32, #tpu.memory_space<hbm>> -> memref<128xi32, #tpu.memory_space<hbm>>
      %dma_wait3A_36 = tpu.memref_slice %arg3[%add3A_4] : memref<16384xi32, #tpu.memory_space<hbm>> -> memref<128xi32, #tpu.memory_space<hbm>>
      tpu.wait_dma2 semaphore(%run_scoped3A : memref<!tpu.dma_semaphore, #tpu.memory_space<semaphore_mem>>) src(%dma_wait3A_36 : memref<128xi32, #tpu.memory_space<hbm>>) dst(%arg5 : memref<128xi32, #tpu.memory_space<vmem>>)
      tpu.yield
    }) : () -> ()
    %dma_start3A = arith.constant 0 : i32
    %dma_start3A_5 = arith.constant 0 : i32
    %dma_start3A_6 = tpu.memref_slice %arg2[%dma_start3A, %dma_start3A_5] : memref<34560x768xf32, #tpu.memory_space<hbm>> -> memref<34560x768xf32, #tpu.memory_space<hbm>>
    tpu.enqueue_indirect_dma source(%dma_start3A_6 : memref<34560x768xf32, #tpu.memory_space<hbm>>) target(%arg6 : memref<128x768xf32, #tpu.memory_space<vmem>>) offsets(%arg5 : memref<128xi32, #tpu.memory_space<vmem>>) semaphore(%arg7 : memref<!tpu.dma_semaphore, #tpu.memory_space<semaphore_mem>>)
    %dma_wait3A = arith.constant 0 : i32
    %dma_wait3A_7 = arith.constant 0 : i32
    %dma_wait3A_8 = tpu.memref_slice %arg2[%dma_wait3A, %dma_wait3A_7] : memref<34560x768xf32, #tpu.memory_space<hbm>> -> memref<34560x768xf32, #tpu.memory_space<hbm>>
    tpu.wait_indirect_dma semaphore(%arg7 : memref<!tpu.dma_semaphore, #tpu.memory_space<semaphore_mem>>) src(%dma_wait3A_8 : memref<34560x768xf32, #tpu.memory_space<hbm>>) dst(%arg6 : memref<128x768xf32, #tpu.memory_space<vmem>>)
    "tpu.region"() ({
      %run_scoped3A = tpu.sem_alloc : memref<!tpu.dma_semaphore, #tpu.memory_space<semaphore_mem>>
      %dma_start3A_33 = arith.constant 0 : i32
      %dma_start3A_34 = tpu.memref_slice %arg4[%add3A_4, %dma_start3A_33] : memref<16384x768xf32, #tpu.memory_space<hbm>> -> memref<128x768xf32, #tpu.memory_space<hbm>>
      %dma_start3A_35 = arith.constant 0 : i32
      %dma_start3A_36 = tpu.memref_slice %arg4[%add3A_4, %dma_start3A_35] : memref<16384x768xf32, #tpu.memory_space<hbm>> -> memref<128x768xf32, #tpu.memory_space<hbm>>
      tpu.enqueue_dma source(%arg6 : memref<128x768xf32, #tpu.memory_space<vmem>>) target(%dma_start3A_36 : memref<128x768xf32, #tpu.memory_space<hbm>>) target_semaphore(%run_scoped3A : memref<!tpu.dma_semaphore, #tpu.memory_space<semaphore_mem>>)
      %dma_wait3A_37 = arith.constant 0 : i32
      %dma_wait3A_38 = tpu.memref_slice %arg4[%add3A_4, %dma_wait3A_37] : memref<16384x768xf32, #tpu.memory_space<hbm>> -> memref<128x768xf32, #tpu.memory_space<hbm>>
      %dma_wait3A_39 = arith.constant 0 : i32
      %dma_wait3A_40 = tpu.memref_slice %arg4[%add3A_4, %dma_wait3A_39] : memref<16384x768xf32, #tpu.memory_space<hbm>> -> memref<128x768xf32, #tpu.memory_space<hbm>>
      tpu.wait_dma2 semaphore(%run_scoped3A : memref<!tpu.dma_semaphore, #tpu.memory_space<semaphore_mem>>) src(%arg6 : memref<128x768xf32, #tpu.memory_space<vmem>>) dst(%dma_wait3A_40 : memref<128x768xf32, #tpu.memory_space<hbm>>)
      tpu.yield
    }) : () -> ()
    %add3A_9 = arith.constant 128 : i32
    %add3A_10 = arith.addi %mul3A_2, %add3A_9 : i32
    "tpu.region"() ({
      %run_scoped3A = tpu.sem_alloc : memref<!tpu.dma_semaphore, #tpu.memory_space<semaphore_mem>>
      %dma_start3A_33 = tpu.memref_slice %arg3[%add3A_10] : memref<16384xi32, #tpu.memory_space<hbm>> -> memref<128xi32, #tpu.memory_space<hbm>>
      %dma_start3A_34 = tpu.memref_slice %arg3[%add3A_10] : memref<16384xi32, #tpu.memory_space<hbm>> -> memref<128xi32, #tpu.memory_space<hbm>>
      tpu.enqueue_dma source(%dma_start3A_34 : memref<128xi32, #tpu.memory_space<hbm>>) target(%arg5 : memref<128xi32, #tpu.memory_space<vmem>>) target_semaphore(%run_scoped3A : memref<!tpu.dma_semaphore, #tpu.memory_space<semaphore_mem>>)
      %dma_wait3A_35 = tpu.memref_slice %arg3[%add3A_10] : memref<16384xi32, #tpu.memory_space<hbm>> -> memref<128xi32, #tpu.memory_space<hbm>>
      %dma_wait3A_36 = tpu.memref_slice %arg3[%add3A_10] : memref<16384xi32, #tpu.memory_space<hbm>> -> memref<128xi32, #tpu.memory_space<hbm>>
      tpu.wait_dma2 semaphore(%run_scoped3A : memref<!tpu.dma_semaphore, #tpu.memory_space<semaphore_mem>>) src(%dma_wait3A_36 : memref<128xi32, #tpu.memory_space<hbm>>) dst(%arg5 : memref<128xi32, #tpu.memory_space<vmem>>)
      tpu.yield
    }) : () -> ()
    %dma_start3A_11 = arith.constant 0 : i32
    %dma_start3A_12 = arith.constant 0 : i32
    %dma_start3A_13 = tpu.memref_slice %arg2[%dma_start3A_11, %dma_start3A_12] : memref<34560x768xf32, #tpu.memory_space<hbm>> -> memref<34560x768xf32, #tpu.memory_space<hbm>>
    tpu.enqueue_indirect_dma source(%dma_start3A_13 : memref<34560x768xf32, #tpu.memory_space<hbm>>) target(%arg6 : memref<128x768xf32, #tpu.memory_space<vmem>>) offsets(%arg5 : memref<128xi32, #tpu.memory_space<vmem>>) semaphore(%arg7 : memref<!tpu.dma_semaphore, #tpu.memory_space<semaphore_mem>>)
    %dma_wait3A_14 = arith.constant 0 : i32
    %dma_wait3A_15 = arith.constant 0 : i32
    %dma_wait3A_16 = tpu.memref_slice %arg2[%dma_wait3A_14, %dma_wait3A_15] : memref<34560x768xf32, #tpu.memory_space<hbm>> -> memref<34560x768xf32, #tpu.memory_space<hbm>>
    tpu.wait_indirect_dma semaphore(%arg7 : memref<!tpu.dma_semaphore, #tpu.memory_space<semaphore_mem>>) src(%dma_wait3A_16 : memref<34560x768xf32, #tpu.memory_space<hbm>>) dst(%arg6 : memref<128x768xf32, #tpu.memory_space<vmem>>)
    "tpu.region"() ({
      %run_scoped3A = tpu.sem_alloc : memref<!tpu.dma_semaphore, #tpu.memory_space<semaphore_mem>>
      %dma_start3A_33 = arith.constant 0 : i32
      %dma_start3A_34 = tpu.memref_slice %arg4[%add3A_10, %dma_start3A_33] : memref<16384x768xf32, #tpu.memory_space<hbm>> -> memref<128x768xf32, #tpu.memory_space<hbm>>
      %dma_start3A_35 = arith.constant 0 : i32
      %dma_start3A_36 = tpu.memref_slice %arg4[%add3A_10, %dma_start3A_35] : memref<16384x768xf32, #tpu.memory_space<hbm>> -> memref<128x768xf32, #tpu.memory_space<hbm>>
      tpu.enqueue_dma source(%arg6 : memref<128x768xf32, #tpu.memory_space<vmem>>) target(%dma_start3A_36 : memref<128x768xf32, #tpu.memory_space<hbm>>) target_semaphore(%run_scoped3A : memref<!tpu.dma_semaphore, #tpu.memory_space<semaphore_mem>>)
      %dma_wait3A_37 = arith.constant 0 : i32
      %dma_wait3A_38 = tpu.memref_slice %arg4[%add3A_10, %dma_wait3A_37] : memref<16384x768xf32, #tpu.memory_space<hbm>> -> memref<128x768xf32, #tpu.memory_space<hbm>>
      %dma_wait3A_39 = arith.constant 0 : i32
      %dma_wait3A_40 = tpu.memref_slice %arg4[%add3A_10, %dma_wait3A_39] : memref<16384x768xf32, #tpu.memory_space<hbm>> -> memref<128x768xf32, #tpu.memory_space<hbm>>
      tpu.wait_dma2 semaphore(%run_scoped3A : memref<!tpu.dma_semaphore, #tpu.memory_space<semaphore_mem>>) src(%arg6 : memref<128x768xf32, #tpu.memory_space<vmem>>) dst(%dma_wait3A_40 : memref<128x768xf32, #tpu.memory_space<hbm>>)
      tpu.yield
    }) : () -> ()
    %add3A_17 = arith.constant 256 : i32
    %add3A_18 = arith.addi %mul3A_2, %add3A_17 : i32
    "tpu.region"() ({
      %run_scoped3A = tpu.sem_alloc : memref<!tpu.dma_semaphore, #tpu.memory_space<semaphore_mem>>
      %dma_start3A_33 = tpu.memref_slice %arg3[%add3A_18] : memref<16384xi32, #tpu.memory_space<hbm>> -> memref<128xi32, #tpu.memory_space<hbm>>
      %dma_start3A_34 = tpu.memref_slice %arg3[%add3A_18] : memref<16384xi32, #tpu.memory_space<hbm>> -> memref<128xi32, #tpu.memory_space<hbm>>
      tpu.enqueue_dma source(%dma_start3A_34 : memref<128xi32, #tpu.memory_space<hbm>>) target(%arg5 : memref<128xi32, #tpu.memory_space<vmem>>) target_semaphore(%run_scoped3A : memref<!tpu.dma_semaphore, #tpu.memory_space<semaphore_mem>>)
      %dma_wait3A_35 = tpu.memref_slice %arg3[%add3A_18] : memref<16384xi32, #tpu.memory_space<hbm>> -> memref<128xi32, #tpu.memory_space<hbm>>
      %dma_wait3A_36 = tpu.memref_slice %arg3[%add3A_18] : memref<16384xi32, #tpu.memory_space<hbm>> -> memref<128xi32, #tpu.memory_space<hbm>>
      tpu.wait_dma2 semaphore(%run_scoped3A : memref<!tpu.dma_semaphore, #tpu.memory_space<semaphore_mem>>) src(%dma_wait3A_36 : memref<128xi32, #tpu.memory_space<hbm>>) dst(%arg5 : memref<128xi32, #tpu.memory_space<vmem>>)
      tpu.yield
    }) : () -> ()
    %dma_start3A_19 = arith.constant 0 : i32
    %dma_start3A_20 = arith.constant 0 : i32
    %dma_start3A_21 = tpu.memref_slice %arg2[%dma_start3A_19, %dma_start3A_20] : memref<34560x768xf32, #tpu.memory_space<hbm>> -> memref<34560x768xf32, #tpu.memory_space<hbm>>
    tpu.enqueue_indirect_dma source(%dma_start3A_21 : memref<34560x768xf32, #tpu.memory_space<hbm>>) target(%arg6 : memref<128x768xf32, #tpu.memory_space<vmem>>) offsets(%arg5 : memref<128xi32, #tpu.memory_space<vmem>>) semaphore(%arg7 : memref<!tpu.dma_semaphore, #tpu.memory_space<semaphore_mem>>)
    %dma_wait3A_22 = arith.constant 0 : i32
    %dma_wait3A_23 = arith.constant 0 : i32
    %dma_wait3A_24 = tpu.memref_slice %arg2[%dma_wait3A_22, %dma_wait3A_23] : memref<34560x768xf32, #tpu.memory_space<hbm>> -> memref<34560x768xf32, #tpu.memory_space<hbm>>
    tpu.wait_indirect_dma semaphore(%arg7 : memref<!tpu.dma_semaphore, #tpu.memory_space<semaphore_mem>>) src(%dma_wait3A_24 : memref<34560x768xf32, #tpu.memory_space<hbm>>) dst(%arg6 : memref<128x768xf32, #tpu.memory_space<vmem>>)
    "tpu.region"() ({
      %run_scoped3A = tpu.sem_alloc : memref<!tpu.dma_semaphore, #tpu.memory_space<semaphore_mem>>
      %dma_start3A_33 = arith.constant 0 : i32
      %dma_start3A_34 = tpu.memref_slice %arg4[%add3A_18, %dma_start3A_33] : memref<16384x768xf32, #tpu.memory_space<hbm>> -> memref<128x768xf32, #tpu.memory_space<hbm>>
      %dma_start3A_35 = arith.constant 0 : i32
      %dma_start3A_36 = tpu.memref_slice %arg4[%add3A_18, %dma_start3A_35] : memref<16384x768xf32, #tpu.memory_space<hbm>> -> memref<128x768xf32, #tpu.memory_space<hbm>>
      tpu.enqueue_dma source(%arg6 : memref<128x768xf32, #tpu.memory_space<vmem>>) target(%dma_start3A_36 : memref<128x768xf32, #tpu.memory_space<hbm>>) target_semaphore(%run_scoped3A : memref<!tpu.dma_semaphore, #tpu.memory_space<semaphore_mem>>)
      %dma_wait3A_37 = arith.constant 0 : i32
      %dma_wait3A_38 = tpu.memref_slice %arg4[%add3A_18, %dma_wait3A_37] : memref<16384x768xf32, #tpu.memory_space<hbm>> -> memref<128x768xf32, #tpu.memory_space<hbm>>
      %dma_wait3A_39 = arith.constant 0 : i32
      %dma_wait3A_40 = tpu.memref_slice %arg4[%add3A_18, %dma_wait3A_39] : memref<16384x768xf32, #tpu.memory_space<hbm>> -> memref<128x768xf32, #tpu.memory_space<hbm>>
      tpu.wait_dma2 semaphore(%run_scoped3A : memref<!tpu.dma_semaphore, #tpu.memory_space<semaphore_mem>>) src(%arg6 : memref<128x768xf32, #tpu.memory_space<vmem>>) dst(%dma_wait3A_40 : memref<128x768xf32, #tpu.memory_space<hbm>>)
      tpu.yield
    }) : () -> ()
    %add3A_25 = arith.constant 384 : i32
    %add3A_26 = arith.addi %mul3A_2, %add3A_25 : i32
    "tpu.region"() ({
      %run_scoped3A = tpu.sem_alloc : memref<!tpu.dma_semaphore, #tpu.memory_space<semaphore_mem>>
      %dma_start3A_33 = tpu.memref_slice %arg3[%add3A_26] : memref<16384xi32, #tpu.memory_space<hbm>> -> memref<128xi32, #tpu.memory_space<hbm>>
      %dma_start3A_34 = tpu.memref_slice %arg3[%add3A_26] : memref<16384xi32, #tpu.memory_space<hbm>> -> memref<128xi32, #tpu.memory_space<hbm>>
      tpu.enqueue_dma source(%dma_start3A_34 : memref<128xi32, #tpu.memory_space<hbm>>) target(%arg5 : memref<128xi32, #tpu.memory_space<vmem>>) target_semaphore(%run_scoped3A : memref<!tpu.dma_semaphore, #tpu.memory_space<semaphore_mem>>)
      %dma_wait3A_35 = tpu.memref_slice %arg3[%add3A_26] : memref<16384xi32, #tpu.memory_space<hbm>> -> memref<128xi32, #tpu.memory_space<hbm>>
      %dma_wait3A_36 = tpu.memref_slice %arg3[%add3A_26] : memref<16384xi32, #tpu.memory_space<hbm>> -> memref<128xi32, #tpu.memory_space<hbm>>
      tpu.wait_dma2 semaphore(%run_scoped3A : memref<!tpu.dma_semaphore, #tpu.memory_space<semaphore_mem>>) src(%dma_wait3A_36 : memref<128xi32, #tpu.memory_space<hbm>>) dst(%arg5 : memref<128xi32, #tpu.memory_space<vmem>>)
      tpu.yield
    }) : () -> ()
    %dma_start3A_27 = arith.constant 0 : i32
    %dma_start3A_28 = arith.constant 0 : i32
    %dma_start3A_29 = tpu.memref_slice %arg2[%dma_start3A_27, %dma_start3A_28] : memref<34560x768xf32, #tpu.memory_space<hbm>> -> memref<34560x768xf32, #tpu.memory_space<hbm>>
    tpu.enqueue_indirect_dma source(%dma_start3A_29 : memref<34560x768xf32, #tpu.memory_space<hbm>>) target(%arg6 : memref<128x768xf32, #tpu.memory_space<vmem>>) offsets(%arg5 : memref<128xi32, #tpu.memory_space<vmem>>) semaphore(%arg7 : memref<!tpu.dma_semaphore, #tpu.memory_space<semaphore_mem>>)
    %dma_wait3A_30 = arith.constant 0 : i32
    %dma_wait3A_31 = arith.constant 0 : i32
    %dma_wait3A_32 = tpu.memref_slice %arg2[%dma_wait3A_30, %dma_wait3A_31] : memref<34560x768xf32, #tpu.memory_space<hbm>> -> memref<34560x768xf32, #tpu.memory_space<hbm>>
    tpu.wait_indirect_dma semaphore(%arg7 : memref<!tpu.dma_semaphore, #tpu.memory_space<semaphore_mem>>) src(%dma_wait3A_32 : memref<34560x768xf32, #tpu.memory_space<hbm>>) dst(%arg6 : memref<128x768xf32, #tpu.memory_space<vmem>>)
    "tpu.region"() ({
      %run_scoped3A = tpu.sem_alloc : memref<!tpu.dma_semaphore, #tpu.memory_space<semaphore_mem>>
      %dma_start3A_33 = arith.constant 0 : i32
      %dma_start3A_34 = tpu.memref_slice %arg4[%add3A_26, %dma_start3A_33] : memref<16384x768xf32, #tpu.memory_space<hbm>> -> memref<128x768xf32, #tpu.memory_space<hbm>>
      %dma_start3A_35 = arith.constant 0 : i32
      %dma_start3A_36 = tpu.memref_slice %arg4[%add3A_26, %dma_start3A_35] : memref<16384x768xf32, #tpu.memory_space<hbm>> -> memref<128x768xf32, #tpu.memory_space<hbm>>
      tpu.enqueue_dma source(%arg6 : memref<128x768xf32, #tpu.memory_space<vmem>>) target(%dma_start3A_36 : memref<128x768xf32, #tpu.memory_space<hbm>>) target_semaphore(%run_scoped3A : memref<!tpu.dma_semaphore, #tpu.memory_space<semaphore_mem>>)
      %dma_wait3A_37 = arith.constant 0 : i32
      %dma_wait3A_38 = tpu.memref_slice %arg4[%add3A_26, %dma_wait3A_37] : memref<16384x768xf32, #tpu.memory_space<hbm>> -> memref<128x768xf32, #tpu.memory_space<hbm>>
      %dma_wait3A_39 = arith.constant 0 : i32
      %dma_wait3A_40 = tpu.memref_slice %arg4[%add3A_26, %dma_wait3A_39] : memref<16384x768xf32, #tpu.memory_space<hbm>> -> memref<128x768xf32, #tpu.memory_space<hbm>>
      tpu.wait_dma2 semaphore(%run_scoped3A : memref<!tpu.dma_semaphore, #tpu.memory_space<semaphore_mem>>) src(%arg6 : memref<128x768xf32, #tpu.memory_space<vmem>>) dst(%dma_wait3A_40 : memref<128x768xf32, #tpu.memory_space<hbm>>)
      tpu.yield
    }) : () -> ()
    return
  }
}

#map = affine_map<(d0, d1) -> (0, 0)>
#map1 = affine_map<(d0, d1) -> (0)>
module attributes {stable_mosaic.version = 14 : i64} {
  func.func @scatter_k(%arg0: i32, %arg1: i32, %arg2: memref<4096x768xf32, #tpu.memory_space<hbm>>, %arg3: memref<16384xi32, #tpu.memory_space<hbm>>, %arg4: memref<34560x768xf32, #tpu.memory_space<hbm>>, %arg5: memref<128xi32, #tpu.memory_space<vmem>>, %arg6: memref<128x768xf32, #tpu.memory_space<vmem>>, %arg7: memref<!tpu.dma_semaphore, #tpu.memory_space<semaphore_mem>>) attributes {dimension_semantics = [#tpu.dimension_semantics<core_parallel>, #tpu.dimension_semantics<subcore_parallel>], iteration_bounds = array<i64: 2, 16>, scalar_prefetch = 0 : i64, scratch_operands = 3 : i64, tpu.core_type = #tpu.core_type<sc_vector_subcore>, window_params = [{transform_indices = #map}, {transform_indices = #map1}, {transform_indices = #map}]} {
    %mul3A = arith.constant 2 : i32
    %mul3A_0 = arith.muli %arg1, %mul3A : i32
    %add3A = arith.addi %mul3A_0, %arg0 : i32
    %mul3A_1 = arith.constant 512 : i32
    %mul3A_2 = arith.muli %add3A, %mul3A_1 : i32
    %jit3A = arith.constant 8 : i32
    %eq3A = arith.constant 0 : i32
    %eq3A_3 = arith.cmpi eq, %jit3A, %eq3A : i32
    %jit3A_4 = arith.constant 1 : i32
    %select_n3A = arith.select %eq3A_3, %jit3A_4, %jit3A : i32
    %rem3A = arith.remsi %add3A, %select_n3A : i32
    %ne3A = arith.constant 0 : i32
    %ne3A_5 = arith.cmpi ne, %rem3A, %ne3A : i32
    %lt3A = arith.constant 0 : i32
    %lt3A_6 = arith.cmpi slt, %rem3A, %lt3A : i32
    %lt3A_7 = arith.constant 0 : i32
    %lt3A_8 = arith.cmpi slt, %select_n3A, %lt3A_7 : i32
    %ne3A_9 = arith.xori %lt3A_6, %lt3A_8 : i1
    %and3A = arith.andi %ne3A_9, %ne3A_5 : i1
    %add3A_10 = arith.addi %rem3A, %select_n3A : i32
    %select_n3A_11 = arith.select %and3A, %add3A_10, %rem3A : i32
    %mul3A_12 = arith.constant 512 : i32
    %mul3A_13 = arith.muli %select_n3A_11, %mul3A_12 : i32
    %add3A_14 = arith.constant 0 : i32
    %add3A_15 = arith.addi %mul3A_2, %add3A_14 : i32
    "tpu.region"() ({
      %run_scoped3A = tpu.sem_alloc : memref<!tpu.dma_semaphore, #tpu.memory_space<semaphore_mem>>
      %dma_start3A_52 = tpu.memref_slice %arg3[%add3A_15] : memref<16384xi32, #tpu.memory_space<hbm>> -> memref<128xi32, #tpu.memory_space<hbm>>
      %dma_start3A_53 = tpu.memref_slice %arg3[%add3A_15] : memref<16384xi32, #tpu.memory_space<hbm>> -> memref<128xi32, #tpu.memory_space<hbm>>
      tpu.enqueue_dma source(%dma_start3A_53 : memref<128xi32, #tpu.memory_space<hbm>>) target(%arg5 : memref<128xi32, #tpu.memory_space<vmem>>) target_semaphore(%run_scoped3A : memref<!tpu.dma_semaphore, #tpu.memory_space<semaphore_mem>>)
      %dma_wait3A_54 = tpu.memref_slice %arg3[%add3A_15] : memref<16384xi32, #tpu.memory_space<hbm>> -> memref<128xi32, #tpu.memory_space<hbm>>
      %dma_wait3A_55 = tpu.memref_slice %arg3[%add3A_15] : memref<16384xi32, #tpu.memory_space<hbm>> -> memref<128xi32, #tpu.memory_space<hbm>>
      tpu.wait_dma2 semaphore(%run_scoped3A : memref<!tpu.dma_semaphore, #tpu.memory_space<semaphore_mem>>) src(%dma_wait3A_55 : memref<128xi32, #tpu.memory_space<hbm>>) dst(%arg5 : memref<128xi32, #tpu.memory_space<vmem>>)
      tpu.yield
    }) : () -> ()
    %add3A_16 = arith.constant 0 : i32
    %add3A_17 = arith.addi %mul3A_13, %add3A_16 : i32
    "tpu.region"() ({
      %run_scoped3A = tpu.sem_alloc : memref<!tpu.dma_semaphore, #tpu.memory_space<semaphore_mem>>
      %dma_start3A_52 = arith.constant 0 : i32
      %dma_start3A_53 = tpu.memref_slice %arg2[%add3A_17, %dma_start3A_52] : memref<4096x768xf32, #tpu.memory_space<hbm>> -> memref<128x768xf32, #tpu.memory_space<hbm>>
      %dma_start3A_54 = arith.constant 0 : i32
      %dma_start3A_55 = tpu.memref_slice %arg2[%add3A_17, %dma_start3A_54] : memref<4096x768xf32, #tpu.memory_space<hbm>> -> memref<128x768xf32, #tpu.memory_space<hbm>>
      tpu.enqueue_dma source(%dma_start3A_55 : memref<128x768xf32, #tpu.memory_space<hbm>>) target(%arg6 : memref<128x768xf32, #tpu.memory_space<vmem>>) target_semaphore(%run_scoped3A : memref<!tpu.dma_semaphore, #tpu.memory_space<semaphore_mem>>)
      %dma_wait3A_56 = arith.constant 0 : i32
      %dma_wait3A_57 = tpu.memref_slice %arg2[%add3A_17, %dma_wait3A_56] : memref<4096x768xf32, #tpu.memory_space<hbm>> -> memref<128x768xf32, #tpu.memory_space<hbm>>
      %dma_wait3A_58 = arith.constant 0 : i32
      %dma_wait3A_59 = tpu.memref_slice %arg2[%add3A_17, %dma_wait3A_58] : memref<4096x768xf32, #tpu.memory_space<hbm>> -> memref<128x768xf32, #tpu.memory_space<hbm>>
      tpu.wait_dma2 semaphore(%run_scoped3A : memref<!tpu.dma_semaphore, #tpu.memory_space<semaphore_mem>>) src(%dma_wait3A_59 : memref<128x768xf32, #tpu.memory_space<hbm>>) dst(%arg6 : memref<128x768xf32, #tpu.memory_space<vmem>>)
      tpu.yield
    }) : () -> ()
    %dma_start3A = arith.constant 0 : i32
    %dma_start3A_18 = arith.constant 0 : i32
    %dma_start3A_19 = tpu.memref_slice %arg4[%dma_start3A, %dma_start3A_18] : memref<34560x768xf32, #tpu.memory_space<hbm>> -> memref<34560x768xf32, #tpu.memory_space<hbm>>
    tpu.enqueue_indirect_dma source(%arg6 : memref<128x768xf32, #tpu.memory_space<vmem>>) target(%dma_start3A_19 : memref<34560x768xf32, #tpu.memory_space<hbm>>) offsets(%arg5 : memref<128xi32, #tpu.memory_space<vmem>>) semaphore(%arg7 : memref<!tpu.dma_semaphore, #tpu.memory_space<semaphore_mem>>)
    %dma_wait3A = arith.constant 0 : i32
    %dma_wait3A_20 = arith.constant 0 : i32
    %dma_wait3A_21 = tpu.memref_slice %arg4[%dma_wait3A, %dma_wait3A_20] : memref<34560x768xf32, #tpu.memory_space<hbm>> -> memref<34560x768xf32, #tpu.memory_space<hbm>>
    tpu.wait_indirect_dma semaphore(%arg7 : memref<!tpu.dma_semaphore, #tpu.memory_space<semaphore_mem>>) src(%arg6 : memref<128x768xf32, #tpu.memory_space<vmem>>) dst(%dma_wait3A_21 : memref<34560x768xf32, #tpu.memory_space<hbm>>)
    %add3A_22 = arith.constant 128 : i32
    %add3A_23 = arith.addi %mul3A_2, %add3A_22 : i32
    "tpu.region"() ({
      %run_scoped3A = tpu.sem_alloc : memref<!tpu.dma_semaphore, #tpu.memory_space<semaphore_mem>>
      %dma_start3A_52 = tpu.memref_slice %arg3[%add3A_23] : memref<16384xi32, #tpu.memory_space<hbm>> -> memref<128xi32, #tpu.memory_space<hbm>>
      %dma_start3A_53 = tpu.memref_slice %arg3[%add3A_23] : memref<16384xi32, #tpu.memory_space<hbm>> -> memref<128xi32, #tpu.memory_space<hbm>>
      tpu.enqueue_dma source(%dma_start3A_53 : memref<128xi32, #tpu.memory_space<hbm>>) target(%arg5 : memref<128xi32, #tpu.memory_space<vmem>>) target_semaphore(%run_scoped3A : memref<!tpu.dma_semaphore, #tpu.memory_space<semaphore_mem>>)
      %dma_wait3A_54 = tpu.memref_slice %arg3[%add3A_23] : memref<16384xi32, #tpu.memory_space<hbm>> -> memref<128xi32, #tpu.memory_space<hbm>>
      %dma_wait3A_55 = tpu.memref_slice %arg3[%add3A_23] : memref<16384xi32, #tpu.memory_space<hbm>> -> memref<128xi32, #tpu.memory_space<hbm>>
      tpu.wait_dma2 semaphore(%run_scoped3A : memref<!tpu.dma_semaphore, #tpu.memory_space<semaphore_mem>>) src(%dma_wait3A_55 : memref<128xi32, #tpu.memory_space<hbm>>) dst(%arg5 : memref<128xi32, #tpu.memory_space<vmem>>)
      tpu.yield
    }) : () -> ()
    %add3A_24 = arith.constant 128 : i32
    %add3A_25 = arith.addi %mul3A_13, %add3A_24 : i32
    "tpu.region"() ({
      %run_scoped3A = tpu.sem_alloc : memref<!tpu.dma_semaphore, #tpu.memory_space<semaphore_mem>>
      %dma_start3A_52 = arith.constant 0 : i32
      %dma_start3A_53 = tpu.memref_slice %arg2[%add3A_25, %dma_start3A_52] : memref<4096x768xf32, #tpu.memory_space<hbm>> -> memref<128x768xf32, #tpu.memory_space<hbm>>
      %dma_start3A_54 = arith.constant 0 : i32
      %dma_start3A_55 = tpu.memref_slice %arg2[%add3A_25, %dma_start3A_54] : memref<4096x768xf32, #tpu.memory_space<hbm>> -> memref<128x768xf32, #tpu.memory_space<hbm>>
      tpu.enqueue_dma source(%dma_start3A_55 : memref<128x768xf32, #tpu.memory_space<hbm>>) target(%arg6 : memref<128x768xf32, #tpu.memory_space<vmem>>) target_semaphore(%run_scoped3A : memref<!tpu.dma_semaphore, #tpu.memory_space<semaphore_mem>>)
      %dma_wait3A_56 = arith.constant 0 : i32
      %dma_wait3A_57 = tpu.memref_slice %arg2[%add3A_25, %dma_wait3A_56] : memref<4096x768xf32, #tpu.memory_space<hbm>> -> memref<128x768xf32, #tpu.memory_space<hbm>>
      %dma_wait3A_58 = arith.constant 0 : i32
      %dma_wait3A_59 = tpu.memref_slice %arg2[%add3A_25, %dma_wait3A_58] : memref<4096x768xf32, #tpu.memory_space<hbm>> -> memref<128x768xf32, #tpu.memory_space<hbm>>
      tpu.wait_dma2 semaphore(%run_scoped3A : memref<!tpu.dma_semaphore, #tpu.memory_space<semaphore_mem>>) src(%dma_wait3A_59 : memref<128x768xf32, #tpu.memory_space<hbm>>) dst(%arg6 : memref<128x768xf32, #tpu.memory_space<vmem>>)
      tpu.yield
    }) : () -> ()
    %dma_start3A_26 = arith.constant 0 : i32
    %dma_start3A_27 = arith.constant 0 : i32
    %dma_start3A_28 = tpu.memref_slice %arg4[%dma_start3A_26, %dma_start3A_27] : memref<34560x768xf32, #tpu.memory_space<hbm>> -> memref<34560x768xf32, #tpu.memory_space<hbm>>
    tpu.enqueue_indirect_dma source(%arg6 : memref<128x768xf32, #tpu.memory_space<vmem>>) target(%dma_start3A_28 : memref<34560x768xf32, #tpu.memory_space<hbm>>) offsets(%arg5 : memref<128xi32, #tpu.memory_space<vmem>>) semaphore(%arg7 : memref<!tpu.dma_semaphore, #tpu.memory_space<semaphore_mem>>)
    %dma_wait3A_29 = arith.constant 0 : i32
    %dma_wait3A_30 = arith.constant 0 : i32
    %dma_wait3A_31 = tpu.memref_slice %arg4[%dma_wait3A_29, %dma_wait3A_30] : memref<34560x768xf32, #tpu.memory_space<hbm>> -> memref<34560x768xf32, #tpu.memory_space<hbm>>
    tpu.wait_indirect_dma semaphore(%arg7 : memref<!tpu.dma_semaphore, #tpu.memory_space<semaphore_mem>>) src(%arg6 : memref<128x768xf32, #tpu.memory_space<vmem>>) dst(%dma_wait3A_31 : memref<34560x768xf32, #tpu.memory_space<hbm>>)
    %add3A_32 = arith.constant 256 : i32
    %add3A_33 = arith.addi %mul3A_2, %add3A_32 : i32
    "tpu.region"() ({
      %run_scoped3A = tpu.sem_alloc : memref<!tpu.dma_semaphore, #tpu.memory_space<semaphore_mem>>
      %dma_start3A_52 = tpu.memref_slice %arg3[%add3A_33] : memref<16384xi32, #tpu.memory_space<hbm>> -> memref<128xi32, #tpu.memory_space<hbm>>
      %dma_start3A_53 = tpu.memref_slice %arg3[%add3A_33] : memref<16384xi32, #tpu.memory_space<hbm>> -> memref<128xi32, #tpu.memory_space<hbm>>
      tpu.enqueue_dma source(%dma_start3A_53 : memref<128xi32, #tpu.memory_space<hbm>>) target(%arg5 : memref<128xi32, #tpu.memory_space<vmem>>) target_semaphore(%run_scoped3A : memref<!tpu.dma_semaphore, #tpu.memory_space<semaphore_mem>>)
      %dma_wait3A_54 = tpu.memref_slice %arg3[%add3A_33] : memref<16384xi32, #tpu.memory_space<hbm>> -> memref<128xi32, #tpu.memory_space<hbm>>
      %dma_wait3A_55 = tpu.memref_slice %arg3[%add3A_33] : memref<16384xi32, #tpu.memory_space<hbm>> -> memref<128xi32, #tpu.memory_space<hbm>>
      tpu.wait_dma2 semaphore(%run_scoped3A : memref<!tpu.dma_semaphore, #tpu.memory_space<semaphore_mem>>) src(%dma_wait3A_55 : memref<128xi32, #tpu.memory_space<hbm>>) dst(%arg5 : memref<128xi32, #tpu.memory_space<vmem>>)
      tpu.yield
    }) : () -> ()
    %add3A_34 = arith.constant 256 : i32
    %add3A_35 = arith.addi %mul3A_13, %add3A_34 : i32
    "tpu.region"() ({
      %run_scoped3A = tpu.sem_alloc : memref<!tpu.dma_semaphore, #tpu.memory_space<semaphore_mem>>
      %dma_start3A_52 = arith.constant 0 : i32
      %dma_start3A_53 = tpu.memref_slice %arg2[%add3A_35, %dma_start3A_52] : memref<4096x768xf32, #tpu.memory_space<hbm>> -> memref<128x768xf32, #tpu.memory_space<hbm>>
      %dma_start3A_54 = arith.constant 0 : i32
      %dma_start3A_55 = tpu.memref_slice %arg2[%add3A_35, %dma_start3A_54] : memref<4096x768xf32, #tpu.memory_space<hbm>> -> memref<128x768xf32, #tpu.memory_space<hbm>>
      tpu.enqueue_dma source(%dma_start3A_55 : memref<128x768xf32, #tpu.memory_space<hbm>>) target(%arg6 : memref<128x768xf32, #tpu.memory_space<vmem>>) target_semaphore(%run_scoped3A : memref<!tpu.dma_semaphore, #tpu.memory_space<semaphore_mem>>)
      %dma_wait3A_56 = arith.constant 0 : i32
      %dma_wait3A_57 = tpu.memref_slice %arg2[%add3A_35, %dma_wait3A_56] : memref<4096x768xf32, #tpu.memory_space<hbm>> -> memref<128x768xf32, #tpu.memory_space<hbm>>
      %dma_wait3A_58 = arith.constant 0 : i32
      %dma_wait3A_59 = tpu.memref_slice %arg2[%add3A_35, %dma_wait3A_58] : memref<4096x768xf32, #tpu.memory_space<hbm>> -> memref<128x768xf32, #tpu.memory_space<hbm>>
      tpu.wait_dma2 semaphore(%run_scoped3A : memref<!tpu.dma_semaphore, #tpu.memory_space<semaphore_mem>>) src(%dma_wait3A_59 : memref<128x768xf32, #tpu.memory_space<hbm>>) dst(%arg6 : memref<128x768xf32, #tpu.memory_space<vmem>>)
      tpu.yield
    }) : () -> ()
    %dma_start3A_36 = arith.constant 0 : i32
    %dma_start3A_37 = arith.constant 0 : i32
    %dma_start3A_38 = tpu.memref_slice %arg4[%dma_start3A_36, %dma_start3A_37] : memref<34560x768xf32, #tpu.memory_space<hbm>> -> memref<34560x768xf32, #tpu.memory_space<hbm>>
    tpu.enqueue_indirect_dma source(%arg6 : memref<128x768xf32, #tpu.memory_space<vmem>>) target(%dma_start3A_38 : memref<34560x768xf32, #tpu.memory_space<hbm>>) offsets(%arg5 : memref<128xi32, #tpu.memory_space<vmem>>) semaphore(%arg7 : memref<!tpu.dma_semaphore, #tpu.memory_space<semaphore_mem>>)
    %dma_wait3A_39 = arith.constant 0 : i32
    %dma_wait3A_40 = arith.constant 0 : i32
    %dma_wait3A_41 = tpu.memref_slice %arg4[%dma_wait3A_39, %dma_wait3A_40] : memref<34560x768xf32, #tpu.memory_space<hbm>> -> memref<34560x768xf32, #tpu.memory_space<hbm>>
    tpu.wait_indirect_dma semaphore(%arg7 : memref<!tpu.dma_semaphore, #tpu.memory_space<semaphore_mem>>) src(%arg6 : memref<128x768xf32, #tpu.memory_space<vmem>>) dst(%dma_wait3A_41 : memref<34560x768xf32, #tpu.memory_space<hbm>>)
    %add3A_42 = arith.constant 384 : i32
    %add3A_43 = arith.addi %mul3A_2, %add3A_42 : i32
    "tpu.region"() ({
      %run_scoped3A = tpu.sem_alloc : memref<!tpu.dma_semaphore, #tpu.memory_space<semaphore_mem>>
      %dma_start3A_52 = tpu.memref_slice %arg3[%add3A_43] : memref<16384xi32, #tpu.memory_space<hbm>> -> memref<128xi32, #tpu.memory_space<hbm>>
      %dma_start3A_53 = tpu.memref_slice %arg3[%add3A_43] : memref<16384xi32, #tpu.memory_space<hbm>> -> memref<128xi32, #tpu.memory_space<hbm>>
      tpu.enqueue_dma source(%dma_start3A_53 : memref<128xi32, #tpu.memory_space<hbm>>) target(%arg5 : memref<128xi32, #tpu.memory_space<vmem>>) target_semaphore(%run_scoped3A : memref<!tpu.dma_semaphore, #tpu.memory_space<semaphore_mem>>)
      %dma_wait3A_54 = tpu.memref_slice %arg3[%add3A_43] : memref<16384xi32, #tpu.memory_space<hbm>> -> memref<128xi32, #tpu.memory_space<hbm>>
      %dma_wait3A_55 = tpu.memref_slice %arg3[%add3A_43] : memref<16384xi32, #tpu.memory_space<hbm>> -> memref<128xi32, #tpu.memory_space<hbm>>
      tpu.wait_dma2 semaphore(%run_scoped3A : memref<!tpu.dma_semaphore, #tpu.memory_space<semaphore_mem>>) src(%dma_wait3A_55 : memref<128xi32, #tpu.memory_space<hbm>>) dst(%arg5 : memref<128xi32, #tpu.memory_space<vmem>>)
      tpu.yield
    }) : () -> ()
    %add3A_44 = arith.constant 384 : i32
    %add3A_45 = arith.addi %mul3A_13, %add3A_44 : i32
    "tpu.region"() ({
      %run_scoped3A = tpu.sem_alloc : memref<!tpu.dma_semaphore, #tpu.memory_space<semaphore_mem>>
      %dma_start3A_52 = arith.constant 0 : i32
      %dma_start3A_53 = tpu.memref_slice %arg2[%add3A_45, %dma_start3A_52] : memref<4096x768xf32, #tpu.memory_space<hbm>> -> memref<128x768xf32, #tpu.memory_space<hbm>>
      %dma_start3A_54 = arith.constant 0 : i32
      %dma_start3A_55 = tpu.memref_slice %arg2[%add3A_45, %dma_start3A_54] : memref<4096x768xf32, #tpu.memory_space<hbm>> -> memref<128x768xf32, #tpu.memory_space<hbm>>
      tpu.enqueue_dma source(%dma_start3A_55 : memref<128x768xf32, #tpu.memory_space<hbm>>) target(%arg6 : memref<128x768xf32, #tpu.memory_space<vmem>>) target_semaphore(%run_scoped3A : memref<!tpu.dma_semaphore, #tpu.memory_space<semaphore_mem>>)
      %dma_wait3A_56 = arith.constant 0 : i32
      %dma_wait3A_57 = tpu.memref_slice %arg2[%add3A_45, %dma_wait3A_56] : memref<4096x768xf32, #tpu.memory_space<hbm>> -> memref<128x768xf32, #tpu.memory_space<hbm>>
      %dma_wait3A_58 = arith.constant 0 : i32
      %dma_wait3A_59 = tpu.memref_slice %arg2[%add3A_45, %dma_wait3A_58] : memref<4096x768xf32, #tpu.memory_space<hbm>> -> memref<128x768xf32, #tpu.memory_space<hbm>>
      tpu.wait_dma2 semaphore(%run_scoped3A : memref<!tpu.dma_semaphore, #tpu.memory_space<semaphore_mem>>) src(%dma_wait3A_59 : memref<128x768xf32, #tpu.memory_space<hbm>>) dst(%arg6 : memref<128x768xf32, #tpu.memory_space<vmem>>)
      tpu.yield
    }) : () -> ()
    %dma_start3A_46 = arith.constant 0 : i32
    %dma_start3A_47 = arith.constant 0 : i32
    %dma_start3A_48 = tpu.memref_slice %arg4[%dma_start3A_46, %dma_start3A_47] : memref<34560x768xf32, #tpu.memory_space<hbm>> -> memref<34560x768xf32, #tpu.memory_space<hbm>>
    tpu.enqueue_indirect_dma source(%arg6 : memref<128x768xf32, #tpu.memory_space<vmem>>) target(%dma_start3A_48 : memref<34560x768xf32, #tpu.memory_space<hbm>>) offsets(%arg5 : memref<128xi32, #tpu.memory_space<vmem>>) semaphore(%arg7 : memref<!tpu.dma_semaphore, #tpu.memory_space<semaphore_mem>>)
    %dma_wait3A_49 = arith.constant 0 : i32
    %dma_wait3A_50 = arith.constant 0 : i32
    %dma_wait3A_51 = tpu.memref_slice %arg4[%dma_wait3A_49, %dma_wait3A_50] : memref<34560x768xf32, #tpu.memory_space<hbm>> -> memref<34560x768xf32, #tpu.memory_space<hbm>>
    tpu.wait_indirect_dma semaphore(%arg7 : memref<!tpu.dma_semaphore, #tpu.memory_space<semaphore_mem>>) src(%arg6 : memref<128x768xf32, #tpu.memory_space<vmem>>) dst(%dma_wait3A_51 : memref<34560x768xf32, #tpu.memory_space<hbm>>)
    return
  }
}

module attributes {stable_mosaic.version = 14 : i64} {
  func.func @_routing_body(%arg0: i32, %arg1: memref<512x768xf32, #tpu.memory_space<vmem>>, %arg2: memref<64x768xf32, #tpu.memory_space<vmem>>, %arg3: memref<1x64xf32, #tpu.memory_space<vmem>>, %arg4: memref<512x64xf32, #tpu.memory_space<vmem>>, %arg5: memref<512x4xf32, #tpu.memory_space<vmem>>, %arg6: memref<512x4xi32, #tpu.memory_space<vmem>>, %arg7: memref<512x4xi32, #tpu.memory_space<vmem>>, %arg8: memref<1x64xi32, #tpu.memory_space<vmem>>, %arg9: memref<8x64xf32, #tpu.memory_space<vmem>>) attributes {dimension_semantics = [#tpu.dimension_semantics<arbitrary>], iteration_bounds = array<i64: 8>, scalar_prefetch = 0 : i64, scratch_operands = 1 : i64, tpu.core_type = #tpu.core_type<tc>, window_params = [{transform_indices = @transform_0, window_bounds = array<i64: 512, 768>}, {pipeline_mode = #tpu.pipeline_mode<synchronous>, transform_indices = @transform_1, window_bounds = array<i64: 64, 768>}, {pipeline_mode = #tpu.pipeline_mode<synchronous>, transform_indices = @transform_2, window_bounds = array<i64: 1, 64>}, {transform_indices = @transform_3, window_bounds = array<i64: 512, 64>}, {transform_indices = @transform_4, window_bounds = array<i64: 512, 4>}, {transform_indices = @transform_5, window_bounds = array<i64: 512, 4>}, {transform_indices = @transform_6, window_bounds = array<i64: 512, 4>}, {pipeline_mode = #tpu.pipeline_mode<synchronous>, transform_indices = @transform_7, window_bounds = array<i64: 1, 64>}]} {
    %eq3A = arith.constant 0 : i32
    %eq3A_0 = arith.cmpi eq, %arg0, %eq3A : i32
    %convert_element_type3A = arith.extui %eq3A_0 : i1 to i32
    %cond3A = arith.constant 0 : i32
    %cond3A_1 = arith.cmpi ne, %convert_element_type3A, %cond3A : i32
    scf.if %cond3A_1 {
      %broadcast_in_dim3A_150 = arith.constant 0.000000e+00 : f32
      %broadcast_in_dim3A_151 = vector.broadcast %broadcast_in_dim3A_150 : f32 to vector<8x64xf32>
      %swap3A_152 = arith.constant 0 : index
      %swap3A_153 = arith.constant 0 : index
      %swap3A_154 = vector.load %arg9[%swap3A_152, %swap3A_153] : memref<8x64xf32, #tpu.memory_space<vmem>>, vector<8x64xf32>
      tpu.vector_store %arg9[%swap3A_152, %swap3A_153], %broadcast_in_dim3A_151 {strides = array<i32>} : memref<8x64xf32, #tpu.memory_space<vmem>>, vector<8x64xf32>,
    } else {
    }
    %get3A = arith.constant 0 : index
    %get3A_2 = arith.constant 0 : index
    %get3A_3 = vector.load %arg1[%get3A, %get3A_2] : memref<512x768xf32, #tpu.memory_space<vmem>>, vector<512x768xf32>
    %get3A_4 = arith.constant 0 : index
    %get3A_5 = arith.constant 0 : index
    %get3A_6 = vector.load %arg2[%get3A_4, %get3A_5] : memref<64x768xf32, #tpu.memory_space<vmem>>, vector<64x768xf32>
    %dot_general3A = arith.constant dense<0.000000e+00> : vector<512x64xf32>
    %dot_general3A_7 = tpu.matmul %get3A_3, %get3A_6, %dot_general3A {dimension_numbers = #tpu.dot_dimension_numbers<[1], [1], [0], [0], [0, 0, 1, 0], [], []>, transpose_lhs_hint = false} : vector<512x768xf32>, vector<64x768xf32>, vector<512x64xf32> -> vector<512x64xf32>
    %get3A_8 = arith.constant 0 : index
    %get3A_9 = arith.constant 0 : index
    %get3A_10 = vector.load %arg3[%get3A_8, %get3A_9] : memref<1x64xf32, #tpu.memory_space<vmem>>, vector<1x64xf32>
    %add3A = vector.broadcast %get3A_10 : vector<1x64xf32> to vector<512x64xf32>
    %add3A_11 = arith.addf %dot_general3A_7, %add3A : vector<512x64xf32>
    %swap3A = arith.constant 0 : index
    %swap3A_12 = arith.constant 0 : index
    %swap3A_13 = vector.load %arg4[%swap3A, %swap3A_12] : memref<512x64xf32, #tpu.memory_space<vmem>>, vector<512x64xf32>
    tpu.vector_store %arg4[%swap3A, %swap3A_12], %add3A_11 {strides = array<i32>} : memref<512x64xf32, #tpu.memory_space<vmem>>, vector<512x64xf32>,
    %iota3A = tpu.iota {dimensions = array<i32: 1>} : vector<512x64xi32>
    %reduce_max3A = arith.constant dense<0xFF800000> : vector<512xf32>
    %reduce_max3A_14 = vector.multi_reduction <maximumf>, %add3A_11, %reduce_max3A [1] : vector<512x64xf32> to vector<512xf32>
    %broadcast_in_dim3A = vector.shape_cast %reduce_max3A_14 : vector<512xf32> to vector<512x1xf32>
    %eq3A_15 = vector.broadcast %broadcast_in_dim3A : vector<512x1xf32> to vector<512x64xf32>
    %eq3A_16 = arith.cmpf oeq, %add3A_11, %eq3A_15 : vector<512x64xf32>
    %jit3A = arith.constant 64 : i32
    %broadcast_in_dim3A_17 = vector.broadcast %jit3A : i32 to vector<512x64xi32>
    %select_n3A = arith.select %eq3A_16, %iota3A, %broadcast_in_dim3A_17 : vector<512x64xi1>, vector<512x64xi32>
    %reduce_min3A = arith.constant dense<2147483647> : vector<512xi32>
    %reduce_min3A_18 = vector.multi_reduction <minsi>, %select_n3A, %reduce_min3A [1] : vector<512x64xi32> to vector<512xi32>
    %broadcast_in_dim3A_19 = vector.shape_cast %reduce_min3A_18 : vector<512xi32> to vector<512x1xi32>
    %eq3A_20 = vector.broadcast %broadcast_in_dim3A_19 : vector<512x1xi32> to vector<512x64xi32>
    %eq3A_21 = arith.cmpi eq, %iota3A, %eq3A_20 : vector<512x64xi32>
    %jit3A_22 = arith.constant -1.000000e+30 : f32
    %broadcast_in_dim3A_23 = vector.broadcast %jit3A_22 : f32 to vector<512x64xf32>
    %select_n3A_24 = arith.select %eq3A_21, %broadcast_in_dim3A_23, %add3A_11 : vector<512x64xi1>, vector<512x64xf32>
    %reduce_max3A_25 = arith.constant dense<0xFF800000> : vector<512xf32>
    %reduce_max3A_26 = vector.multi_reduction <maximumf>, %select_n3A_24, %reduce_max3A_25 [1] : vector<512x64xf32> to vector<512xf32>
    %broadcast_in_dim3A_27 = vector.shape_cast %reduce_max3A_26 : vector<512xf32> to vector<512x1xf32>
    %eq3A_28 = vector.broadcast %broadcast_in_dim3A_27 : vector<512x1xf32> to vector<512x64xf32>
    %eq3A_29 = arith.cmpf oeq, %select_n3A_24, %eq3A_28 : vector<512x64xf32>
    %jit3A_30 = arith.constant 64 : i32
    %broadcast_in_dim3A_31 = vector.broadcast %jit3A_30 : i32 to vector<512x64xi32>
    %select_n3A_32 = arith.select %eq3A_29, %iota3A, %broadcast_in_dim3A_31 : vector<512x64xi1>, vector<512x64xi32>
    %reduce_min3A_33 = arith.constant dense<2147483647> : vector<512xi32>
    %reduce_min3A_34 = vector.multi_reduction <minsi>, %select_n3A_32, %reduce_min3A_33 [1] : vector<512x64xi32> to vector<512xi32>
    %broadcast_in_dim3A_35 = vector.shape_cast %reduce_min3A_34 : vector<512xi32> to vector<512x1xi32>
    %eq3A_36 = vector.broadcast %broadcast_in_dim3A_35 : vector<512x1xi32> to vector<512x64xi32>
    %eq3A_37 = arith.cmpi eq, %iota3A, %eq3A_36 : vector<512x64xi32>
    %jit3A_38 = arith.constant -1.000000e+30 : f32
    %broadcast_in_dim3A_39 = vector.broadcast %jit3A_38 : f32 to vector<512x64xf32>
    %select_n3A_40 = arith.select %eq3A_37, %broadcast_in_dim3A_39, %select_n3A_24 : vector<512x64xi1>, vector<512x64xf32>
    %reduce_max3A_41 = arith.constant dense<0xFF800000> : vector<512xf32>
    %reduce_max3A_42 = vector.multi_reduction <maximumf>, %select_n3A_40, %reduce_max3A_41 [1] : vector<512x64xf32> to vector<512xf32>
    %broadcast_in_dim3A_43 = vector.shape_cast %reduce_max3A_42 : vector<512xf32> to vector<512x1xf32>
    %eq3A_44 = vector.broadcast %broadcast_in_dim3A_43 : vector<512x1xf32> to vector<512x64xf32>
    %eq3A_45 = arith.cmpf oeq, %select_n3A_40, %eq3A_44 : vector<512x64xf32>
    %jit3A_46 = arith.constant 64 : i32
    %broadcast_in_dim3A_47 = vector.broadcast %jit3A_46 : i32 to vector<512x64xi32>
    %select_n3A_48 = arith.select %eq3A_45, %iota3A, %broadcast_in_dim3A_47 : vector<512x64xi1>, vector<512x64xi32>
    %reduce_min3A_49 = arith.constant dense<2147483647> : vector<512xi32>
    %reduce_min3A_50 = vector.multi_reduction <minsi>, %select_n3A_48, %reduce_min3A_49 [1] : vector<512x64xi32> to vector<512xi32>
    %broadcast_in_dim3A_51 = vector.shape_cast %reduce_min3A_50 : vector<512xi32> to vector<512x1xi32>
    %eq3A_52 = vector.broadcast %broadcast_in_dim3A_51 : vector<512x1xi32> to vector<512x64xi32>
    %eq3A_53 = arith.cmpi eq, %iota3A, %eq3A_52 : vector<512x64xi32>
    %jit3A_54 = arith.constant -1.000000e+30 : f32
    %broadcast_in_dim3A_55 = vector.broadcast %jit3A_54 : f32 to vector<512x64xf32>
    %select_n3A_56 = arith.select %eq3A_53, %broadcast_in_dim3A_55, %select_n3A_40 : vector<512x64xi1>, vector<512x64xf32>
    %reduce_max3A_57 = arith.constant dense<0xFF800000> : vector<512xf32>
    %reduce_max3A_58 = vector.multi_reduction <maximumf>, %select_n3A_56, %reduce_max3A_57 [1] : vector<512x64xf32> to vector<512xf32>
    %broadcast_in_dim3A_59 = vector.shape_cast %reduce_max3A_58 : vector<512xf32> to vector<512x1xf32>
    %eq3A_60 = vector.broadcast %broadcast_in_dim3A_59 : vector<512x1xf32> to vector<512x64xf32>
    %eq3A_61 = arith.cmpf oeq, %select_n3A_56, %eq3A_60 : vector<512x64xf32>
    %jit3A_62 = arith.constant 64 : i32
    %broadcast_in_dim3A_63 = vector.broadcast %jit3A_62 : i32 to vector<512x64xi32>
    %select_n3A_64 = arith.select %eq3A_61, %iota3A, %broadcast_in_dim3A_63 : vector<512x64xi1>, vector<512x64xi32>
    %reduce_min3A_65 = arith.constant dense<2147483647> : vector<512xi32>
    %reduce_min3A_66 = vector.multi_reduction <minsi>, %select_n3A_64, %reduce_min3A_65 [1] : vector<512x64xi32> to vector<512xi32>
    %broadcast_in_dim3A_67 = vector.shape_cast %reduce_min3A_66 : vector<512xi32> to vector<512x1xi32>
    %sub3A = arith.subf %broadcast_in_dim3A, %broadcast_in_dim3A : vector<512x1xf32>
    %exp3A = math.exp %sub3A : vector<512x1xf32>
    %sub3A_68 = arith.subf %broadcast_in_dim3A_27, %broadcast_in_dim3A : vector<512x1xf32>
    %exp3A_69 = math.exp %sub3A_68 : vector<512x1xf32>
    %sub3A_70 = arith.subf %broadcast_in_dim3A_43, %broadcast_in_dim3A : vector<512x1xf32>
    %exp3A_71 = math.exp %sub3A_70 : vector<512x1xf32>
    %sub3A_72 = arith.subf %broadcast_in_dim3A_59, %broadcast_in_dim3A : vector<512x1xf32>
    %exp3A_73 = math.exp %sub3A_72 : vector<512x1xf32>
    %add3A_74 = arith.addf %exp3A, %exp3A_69 : vector<512x1xf32>
    %add3A_75 = arith.addf %add3A_74, %exp3A_71 : vector<512x1xf32>
    %add3A_76 = arith.addf %add3A_75, %exp3A_73 : vector<512x1xf32>
    %div3A = arith.divf %exp3A, %add3A_76 : vector<512x1xf32>
    %div3A_77 = arith.divf %exp3A_69, %add3A_76 : vector<512x1xf32>
    %div3A_78 = arith.divf %exp3A_71, %add3A_76 : vector<512x1xf32>
    %div3A_79 = arith.divf %exp3A_73, %add3A_76 : vector<512x1xf32>
    %concatenate3A = tpu.concatenate %div3A, %div3A_77, %div3A_78, %div3A_79 in 1 : vector<512x1xf32>, vector<512x1xf32>, vector<512x1xf32>, vector<512x1xf32> -> vector<512x4xf32>
    %swap3A_80 = arith.constant 0 : index
    %swap3A_81 = arith.constant 0 : index
    %swap3A_82 = vector.load %arg5[%swap3A_80, %swap3A_81] : memref<512x4xf32, #tpu.memory_space<vmem>>, vector<512x4xf32>
    tpu.vector_store %arg5[%swap3A_80, %swap3A_81], %concatenate3A {strides = array<i32>} : memref<512x4xf32, #tpu.memory_space<vmem>>, vector<512x4xf32>,
    %concatenate3A_83 = tpu.concatenate %broadcast_in_dim3A_19, %broadcast_in_dim3A_35, %broadcast_in_dim3A_51, %broadcast_in_dim3A_67 in 1 : vector<512x1xi32>, vector<512x1xi32>, vector<512x1xi32>, vector<512x1xi32> -> vector<512x4xi32>
    %swap3A_84 = arith.constant 0 : index
    %swap3A_85 = arith.constant 0 : index
    %swap3A_86 = vector.load %arg6[%swap3A_84, %swap3A_85] : memref<512x4xi32, #tpu.memory_space<vmem>>, vector<512x4xi32>
    tpu.vector_store %arg6[%swap3A_84, %swap3A_85], %concatenate3A_83 {strides = array<i32>} : memref<512x4xi32, #tpu.memory_space<vmem>>, vector<512x4xi32>,
    %eq3A_87 = vector.broadcast %broadcast_in_dim3A_19 : vector<512x1xi32> to vector<512x64xi32>
    %eq3A_88 = arith.cmpi eq, %iota3A, %eq3A_87 : vector<512x64xi32>
    %convert_element_type3A_89 = arith.extui %eq3A_88 : vector<512x64xi1> to vector<512x64xi32>
    %convert_element_type3A_90 = arith.sitofp %convert_element_type3A_89 : vector<512x64xi32> to vector<512x64xf32>
    %eq3A_91 = vector.broadcast %broadcast_in_dim3A_35 : vector<512x1xi32> to vector<512x64xi32>
    %eq3A_92 = arith.cmpi eq, %iota3A, %eq3A_91 : vector<512x64xi32>
    %convert_element_type3A_93 = arith.extui %eq3A_92 : vector<512x64xi1> to vector<512x64xi32>
    %convert_element_type3A_94 = arith.sitofp %convert_element_type3A_93 : vector<512x64xi32> to vector<512x64xf32>
    %eq3A_95 = vector.broadcast %broadcast_in_dim3A_51 : vector<512x1xi32> to vector<512x64xi32>
    %eq3A_96 = arith.cmpi eq, %iota3A, %eq3A_95 : vector<512x64xi32>
    %convert_element_type3A_97 = arith.extui %eq3A_96 : vector<512x64xi1> to vector<512x64xi32>
    %convert_element_type3A_98 = arith.sitofp %convert_element_type3A_97 : vector<512x64xi32> to vector<512x64xf32>
    %eq3A_99 = vector.broadcast %broadcast_in_dim3A_67 : vector<512x1xi32> to vector<512x64xi32>
    %eq3A_100 = arith.cmpi eq, %iota3A, %eq3A_99 : vector<512x64xi32>
    %convert_element_type3A_101 = arith.extui %eq3A_100 : vector<512x64xi1> to vector<512x64xi32>
    %convert_element_type3A_102 = arith.sitofp %convert_element_type3A_101 : vector<512x64xi32> to vector<512x64xf32>
    %add3A_103 = arith.addf %convert_element_type3A_90, %convert_element_type3A_94 : vector<512x64xf32>
    %add3A_104 = arith.addf %add3A_103, %convert_element_type3A_98 : vector<512x64xf32>
    %add3A_105 = arith.addf %add3A_104, %convert_element_type3A_102 : vector<512x64xf32>
    %iota3A_106 = tpu.iota {dimensions = array<i32: 0>} : vector<512x512xi32>
    %iota3A_107 = tpu.iota {dimensions = array<i32: 1>} : vector<512x512xi32>
    %lt3A = arith.cmpi slt, %iota3A_107, %iota3A_106 : vector<512x512xi32>
    %convert_element_type3A_108 = arith.extui %lt3A : vector<512x512xi1> to vector<512x512xi32>
    %convert_element_type3A_109 = arith.sitofp %convert_element_type3A_108 : vector<512x512xi32> to vector<512x512xf32>
    %dot_general3A_110 = arith.constant dense<0.000000e+00> : vector<512x64xf32>
    %dot_general3A_111 = tpu.matmul %convert_element_type3A_109, %add3A_105, %dot_general3A_110 {dimension_numbers = #tpu.dot_dimension_numbers<[1], [0], [0], [1], [0, 0, 1, 1], [], []>, transpose_lhs_hint = false} : vector<512x512xf32>, vector<512x64xf32>, vector<512x64xf32> -> vector<512x64xf32>
    %get3A_112 = arith.constant 0 : index
    %get3A_113 = arith.constant 0 : index
    %get3A_114 = vector.load %arg9[%get3A_112, %get3A_113] : memref<8x64xf32, #tpu.memory_space<vmem>>, vector<1x64xf32>
    %add3A_115 = vector.broadcast %get3A_114 : vector<1x64xf32> to vector<512x64xf32>
    %add3A_116 = arith.addf %dot_general3A_111, %add3A_115 : vector<512x64xf32>
    %mul3A = arith.mulf %convert_element_type3A_90, %add3A_116 : vector<512x64xf32>
    %reduce_sum3A = arith.constant dense<0.000000e+00> : vector<512xf32>
    %reduce_sum3A_117 = vector.multi_reduction <add>, %mul3A, %reduce_sum3A [1] : vector<512x64xf32> to vector<512xf32>
    %broadcast_in_dim3A_118 = vector.shape_cast %reduce_sum3A_117 : vector<512xf32> to vector<512x1xf32>
    %mul3A_119 = arith.mulf %convert_element_type3A_94, %add3A_116 : vector<512x64xf32>
    %reduce_sum3A_120 = arith.constant dense<0.000000e+00> : vector<512xf32>
    %reduce_sum3A_121 = vector.multi_reduction <add>, %mul3A_119, %reduce_sum3A_120 [1] : vector<512x64xf32> to vector<512xf32>
    %broadcast_in_dim3A_122 = vector.shape_cast %reduce_sum3A_121 : vector<512xf32> to vector<512x1xf32>
    %mul3A_123 = arith.mulf %convert_element_type3A_98, %add3A_116 : vector<512x64xf32>
    %reduce_sum3A_124 = arith.constant dense<0.000000e+00> : vector<512xf32>
    %reduce_sum3A_125 = vector.multi_reduction <add>, %mul3A_123, %reduce_sum3A_124 [1] : vector<512x64xf32> to vector<512xf32>
    %broadcast_in_dim3A_126 = vector.shape_cast %reduce_sum3A_125 : vector<512xf32> to vector<512x1xf32>
    %mul3A_127 = arith.mulf %convert_element_type3A_102, %add3A_116 : vector<512x64xf32>
    %reduce_sum3A_128 = arith.constant dense<0.000000e+00> : vector<512xf32>
    %reduce_sum3A_129 = vector.multi_reduction <add>, %mul3A_127, %reduce_sum3A_128 [1] : vector<512x64xf32> to vector<512xf32>
    %broadcast_in_dim3A_130 = vector.shape_cast %reduce_sum3A_129 : vector<512xf32> to vector<512x1xf32>
    %concatenate3A_131 = tpu.concatenate %broadcast_in_dim3A_118, %broadcast_in_dim3A_122, %broadcast_in_dim3A_126, %broadcast_in_dim3A_130 in 1 : vector<512x1xf32>, vector<512x1xf32>, vector<512x1xf32>, vector<512x1xf32> -> vector<512x4xf32>
    %convert_element_type3A_132 = arith.fptosi %concatenate3A_131 : vector<512x4xf32> to vector<512x4xi32>
    %swap3A_133 = arith.constant 0 : index
    %swap3A_134 = arith.constant 0 : index
    %swap3A_135 = vector.load %arg7[%swap3A_133, %swap3A_134] : memref<512x4xi32, #tpu.memory_space<vmem>>, vector<512x4xi32>
    tpu.vector_store %arg7[%swap3A_133, %swap3A_134], %convert_element_type3A_132 {strides = array<i32>} : memref<512x4xi32, #tpu.memory_space<vmem>>, vector<512x4xi32>,
    %get3A_136 = arith.constant 0 : index
    %get3A_137 = arith.constant 0 : index
    %get3A_138 = vector.load %arg9[%get3A_136, %get3A_137] : memref<8x64xf32, #tpu.memory_space<vmem>>, vector<1x64xf32>
    %reduce_sum3A_139 = arith.constant dense<0.000000e+00> : vector<64xf32>
    %reduce_sum3A_140 = vector.multi_reduction <add>, %add3A_105, %reduce_sum3A_139 [0] : vector<512x64xf32> to vector<64xf32>
    %broadcast_in_dim3A_141 = vector.shape_cast %reduce_sum3A_140 : vector<64xf32> to vector<1x64xf32>
    %add3A_142 = arith.addf %get3A_138, %broadcast_in_dim3A_141 : vector<1x64xf32>
    %swap3A_143 = arith.constant 0 : index
    %swap3A_144 = arith.constant 0 : index
    %swap3A_145 = vector.load %arg9[%swap3A_143, %swap3A_144] : memref<8x64xf32, #tpu.memory_space<vmem>>, vector<1x64xf32>
    tpu.vector_store %arg9[%swap3A_143, %swap3A_144], %add3A_142 {strides = array<i32>} : memref<8x64xf32, #tpu.memory_space<vmem>>, vector<1x64xf32>,
    %convert_element_type3A_146 = arith.fptosi %add3A_142 : vector<1x64xf32> to vector<1x64xi32>
    %swap3A_147 = arith.constant 0 : index
    %swap3A_148 = arith.constant 0 : index
    %swap3A_149 = vector.load %arg8[%swap3A_147, %swap3A_148] : memref<1x64xi32, #tpu.memory_space<vmem>>, vector<1x64xi32>
    tpu.vector_store %arg8[%swap3A_147, %swap3A_148], %convert_element_type3A_146 {strides = array<i32>} : memref<1x64xi32, #tpu.memory_space<vmem>>, vector<1x64xi32>,
    return
  }
  func.func @transform_0(%arg0: i32) -> (i32, i32) {
    %c0_i32 = arith.constant 0 : i32
    %c0_i32_0 = arith.constant 0 : i32
    return %arg0, %c0_i32 : i32, i32
  }
  func.func @transform_1(%arg0: i32) -> (i32, i32) {
    %c0_i32 = arith.constant 0 : i32
    %c0_i32_0 = arith.constant 0 : i32
    %c0_i32_1 = arith.constant 0 : i32
    return %c0_i32, %c0_i32_0 : i32, i32
  }
  func.func @transform_2(%arg0: i32) -> (i32, i32) {
    %c0_i32 = arith.constant 0 : i32
    %c0_i32_0 = arith.constant 0 : i32
    %c0_i32_1 = arith.constant 0 : i32
    return %c0_i32, %c0_i32_0 : i32, i32
  }
  func.func @transform_3(%arg0: i32) -> (i32, i32) {
    %c0_i32 = arith.constant 0 : i32
    %c0_i32_0 = arith.constant 0 : i32
    return %arg0, %c0_i32 : i32, i32
  }
  func.func @transform_4(%arg0: i32) -> (i32, i32) {
    %c0_i32 = arith.constant 0 : i32
    %c0_i32_0 = arith.constant 0 : i32
    return %arg0, %c0_i32 : i32, i32
  }
  func.func @transform_5(%arg0: i32) -> (i32, i32) {
    %c0_i32 = arith.constant 0 : i32
    %c0_i32_0 = arith.constant 0 : i32
    return %arg0, %c0_i32 : i32, i32
  }
  func.func @transform_6(%arg0: i32) -> (i32, i32) {
    %c0_i32 = arith.constant 0 : i32
    %c0_i32_0 = arith.constant 0 : i32
    return %arg0, %c0_i32 : i32, i32
  }
  func.func @transform_7(%arg0: i32) -> (i32, i32) {
    %c0_i32 = arith.constant 0 : i32
    %c0_i32_0 = arith.constant 0 : i32
    %c0_i32_1 = arith.constant 0 : i32
    return %c0_i32, %c0_i32_0 : i32, i32
  }
}

module attributes {stable_mosaic.version = 14 : i64} {
  func.func @_ffn_body(%arg0: i32, %arg1: memref<120xi32, #tpu.memory_space<smem>>, %arg2: memref<120xi32, #tpu.memory_space<smem>>, %arg3: memref<120xi32, #tpu.memory_space<smem>>, %arg4: memref<288x768xf32, #tpu.memory_space<vmem>>, %arg5: memref<1x768x768xf32, #tpu.memory_space<vmem>>, %arg6: memref<1x1x768xf32, #tpu.memory_space<vmem>>, %arg7: memref<1x768x768xf32, #tpu.memory_space<vmem>>, %arg8: memref<1x1x768xf32, #tpu.memory_space<vmem>>, %arg9: memref<288x768xf32, #tpu.memory_space<vmem>>) attributes {dimension_semantics = [#tpu.dimension_semantics<arbitrary>], iteration_bounds = array<i64: 120>, scalar_prefetch = 3 : i64, scratch_operands = 0 : i64, tpu.core_type = #tpu.core_type<tc>, window_params = [{transform_indices = @transform_0, window_bounds = array<i64: 288, 768>}, {transform_indices = @transform_1, window_bounds = array<i64: 1, 768, 768>}, {transform_indices = @transform_2, window_bounds = array<i64: 1, 1, 768>}, {transform_indices = @transform_3, window_bounds = array<i64: 1, 768, 768>}, {transform_indices = @transform_4, window_bounds = array<i64: 1, 1, 768>}, {transform_indices = @transform_5, window_bounds = array<i64: 288, 768>}]} {
    %get3A = arith.index_cast %arg0 : i32 to index
    %get3A_0 = memref.load %arg3[%get3A] : memref<120xi32, #tpu.memory_space<smem>>
    %eq3A = arith.constant 1 : i32
    %eq3A_1 = arith.cmpi eq, %get3A_0, %eq3A : i32
    %convert_element_type3A = arith.extui %eq3A_1 : i1 to i32
    %cond3A = arith.constant 0 : i32
    %cond3A_2 = arith.cmpi ne, %convert_element_type3A, %cond3A : i32
    scf.if %cond3A_2 {
      %get3A_3 = arith.constant 0 : index
      %get3A_4 = arith.constant 0 : index
      %get3A_5 = vector.load %arg4[%get3A_3, %get3A_4] : memref<288x768xf32, #tpu.memory_space<vmem>>, vector<288x768xf32>
      %get3A_6 = arith.constant 0 : index
      %get3A_7 = arith.constant 0 : index
      %get3A_8 = arith.constant 0 : index
      %get3A_9 = vector.load %arg5[%get3A_6, %get3A_7, %get3A_8] : memref<1x768x768xf32, #tpu.memory_space<vmem>>, vector<1x768x768xf32>
      %get3A_10 = vector.shape_cast %get3A_9 : vector<1x768x768xf32> to vector<768x768xf32>
      %dot_general3A = arith.constant dense<0.000000e+00> : vector<288x768xf32>
      %dot_general3A_11 = tpu.matmul %get3A_5, %get3A_10, %dot_general3A {dimension_numbers = #tpu.dot_dimension_numbers<[1], [1], [0], [0], [0, 0, 1, 0], [], []>, transpose_lhs_hint = false} : vector<288x768xf32>, vector<768x768xf32>, vector<288x768xf32> -> vector<288x768xf32>
      %get3A_12 = arith.constant 0 : index
      %get3A_13 = arith.constant 0 : index
      %get3A_14 = arith.constant 0 : index
      %get3A_15 = vector.load %arg6[%get3A_12, %get3A_13, %get3A_14] : memref<1x1x768xf32, #tpu.memory_space<vmem>>, vector<1x1x768xf32>
      %get3A_16 = vector.shape_cast %get3A_15 : vector<1x1x768xf32> to vector<1x768xf32>
      %add3A = vector.broadcast %get3A_16 : vector<1x768xf32> to vector<288x768xf32>
      %add3A_17 = arith.addf %dot_general3A_11, %add3A : vector<288x768xf32>
      %mul3A = arith.constant 5.000000e-01 : f32
      %mul3A_18 = vector.broadcast %mul3A : f32 to vector<288x768xf32>
      %mul3A_19 = arith.mulf %mul3A_18, %add3A_17 : vector<288x768xf32>
      %mul3A_20 = arith.constant 0.707106769 : f32
      %mul3A_21 = vector.broadcast %mul3A_20 : f32 to vector<288x768xf32>
      %mul3A_22 = arith.mulf %add3A_17, %mul3A_21 : vector<288x768xf32>
      %erf3A = math.erf %mul3A_22 : vector<288x768xf32>
      %add3A_23 = arith.constant 1.000000e+00 : f32
      %add3A_24 = vector.broadcast %add3A_23 : f32 to vector<288x768xf32>
      %add3A_25 = arith.addf %add3A_24, %erf3A : vector<288x768xf32>
      %mul3A_26 = arith.mulf %mul3A_19, %add3A_25 : vector<288x768xf32>
      %get3A_27 = arith.constant 0 : index
      %get3A_28 = arith.constant 0 : index
      %get3A_29 = arith.constant 0 : index
      %get3A_30 = vector.load %arg7[%get3A_27, %get3A_28, %get3A_29] : memref<1x768x768xf32, #tpu.memory_space<vmem>>, vector<1x768x768xf32>
      %get3A_31 = vector.shape_cast %get3A_30 : vector<1x768x768xf32> to vector<768x768xf32>
      %dot_general3A_32 = arith.constant dense<0.000000e+00> : vector<288x768xf32>
      %dot_general3A_33 = tpu.matmul %mul3A_26, %get3A_31, %dot_general3A_32 {dimension_numbers = #tpu.dot_dimension_numbers<[1], [1], [0], [0], [0, 0, 1, 0], [], []>, transpose_lhs_hint = false} : vector<288x768xf32>, vector<768x768xf32>, vector<288x768xf32> -> vector<288x768xf32>
      %get3A_34 = arith.constant 0 : index
      %get3A_35 = arith.constant 0 : index
      %get3A_36 = arith.constant 0 : index
      %get3A_37 = vector.load %arg8[%get3A_34, %get3A_35, %get3A_36] : memref<1x1x768xf32, #tpu.memory_space<vmem>>, vector<1x1x768xf32>
      %get3A_38 = vector.shape_cast %get3A_37 : vector<1x1x768xf32> to vector<1x768xf32>
      %add3A_39 = vector.broadcast %get3A_38 : vector<1x768xf32> to vector<288x768xf32>
      %add3A_40 = arith.addf %dot_general3A_33, %add3A_39 : vector<288x768xf32>
      %swap3A = arith.constant 0 : index
      %swap3A_41 = arith.constant 0 : index
      %swap3A_42 = vector.load %arg9[%swap3A, %swap3A_41] : memref<288x768xf32, #tpu.memory_space<vmem>>, vector<288x768xf32>
      tpu.vector_store %arg9[%swap3A, %swap3A_41], %add3A_40 {strides = array<i32>} : memref<288x768xf32, #tpu.memory_space<vmem>>, vector<288x768xf32>,
    } else {
    }
    return
  }
  func.func @transform_0(%arg0: i32, %arg1: memref<120xi32, #tpu.memory_space<smem>>, %arg2: memref<120xi32, #tpu.memory_space<smem>>, %arg3: memref<120xi32, #tpu.memory_space<smem>>) -> (i32, i32) {
    %get3A = arith.index_cast %arg0 : i32 to index
    %get3A_0 = memref.load %arg1[%get3A] : memref<120xi32, #tpu.memory_space<smem>>
    %c0_i32 = arith.constant 0 : i32
    %c0_i32_1 = arith.constant 0 : i32
    return %get3A_0, %c0_i32 : i32, i32
  }
  func.func @transform_1(%arg0: i32, %arg1: memref<120xi32, #tpu.memory_space<smem>>, %arg2: memref<120xi32, #tpu.memory_space<smem>>, %arg3: memref<120xi32, #tpu.memory_space<smem>>) -> (i32, i32, i32) {
    %get3A = arith.index_cast %arg0 : i32 to index
    %get3A_0 = memref.load %arg2[%get3A] : memref<120xi32, #tpu.memory_space<smem>>
    %c0_i32 = arith.constant 0 : i32
    %c0_i32_1 = arith.constant 0 : i32
    %c0_i32_2 = arith.constant 0 : i32
    return %get3A_0, %c0_i32, %c0_i32_1 : i32, i32, i32
  }
  func.func @transform_2(%arg0: i32, %arg1: memref<120xi32, #tpu.memory_space<smem>>, %arg2: memref<120xi32, #tpu.memory_space<smem>>, %arg3: memref<120xi32, #tpu.memory_space<smem>>) -> (i32, i32, i32) {
    %get3A = arith.index_cast %arg0 : i32 to index
    %get3A_0 = memref.load %arg2[%get3A] : memref<120xi32, #tpu.memory_space<smem>>
    %c0_i32 = arith.constant 0 : i32
    %c0_i32_1 = arith.constant 0 : i32
    %c0_i32_2 = arith.constant 0 : i32
    return %get3A_0, %c0_i32, %c0_i32_1 : i32, i32, i32
  }
  func.func @transform_3(%arg0: i32, %arg1: memref<120xi32, #tpu.memory_space<smem>>, %arg2: memref<120xi32, #tpu.memory_space<smem>>, %arg3: memref<120xi32, #tpu.memory_space<smem>>) -> (i32, i32, i32) {
    %get3A = arith.index_cast %arg0 : i32 to index
    %get3A_0 = memref.load %arg2[%get3A] : memref<120xi32, #tpu.memory_space<smem>>
    %c0_i32 = arith.constant 0 : i32
    %c0_i32_1 = arith.constant 0 : i32
    %c0_i32_2 = arith.constant 0 : i32
    return %get3A_0, %c0_i32, %c0_i32_1 : i32, i32, i32
  }
  func.func @transform_4(%arg0: i32, %arg1: memref<120xi32, #tpu.memory_space<smem>>, %arg2: memref<120xi32, #tpu.memory_space<smem>>, %arg3: memref<120xi32, #tpu.memory_space<smem>>) -> (i32, i32, i32) {
    %get3A = arith.index_cast %arg0 : i32 to index
    %get3A_0 = memref.load %arg2[%get3A] : memref<120xi32, #tpu.memory_space<smem>>
    %c0_i32 = arith.constant 0 : i32
    %c0_i32_1 = arith.constant 0 : i32
    %c0_i32_2 = arith.constant 0 : i32
    return %get3A_0, %c0_i32, %c0_i32_1 : i32, i32, i32
  }
  func.func @transform_5(%arg0: i32, %arg1: memref<120xi32, #tpu.memory_space<smem>>, %arg2: memref<120xi32, #tpu.memory_space<smem>>, %arg3: memref<120xi32, #tpu.memory_space<smem>>) -> (i32, i32) {
    %get3A = arith.index_cast %arg0 : i32 to index
    %get3A_0 = memref.load %arg1[%get3A] : memref<120xi32, #tpu.memory_space<smem>>
    %c0_i32 = arith.constant 0 : i32
    %c0_i32_1 = arith.constant 0 : i32
    return %get3A_0, %c0_i32 : i32, i32
  }
}

module attributes {stable_mosaic.version = 14 : i64} {
  func.func @_combine_body(%arg0: i32, %arg1: memref<512x768xf32, #tpu.memory_space<vmem>>, %arg2: memref<512x768xf32, #tpu.memory_space<vmem>>, %arg3: memref<512x768xf32, #tpu.memory_space<vmem>>, %arg4: memref<512x768xf32, #tpu.memory_space<vmem>>, %arg5: memref<512x4xf32, #tpu.memory_space<vmem>>, %arg6: memref<512x768xf32, #tpu.memory_space<vmem>>) attributes {dimension_semantics = [#tpu.dimension_semantics<arbitrary>], iteration_bounds = array<i64: 8>, scalar_prefetch = 0 : i64, scratch_operands = 0 : i64, tpu.core_type = #tpu.core_type<tc>, window_params = [{transform_indices = @transform_0, window_bounds = array<i64: 512, 768>}, {transform_indices = @transform_1, window_bounds = array<i64: 512, 768>}, {transform_indices = @transform_2, window_bounds = array<i64: 512, 768>}, {transform_indices = @transform_3, window_bounds = array<i64: 512, 768>}, {transform_indices = @transform_4, window_bounds = array<i64: 512, 4>}, {transform_indices = @transform_5, window_bounds = array<i64: 512, 768>}]} {
    %get3A = arith.constant 0 : index
    %get3A_0 = arith.constant 0 : index
    %get3A_1 = vector.load %arg5[%get3A, %get3A_0] : memref<512x4xf32, #tpu.memory_space<vmem>>, vector<512x4xf32>
    %get3A_2 = arith.constant 0 : index
    %get3A_3 = arith.constant 0 : index
    %get3A_4 = vector.load %arg1[%get3A_2, %get3A_3] : memref<512x768xf32, #tpu.memory_space<vmem>>, vector<512x768xf32>
    %slice3A = vector.extract_strided_slice %get3A_1 {offsets = [0, 0], sizes = [512, 1], strides = [1, 1]} : vector<512x4xf32> to vector<512x1xf32>
    %mul3A = vector.broadcast %slice3A : vector<512x1xf32> to vector<512x768xf32>
    %mul3A_5 = arith.mulf %get3A_4, %mul3A : vector<512x768xf32>
    %get3A_6 = arith.constant 0 : index
    %get3A_7 = arith.constant 0 : index
    %get3A_8 = vector.load %arg2[%get3A_6, %get3A_7] : memref<512x768xf32, #tpu.memory_space<vmem>>, vector<512x768xf32>
    %slice3A_9 = vector.extract_strided_slice %get3A_1 {offsets = [0, 1], sizes = [512, 1], strides = [1, 1]} : vector<512x4xf32> to vector<512x1xf32>
    %mul3A_10 = vector.broadcast %slice3A_9 : vector<512x1xf32> to vector<512x768xf32>
    %mul3A_11 = arith.mulf %get3A_8, %mul3A_10 : vector<512x768xf32>
    %add3A = arith.addf %mul3A_5, %mul3A_11 : vector<512x768xf32>
    %get3A_12 = arith.constant 0 : index
    %get3A_13 = arith.constant 0 : index
    %get3A_14 = vector.load %arg3[%get3A_12, %get3A_13] : memref<512x768xf32, #tpu.memory_space<vmem>>, vector<512x768xf32>
    %slice3A_15 = vector.extract_strided_slice %get3A_1 {offsets = [0, 2], sizes = [512, 1], strides = [1, 1]} : vector<512x4xf32> to vector<512x1xf32>
    %mul3A_16 = vector.broadcast %slice3A_15 : vector<512x1xf32> to vector<512x768xf32>
    %mul3A_17 = arith.mulf %get3A_14, %mul3A_16 : vector<512x768xf32>
    %add3A_18 = arith.addf %add3A, %mul3A_17 : vector<512x768xf32>
    %get3A_19 = arith.constant 0 : index
    %get3A_20 = arith.constant 0 : index
    %get3A_21 = vector.load %arg4[%get3A_19, %get3A_20] : memref<512x768xf32, #tpu.memory_space<vmem>>, vector<512x768xf32>
    %slice3A_22 = vector.extract_strided_slice %get3A_1 {offsets = [0, 3], sizes = [512, 1], strides = [1, 1]} : vector<512x4xf32> to vector<512x1xf32>
    %mul3A_23 = vector.broadcast %slice3A_22 : vector<512x1xf32> to vector<512x768xf32>
    %mul3A_24 = arith.mulf %get3A_21, %mul3A_23 : vector<512x768xf32>
    %add3A_25 = arith.addf %add3A_18, %mul3A_24 : vector<512x768xf32>
    %swap3A = arith.constant 0 : index
    %swap3A_26 = arith.constant 0 : index
    %swap3A_27 = vector.load %arg6[%swap3A, %swap3A_26] : memref<512x768xf32, #tpu.memory_space<vmem>>, vector<512x768xf32>
    tpu.vector_store %arg6[%swap3A, %swap3A_26], %add3A_25 {strides = array<i32>} : memref<512x768xf32, #tpu.memory_space<vmem>>, vector<512x768xf32>,
    return
  }
  func.func @transform_0(%arg0: i32) -> (i32, i32) {
    %add3A = arith.constant 0 : i32
    %add3A_0 = arith.addi %arg0, %add3A : i32
    %c0_i32 = arith.constant 0 : i32
    %c0_i32_1 = arith.constant 0 : i32
    return %add3A_0, %c0_i32 : i32, i32
  }
  func.func @transform_1(%arg0: i32) -> (i32, i32) {
    %add3A = arith.constant 8 : i32
    %add3A_0 = arith.addi %arg0, %add3A : i32
    %c0_i32 = arith.constant 0 : i32
    %c0_i32_1 = arith.constant 0 : i32
    return %add3A_0, %c0_i32 : i32, i32
  }
  func.func @transform_2(%arg0: i32) -> (i32, i32) {
    %add3A = arith.constant 16 : i32
    %add3A_0 = arith.addi %arg0, %add3A : i32
    %c0_i32 = arith.constant 0 : i32
    %c0_i32_1 = arith.constant 0 : i32
    return %add3A_0, %c0_i32 : i32, i32
  }
  func.func @transform_3(%arg0: i32) -> (i32, i32) {
    %add3A = arith.constant 24 : i32
    %add3A_0 = arith.addi %arg0, %add3A : i32
    %c0_i32 = arith.constant 0 : i32
    %c0_i32_1 = arith.constant 0 : i32
    return %add3A_0, %c0_i32 : i32, i32
  }
  func.func @transform_4(%arg0: i32) -> (i32, i32) {
    %c0_i32 = arith.constant 0 : i32
    %c0_i32_0 = arith.constant 0 : i32
    return %arg0, %c0_i32 : i32, i32
  }
  func.func @transform_5(%arg0: i32) -> (i32, i32) {
    %c0_i32 = arith.constant 0 : i32
    %c0_i32_0 = arith.constant 0 : i32
    return %arg0, %c0_i32 : i32, i32
  }
}

</mosaic_0001>

<sc_bundles>
// kernel: kernel.10.cloned.1.call-start
scs
__scs_entry_jumppad:
0x0: {  	(pc) =	sbr.rel $0x88, $3  }
0x1: {  	(tag) =	ssettag $0x0;
	lr =	simm.s32 $0x1  }
0x2: {  	[smem:$0x3F9A] =	sst lr;
	_ =	strace $0xD0000000  }
0x3: {  	_ = 	snop  }
0x4: {  	_ = 	snop  }
0x5: {  	_ = 	snop  }
0x6: {  	_ = 	snop  }
0x7: {  	_ = 	snop  }
__scs_overlays_trampoline_lowered:
0x8: {  	[smem:$0x3FA9] =	sst s0  }
0x9: {  	[smem:$0x3FAA] =	sst s1  }
0xa: {  	[smem:$0x3FAB] =	sst s2  }
0xb: {  	[smem:$0x3FAC] =	sst s3  }
0xc: {  	[smem:$0x3FAD] =	sst s4  }
0xd: {  	[smem:$0x3FAE] =	sst s5  }
0xe: {  	[smem:$0x3FAF] =	sst s6  }
0xf: {  	[smem:$0x3FB0] =	sst s7  }
0x10: {  	[smem:$0x3FB1] =	sst s8  }
0x11: {  	[smem:$0x3FB2] =	sst s9;
	s0 =	simm.s32 @!p0 $0x0  }
0x12: {  	s1 =	sld [smem:$0x3F98];
	s0 =	simm.s32 @p0 $0x1  }
0x13: {  	[smem:$0x3FB3] =	sst s0;
	s0 =	simm.s32 @!p1 $0x0  }
0x14: {  	s2 =	sld [smem:$0x3F97];
	s0 =	simm.s32 @p1 $0x1  }
0x15: {  	[smem:$0x3FB4] =	sst s0;
	s0 =	simm.s32 @!p2 $0x0  }
0x16: {  	s3 =	sld [smem:$0x3FDB];
	s0 =	simm.s32 @p2 $0x1  }
0x17: {  	s4 =	simm.s32 $0x1BF5;
	[smem:$0x3FB6] =	sst s0  }
0x18: {  	s0 =	sld [smem:$0x3F99];
	_ =	swait.ge [sflag:s4], $0x0  }
0x19: {  	s7 =	sld [smem:$0x3F9A]  }
0x1a: {  	s8 =	sadd.s32 $0xFFFFE003, lr  }
0x1b: {  	s9 =	sadd.s32 $0xFFFFFEF7, lr;
	s5 =	simm.s32 $0xFFFFFFFF;
	p2 =	slt.u32 s8, $0xFFFFF086  }
0x1c: {  	p1 =	slt.u32 s9, $0xF7A;
	s5 =	simm.s32 @!p2 $0x0  }
0x1d: {  	s5 =	simm.s32 @p1 $0x1;
	p0 =	seq.s32 s7, s2  }
0x1e: {  	s7 =	smul.u32 @!p0 $0xF7A, s2;
	p2 =	seq.s32 @!p0 s5, $0x0  }
0x1f: {  	s9 =	smul.u32 $0xF7A, s1;
	s8 =	simm.s32 @!p0 $0x1BF5;
	p2 =	por !p2, p0  }
0x20: {  	[sflag:s8] =	ssyncset.s32 @!p0 $0xFFFFF086;
	s6 =	sadd.s32 @!p0 s3, s7;
	s7 =	simm.s32 @!p0 $0x108  }
0x21: {  	s3 =	sadd.s32 s3, s9;
	s6 =	sadd.s32 @!p0 $0x88, s6;
	s7 =	simm.s32 @p2 $0x1082  }
0x22: {  	[simem:s7], [sflag:s8] =	dma.local @!p0 [hbm:s6], $0xF7A  }
0x23: {  	s9 =	sor.u32 $0xD0000000, s2;
	s6 =	simm.s32 $0x108;
	_ =	swait.ge @!p0 [sflag:s8], $0x0  }
0x24: {  	s3 =	sadd.s32 $0x88, s3;
	s6 =	simm.s32 @!p1 $0x1082;
	[sflag:s4] =	ssyncset.s32 $0xFFFFF086  }
0x25: {  	[simem:s6], [sflag:s4] =	dma.local [hbm:s3], $0xF7A  }
0x26: {  	[smem:$0x3F9A] =	sst s1;
	(tag) =	ssettag s2;
	_ =	strace s9  }
0x27: {  	s1 =	sld [smem:$0x3FAA]  }
0x28: {  	s2 =	sld [smem:$0x3FAB]  }
0x29: {  	s4 =	sld [smem:$0x3FAD]  }
0x2a: {  	p0 =	seq.s32 s5, $0x0;
	s5 =	sld [smem:$0x3FAE]  }
0x2b: {  	s6 =	sld [smem:$0x3FAF]  }
0x2c: {  	s7 =	sld [smem:$0x3FB0]  }
0x2d: {  	s3 =	simm.s32 $0x108;
	s8 =	sld [smem:$0x3FB1]  }
0x2e: {  	s3 =	simm.s32 @!p0 $0x1082;
	s9 =	sld [smem:$0x3FB2]  }
0x2f: {  	lr =	sadd.s32 s0, s3;
	s0 =	sld [smem:$0x3FA9]  }
0x30: {  	s3 =	sld [smem:$0x3FAC]  }
0x31: {  	[smem:$0x3FB5] =	sst s10  }
0x32: {  	s10 =	sld [smem:$0x3FB3];
	_ =	sdelay $0x3  }
0x33: {  	p0 =	seq.s32 s10, $0x1;
	s10 =	sld [smem:$0x3FB5];
	_ =	sdelay $0x3  }
0x34: {  	[smem:$0x3FB5] =	sst s10  }
0x35: {  	s10 =	sld [smem:$0x3FB4];
	_ =	sdelay $0x3  }
0x36: {  	p1 =	seq.s32 s10, $0x1;
	s10 =	sld [smem:$0x3FB5];
	_ =	sdelay $0x3  }
0x37: {  	[smem:$0x3FB5] =	sst s10  }
0x38: {  	s10 =	sld [smem:$0x3FB6]  }
0x39: {  	_ = 	snop;
	(pc) =	sbr.ind lr, $3  }
0x3a: {  	_ = 	snop  }
0x3b: {  	_ = 	snop  }
0x3c: {  	p2 =	seq.s32 s10, $0x1;
	s10 =	sld [smem:$0x3FB5]  }
0x3d: {  	_ =	shalt  }
0x3e: {  	_ =	shalt  }
0x3f: {  	_ =	shalt  }
0x40: {  	_ =	shalt  }
0x41: {  	_ =	shalt  }
0x42: {  	_ =	shalt  }
0x43: {  	_ =	shalt  }
0x44: {  	_ =	shalt  }
0x45: {  	_ =	shalt  }
0x46: {  	_ =	shalt  }
0x47: {  	_ =	shalt  }
0x48: {  	_ =	shalt  }
0x49: {  	_ =	shalt  }
0x4a: {  	_ =	shalt  }
0x4b: {  	_ =	shalt  }
0x4c: {  	_ =	shalt  }
0x4d: {  	_ =	shalt  }
0x4e: {  	_ =	shalt  }
0x4f: {  	_ =	shalt  }
0x50: {  	_ =	shalt  }
0x51: {  	_ =	shalt  }
0x52: {  	_ =	shalt  }
0x53: {  	_ =	shalt  }
0x54: {  	_ =	shalt  }
0x55: {  	_ =	shalt  }
0x56: {  	_ =	shalt  }
0x57: {  	_ =	shalt  }
0x58: {  	_ =	shalt  }
0x59: {  	_ =	shalt  }
0x5a: {  	_ =	shalt  }
0x5b: {  	_ =	shalt  }
0x5c: {  	_ =	shalt  }
0x5d: {  	_ =	shalt  }
0x5e: {  	_ =	shalt  }
0x5f: {  	_ =	shalt  }
0x60: {  	_ =	shalt  }
0x61: {  	_ =	shalt  }
0x62: {  	_ =	shalt  }
0x63: {  	_ =	shalt  }
0x64: {  	_ =	shalt  }
0x65: {  	_ =	shalt  }
0x66: {  	_ =	shalt  }
0x67: {  	_ =	shalt  }
0x68: {  	_ =	shalt  }
0x69: {  	_ =	shalt  }
0x6a: {  	_ =	shalt  }
0x6b: {  	_ =	shalt  }
0x6c: {  	_ =	shalt  }
0x6d: {  	_ =	shalt  }
0x6e: {  	_ =	shalt  }
0x6f: {  	_ =	shalt  }
0x70: {  	_ =	shalt  }
0x71: {  	_ =	shalt  }
0x72: {  	_ =	shalt  }
0x73: {  	_ =	shalt  }
0x74: {  	_ =	shalt  }
0x75: {  	_ =	shalt  }
0x76: {  	_ =	shalt  }
0x77: {  	_ =	shalt  }
0x78: {  	_ =	shalt  }
0x79: {  	_ =	shalt  }
0x7a: {  	_ =	shalt  }
0x7b: {  	_ =	shalt  }
0x7c: {  	_ =	shalt  }
0x7d: {  	_ =	shalt  }
0x7e: {  	_ =	shalt  }
0x7f: {  	_ =	shalt  }
0x80: {  	_ =	shalt  }
0x81: {  	_ =	shalt  }
0x82: {  	_ =	shalt  }
0x83: {  	_ =	shalt  }
0x84: {  	_ =	shalt  }
0x85: {  	_ =	shalt  }
0x86: {  	_ =	shalt  }
0x87: {  	_ =	shalt  }
.Lfunc_end0:
.L_simem_size_0:
called_computation.1_lowered:
.L_overlay_start_0:
0x88: {  	s2 =	sld [smem:$0x3FD9]  }
0x89: {  	s3 =	sld [smem:$0x3FFE];
	_ =	sdelay $0x1  }
0x8a: {  	s1 =	srdreg.scid  }
0x8b: {  	s0 =	sand.u32 $0x1, s1  }
0x8c: {  	s16 =	sshll.u32 s0, $0xA;
	s2 =	sadd.s32 s3, s2  }
0x8d: {  	s2 =	sadd.s32 s2, s16  }
0x8e: {  	[smem:$0x3FC1] =	sst s2  }
0x8f: {  	_ = 	snop  }
0x90: {  	(tm) =	ssettm $0x1  }
0x91: {  	s17 =	sld [smem:$0x3FFB];
	_ =	sdelay $0x3  }
0x92: {  	_ =	strace s17  }
0x93: {  	s2 =	sld [smem:$0x3FFC];
	_ =	sdelay $0x3  }
0x94: {  	_ =	strace s2  }
0x95: {  	s2 =	sld [smem:$0x3FFD];
	_ =	sdelay $0x3  }
0x96: {  	_ =	strace s2  }
0x97: {  	_ =	strace $0x8FFFFFFF  }
0x98: {  	s18 =	sld [smem:$0x3FDB];
	_ =	sdelay $0x1  }
0x99: {  	s19 =	simm.s32 $_scs_section_size  }
0x9a: {  	s4 =	simm.s32 $_size__tile_overlayer_lowered;
	s5 =	simm.s32 $_tile_overlayer_lowered  }
0x9b: {  	s22 =	simm.s32 $0x1BFF;
	s21 =	sshll.u32 s5, $0x1;
	s2 =	sadd.s32 s19, s18  }
0x9c: {  	s6 =	simm.s32 $0x0;
	s20 =	sshll.u32 s4, $0x1;
	s4 =	sadd.s32 s21, s2  }
0x9d: {  	[timem:s6], [sflag:s22] =	dma.local [hbm:s4], s20  }
0x9e: {  	_ =	swait.ge [sflag:s22], s20  }
0x9f: {  	s3 =	ssub.s32 $0x0, s20;
	[sflag:s22] =	ssyncset.done $0x0  }
0xa0: {  	[sflag:s22] =	ssyncadd.s32 s3;
	_ =	sdelay $0x1  }
0xa1: {  	s23 =	simm.s32 $0x1B8B  }
0xa2: {  	_ =	swait.ge [sflag:s23], $0x1  }
0xa3: {  	[sflag:s23] =	ssyncset.done $0x0  }
0xa4: {  	s25 =	simm.s32 $0x1B8E;
	s24 =	sld [smem:$0x3FFE];
	[sflag:s23] =	ssyncadd.s32 $0xFFFFFFFF  }
0xa5: {  	s26 =	simm.s32 $execute0_lowered;
	[smem:$0x3FD2] =	sst s25  }
0xa6: {  	s4 =	sshll.u32 s26, $0x1;
	_ =	strace $0x80000049;
	[dreg:$0x1] =	wrdreg $0xFFFFFFFF  }
0xa7: {  	s28 =	simm.s32 $_size_execute0_lowered;
	s2 =	sadd.s32 s2, s4;
	[dreg:$0x0] =	wrdreg $0x0  }
0xa8: {  	s4 =	sshll.u32 s28, $0x1;
	[dreg:$0x2] =	wrdreg s2  }
0xa9: {  	[dreg:$0x3] =	wrdreg s4  }
0xaa: {  	[dreg:$0x4] =	wrdreg $0xC0  }
0xab: {  	_ =	task [dreg:s6], $0x5FFFF  }
0xac: {  	[dreg:$0x1] =	wrdreg $0xFFFFFFFF  }
0xad: {  	[dreg:$0x0] =	wrdreg $0x60  }
0xae: {  	[dreg:$0x2] =	wrdreg s24  }
0xaf: {  	[dreg:$0x3] =	wrdreg $0x9  }
0xb0: {  	_ =	task.clear_ibuf [dreg:s6], $0x4FFFF;
	_ =	strace $0x90000049  }
0xb1: {  	s29 =	simm.s32 $0x9;
	_ =	strace $0x8000004B  }
0xb2: {  	_ =	swait.ge [sflag:s29], $0x1  }
0xb3: {  	[sflag:s29] =	ssyncadd.s32 $0xFFFFFFFF  }
0xb4: {  	_ =	strace $0x9000004B  }
0xb5: {  	_ =	sfence  }
0xb6: {  	s30 =	sld [smem:$0x0];
	_ =	sdelay $0x2  }
0xb7: {  	s31 =	sshll.u32 s1, $0xD;
	s1 =	sshrl.u32 s1, $0x2  }
0xb8: {  	s3 =	sand.u32 $0x4000, s31;
	s1 =	sadd.s32 s1, s30  }
0xb9: {  	s0 =	sor.u32 s3, s0;
	s1 =	sshll.u32 s1, $0x11  }
0xba: {  	s0 =	sor.u32 s1, s0  }
0xbb: {  	s0 =	sadd.s32 $0x8F2B, s0  }
0xbc: {  	[sflag:s0] =	ssyncadd.remote.s32 $0x1  }
0xbd: {  	_ =	sfence.sel $0xFFFF  }
0xbe: {  	[dreg:$0x0] =	wrdreg $0xFFFFFFFF;
	(pc) =	sbr.abs _section_cstart, $3  }
0xbf: {  	[dreg:$0x1] =	wrdreg $0xFFFFFFFF  }
0xc0: {  	_ =	task.clear_ibuf [dreg:s6], $0x2FFFF;
	_ =	strace $0x9FFFFFFF  }
0xc1: {  	(tm) =	ssettm $0x7FFFFFFF  }
tec
execute0_lowered:
.L_overlay_start_1:
0x0: {  	(tag) =	ssettag $0x1  }
0x1: {  	s0 =	rddreg [dreg:$0x0];
	s1 =	srdreg.scid;
	s2 =	simm.s32 $0x0  }
0x2: {  	s3 =	stileid.u32;
	s28 =	simm.s32 $0x80;
	s1 =	sand.u32 $0x1, s1  }
0x3: {  	[smem:$0x7FF] =	sst s2;
	s4 =	sshll.u32 s3, $0x7;
	s3 =	sadd.s32 $0x33B000, s0  }
0x4: {  	s20 =	sadd.s32 $0x10800, s0;
	s6 =	sadd.s32 $0x11000, s0;
	s5 =	sshll.u32 s1, $0x6  }
0x5: {  	_ =	strace $0x8000004A;
	s1 =	ssub.s32 $0x2, s1;
	s4 =	sor.u32 s5, s4  }
0x6: {  	s31 =	sshrl.u32 s1, $0x1;
	s5 =	sadd.s32 $0x33B200, s0;
	s7 =	smul.u32 $0x300, s4  }
0x7: {  	s8 =	sadd.s32 s20, s4;
	s9 =	sor.u32 $0x10, s4;
	s23 =	sor.u32 $0x20, s4  }
0x8: {  	s4 =	sor.u32 $0x30, s4;
	[dreg:$0x2] =	wrdreg s8;
	s22 =	sadd.s32 s20, s9  }
0x9: {  	s21 =	smul.u32 $0x300, s9;
	s26 =	sadd.s32 s20, s23;
	[dreg:$0x4] =	wrdreg s22  }
0xa: {  	s30 =	smul.u32 $0x300, s4;
	s4 =	sadd.s32 s20, s4;
	[dreg:$0x6] =	wrdreg s26  }
0xb: {  	s25 =	smul.u32 $0x300, s23;
	s7 =	sadd.s32 s6, s7;
	[dreg:$0x8] =	wrdreg s4  }
0xc: {  	s1 =	ssub.s32 s1, s31;
	[dreg:$0x3] =	wrdreg s7;
	s24 =	sadd.s32 s6, s21  }
0xd: {  	v2 =	vlaneseq.u32;
	s4 =	sadd.s32 $0x33B100, s0;
	s29 =	sadd.s32 s6, s25;
	[dreg:$0x5] =	wrdreg s24  }
0xe: {  	vm0 =	vmmov $0xffff;
	v1 =	vshrl.u32 v2, $0x3;
	s6 =	sadd.s32 s6, s30;
	s7 =	simm.s32 $0x2;
	[dreg:$0x7] =	wrdreg s29  }
0xf: {  	v0 =	vand.u32 $0x7, v2;
	v2 =	vor.u32 $0x8, v2;
	v1 =	vmul.u32 $0x8, v1;
	[dreg:$0x9] =	wrdreg s6;
	s6 =	smax.u32 s1, $0x1;
	s1 =	simm.s32 $0x1  }
.LBB2_1:
0x10: {  	s9 =	rddreg [dreg:$0x2]  }
0x11: {  	[tilespmem:s2], [sflag:$0x2] =	stream.linear.gather [hbm4b:s9+s2], $0x80, $0x38;
	[tilespmem:$0x18080] =	vst v63  }
0x12: {  	_ =	swait.ge [sflag:s7], $0x80  }
0x13: {  	[sflag:s7] =	ssyncset.done $0x0  }
0x14: {  	[sflag:s7] =	ssyncadd.s32 $0xFFFFFF80  }
0x15: {  	v3 =	vld [tilespmem:$0x0];
	_ =	sdelay $0x4  }
0x16: {  	v4 =	vshrl.u32 v3, $0x3  }
0x17: {  	v4 =	vmul.u32 $0x30, v4  }
0x18: {  	v3 =	vand.u32 $0x7, v3  }
0x19: {  	v3 =	vor.u32 v3, v4  }
0x1a: {  	v4 =	vperm.xlane v3, v0;
	_ =	sdelay $0x1  }
0x1b: {  	v4 =	vadd.s32 v1, v4;
	_ =	sdelay $0x3  }
0x1c: {  	v3 =	vperm.xlane v3, v2  }
0x1d: {  	[tilespmem:s28], [sflag:$0x1] =	stream.indirect_vreg.gather [hbm4b:s3+s2], $0x80, v4, vm0, $0xb8;
	[tilespmem:$0x18080] =	vst v63  }
0x1e: {  	s0 =	simm.s32 $0x880;
	v3 =	vadd.s32 v1, v3  }
0x1f: {  	[tilespmem:s0], [sflag:$0x1] =	stream.indirect_vreg.gather [hbm4b:s4+s2], $0x80, v4, vm0, $0xb8;
	[tilespmem:$0x18080] =	vst v63  }
0x20: {  	s15 =	simm.s32 $0x1080  }
0x21: {  	[tilespmem:s15], [sflag:$0x1] =	stream.indirect_vreg.gather [hbm4b:s5+s2], $0x80, v4, vm0, $0xb8;
	[tilespmem:$0x18080] =	vst v63  }
0x22: {  	s16 =	simm.s32 $0x1880  }
0x23: {  	[tilespmem:s16], [sflag:$0x1] =	stream.indirect_vreg.gather [hbm4b:s3+s2], $0x80, v3, vm0, $0xb8;
	[tilespmem:$0x18080] =	vst v63  }
0x24: {  	s17 =	simm.s32 $0x2080  }
0x25: {  	[tilespmem:s17], [sflag:$0x1] =	stream.indirect_vreg.gather [hbm4b:s4+s2], $0x80, v3, vm0, $0xb8;
	[tilespmem:$0x18080] =	vst v63  }
0x26: {  	s18 =	simm.s32 $0x2880  }
0x27: {  	[tilespmem:s18], [sflag:$0x1] =	stream.indirect_vreg.gather [hbm4b:s5+s2], $0x80, v3, vm0, $0xb8;
	[tilespmem:$0x18080] =	vst v63  }
0x28: {  	v3 =	vld [tilespmem:$0x10];
	_ =	sdelay $0x4  }
0x29: {  	v33 =	vshrl.u32 v3, $0x3  }
0x2a: {  	v4 =	vmul.u32 $0x30, v33  }
0x2b: {  	v3 =	vand.u32 $0x7, v3  }
0x2c: {  	v3 =	vor.u32 v3, v4  }
0x2d: {  	v4 =	vperm.xlane v3, v0;
	_ =	sdelay $0x1  }
0x2e: {  	v4 =	vadd.s32 v1, v4;
	_ =	sdelay $0x3  }
0x2f: {  	s19 =	simm.s32 $0x3080;
	v3 =	vperm.xlane v3, v2  }
0x30: {  	[tilespmem:s19], [sflag:$0x1] =	stream.indirect_vreg.gather [hbm4b:s3+s2], $0x80, v4, vm0, $0xb8;
	[tilespmem:$0x18080] =	vst v63  }
0x31: {  	s20 =	simm.s32 $0x3880;
	v3 =	vadd.s32 v1, v3  }
0x32: {  	[tilespmem:s20], [sflag:$0x1] =	stream.indirect_vreg.gather [hbm4b:s4+s2], $0x80, v4, vm0, $0xb8;
	[tilespmem:$0x18080] =	vst v63  }
0x33: {  	s21 =	simm.s32 $0x4080  }
0x34: {  	[tilespmem:s21], [sflag:$0x1] =	stream.indirect_vreg.gather [hbm4b:s5+s2], $0x80, v4, vm0, $0xb8;
	[tilespmem:$0x18080] =	vst v63  }
0x35: {  	s22 =	simm.s32 $0x4880  }
0x36: {  	[tilespmem:s22], [sflag:$0x1] =	stream.indirect_vreg.gather [hbm4b:s3+s2], $0x80, v3, vm0, $0xb8;
	[tilespmem:$0x18080] =	vst v63  }
0x37: {  	s23 =	simm.s32 $0x5080  }
0x38: {  	[tilespmem:s23], [sflag:$0x1] =	stream.indirect_vreg.gather [hbm4b:s4+s2], $0x80, v3, vm0, $0xb8;
	[tilespmem:$0x18080] =	vst v63  }
0x39: {  	s24 =	simm.s32 $0x5880  }
0x3a: {  	[tilespmem:s24], [sflag:$0x1] =	stream.indirect_vreg.gather [hbm4b:s5+s2], $0x80, v3, vm0, $0xb8;
	[tilespmem:$0x18080] =	vst v63  }
0x3b: {  	v3 =	vld [tilespmem:$0x20];
	_ =	sdelay $0x4  }
0x3c: {  	v34 =	vshrl.u32 v3, $0x3  }
0x3d: {  	v4 =	vmul.u32 $0x30, v34  }
0x3e: {  	v3 =	vand.u32 $0x7, v3  }
0x3f: {  	v3 =	vor.u32 v3, v4  }
0x40: {  	v4 =	vperm.xlane v3, v0;
	_ =	sdelay $0x1  }
0x41: {  	v4 =	vadd.s32 v1, v4;
	_ =	sdelay $0x3  }
0x42: {  	s25 =	simm.s32 $0x6080;
	v3 =	vperm.xlane v3, v2  }
0x43: {  	[tilespmem:s25], [sflag:$0x1] =	stream.indirect_vreg.gather [hbm4b:s3+s2], $0x80, v4, vm0, $0xb8;
	[tilespmem:$0x18080] =	vst v63  }
0x44: {  	s26 =	simm.s32 $0x6880;
	v3 =	vadd.s32 v1, v3  }
0x45: {  	[tilespmem:s26], [sflag:$0x1] =	stream.indirect_vreg.gather [hbm4b:s4+s2], $0x80, v4, vm0, $0xb8;
	[tilespmem:$0x18080] =	vst v63  }
0x46: {  	s29 =	simm.s32 $0x7080  }
0x47: {  	[tilespmem:s29], [sflag:$0x1] =	stream.indirect_vreg.gather [hbm4b:s5+s2], $0x80, v4, vm0, $0xb8;
	[tilespmem:$0x18080] =	vst v63  }
0x48: {  	s30 =	simm.s32 $0x7880  }
0x49: {  	[tilespmem:s30], [sflag:$0x1] =	stream.indirect_vreg.gather [hbm4b:s3+s2], $0x80, v3, vm0, $0xb8;
	[tilespmem:$0x18080] =	vst v63  }
0x4a: {  	s31 =	simm.s32 $0x8080  }
0x4b: {  	[tilespmem:s31], [sflag:$0x1] =	stream.indirect_vreg.gather [hbm4b:s4+s2], $0x80, v3, vm0, $0xb8;
	[tilespmem:$0x18080] =	vst v63  }
0x4c: {  	s8 =	simm.s32 $0x8880  }
0x4d: {  	[tilespmem:s8], [sflag:$0x1] =	stream.indirect_vreg.gather [hbm4b:s5+s2], $0x80, v3, vm0, $0xb8;
	[tilespmem:$0x18080] =	vst v63  }
0x4e: {  	v3 =	vld [tilespmem:$0x30];
	_ =	sdelay $0x4  }
0x4f: {  	v35 =	vshrl.u32 v3, $0x3  }
0x50: {  	v4 =	vmul.u32 $0x30, v35  }
0x51: {  	v3 =	vand.u32 $0x7, v3  }
0x52: {  	v3 =	vor.u32 v3, v4  }
0x53: {  	v4 =	vperm.xlane v3, v0;
	_ =	sdelay $0x1  }
0x54: {  	v4 =	vadd.s32 v1, v4;
	_ =	sdelay $0x3  }
0x55: {  	s9 =	simm.s32 $0x9080;
	v3 =	vperm.xlane v3, v2  }
0x56: {  	[tilespmem:s9], [sflag:$0x1] =	stream.indirect_vreg.gather [hbm4b:s3+s2], $0x80, v4, vm0, $0xb8;
	[tilespmem:$0x18080] =	vst v63  }
0x57: {  	s10 =	simm.s32 $0x9880;
	v3 =	vadd.s32 v1, v3  }
0x58: {  	[tilespmem:s10], [sflag:$0x1] =	stream.indirect_vreg.gather [hbm4b:s4+s2], $0x80, v4, vm0, $0xb8;
	[tilespmem:$0x18080] =	vst v63  }
0x59: {  	s11 =	simm.s32 $0xA080  }
0x5a: {  	[tilespmem:s11], [sflag:$0x1] =	stream.indirect_vreg.gather [hbm4b:s5+s2], $0x80, v4, vm0, $0xb8;
	[tilespmem:$0x18080] =	vst v63  }
0x5b: {  	s14 =	simm.s32 $0xA880  }
0x5c: {  	[tilespmem:s14], [sflag:$0x1] =	stream.indirect_vreg.gather [hbm4b:s3+s2], $0x80, v3, vm0, $0xb8;
	[tilespmem:$0x18080] =	vst v63  }
0x5d: {  	s15 =	simm.s32 $0xB080  }
0x5e: {  	[tilespmem:s15], [sflag:$0x1] =	stream.indirect_vreg.gather [hbm4b:s4+s2], $0x80, v3, vm0, $0xb8;
	[tilespmem:$0x18080] =	vst v63  }
0x5f: {  	s18 =	simm.s32 $0xB880  }
0x60: {  	[tilespmem:s18], [sflag:$0x1] =	stream.indirect_vreg.gather [hbm4b:s5+s2], $0x80, v3, vm0, $0xb8;
	[tilespmem:$0x18080] =	vst v63  }
0x61: {  	v3 =	vld [tilespmem:$0x40];
	_ =	sdelay $0x4  }
0x62: {  	v36 =	vshrl.u32 v3, $0x3  }
0x63: {  	v4 =	vmul.u32 $0x30, v36  }
0x64: {  	v3 =	vand.u32 $0x7, v3  }
0x65: {  	v3 =	vor.u32 v3, v4  }
0x66: {  	v4 =	vperm.xlane v3, v0;
	_ =	sdelay $0x1  }
0x67: {  	v4 =	vadd.s32 v1, v4;
	_ =	sdelay $0x3  }
0x68: {  	s19 =	simm.s32 $0xC080;
	v3 =	vperm.xlane v3, v2  }
0x69: {  	[tilespmem:s19], [sflag:$0x1] =	stream.indirect_vreg.gather [hbm4b:s3+s2], $0x80, v4, vm0, $0xb8;
	[tilespmem:$0x18080] =	vst v63  }
0x6a: {  	s22 =	simm.s32 $0xC880;
	v3 =	vadd.s32 v1, v3  }
0x6b: {  	[tilespmem:s22], [sflag:$0x1] =	stream.indirect_vreg.gather [hbm4b:s4+s2], $0x80, v4, vm0, $0xb8;
	[tilespmem:$0x18080] =	vst v63  }
0x6c: {  	s25 =	simm.s32 $0xD080  }
0x6d: {  	[tilespmem:s25], [sflag:$0x1] =	stream.indirect_vreg.gather [hbm4b:s5+s2], $0x80, v4, vm0, $0xb8;
	[tilespmem:$0x18080] =	vst v63  }
0x6e: {  	s26 =	simm.s32 $0xD880  }
0x6f: {  	[tilespmem:s26], [sflag:$0x1] =	stream.indirect_vreg.gather [hbm4b:s3+s2], $0x80, v3, vm0, $0xb8;
	[tilespmem:$0x18080] =	vst v63  }
0x70: {  	s29 =	simm.s32 $0xE080  }
0x71: {  	[tilespmem:s29], [sflag:$0x1] =	stream.indirect_vreg.gather [hbm4b:s4+s2], $0x80, v3, vm0, $0xb8;
	[tilespmem:$0x18080] =	vst v63  }
0x72: {  	s30 =	simm.s32 $0xE880  }
0x73: {  	[tilespmem:s30], [sflag:$0x1] =	stream.indirect_vreg.gather [hbm4b:s5+s2], $0x80, v3, vm0, $0xb8;
	[tilespmem:$0x18080] =	vst v63  }
0x74: {  	v3 =	vld [tilespmem:$0x50];
	_ =	sdelay $0x4  }
0x75: {  	v37 =	vshrl.u32 v3, $0x3  }
0x76: {  	v4 =	vmul.u32 $0x30, v37  }
0x77: {  	v3 =	vand.u32 $0x7, v3  }
0x78: {  	v3 =	vor.u32 v3, v4  }
0x79: {  	v4 =	vperm.xlane v3, v0;
	_ =	sdelay $0x1  }
0x7a: {  	v4 =	vadd.s32 v1, v4;
	_ =	sdelay $0x3  }
0x7b: {  	s31 =	simm.s32 $0xF080;
	v3 =	vperm.xlane v3, v2  }
0x7c: {  	[tilespmem:s31], [sflag:$0x1] =	stream.indirect_vreg.gather [hbm4b:s3+s2], $0x80, v4, vm0, $0xb8;
	[tilespmem:$0x18080] =	vst v63  }
0x7d: {  	s0 =	simm.s32 $0xF880;
	v3 =	vadd.s32 v1, v3  }
0x7e: {  	[tilespmem:s0], [sflag:$0x1] =	stream.indirect_vreg.gather [hbm4b:s4+s2], $0x80, v4, vm0, $0xb8;
	[tilespmem:$0x18080] =	vst v63  }
0x7f: {  	s8 =	simm.s32 $0x10080  }
0x80: {  	[tilespmem:s8], [sflag:$0x1] =	stream.indirect_vreg.gather [hbm4b:s5+s2], $0x80, v4, vm0, $0xb8;
	[tilespmem:$0x18080] =	vst v63  }
0x81: {  	s10 =	simm.s32 $0x10880  }
0x82: {  	[tilespmem:s10], [sflag:$0x1] =	stream.indirect_vreg.gather [hbm4b:s3+s2], $0x80, v3, vm0, $0xb8;
	[tilespmem:$0x18080] =	vst v63  }
0x83: {  	s11 =	simm.s32 $0x11080  }
0x84: {  	[tilespmem:s11], [sflag:$0x1] =	stream.indirect_vreg.gather [hbm4b:s4+s2], $0x80, v3, vm0, $0xb8;
	[tilespmem:$0x18080] =	vst v63  }
0x85: {  	s14 =	simm.s32 $0x11880  }
0x86: {  	[tilespmem:s14], [sflag:$0x1] =	stream.indirect_vreg.gather [hbm4b:s5+s2], $0x80, v3, vm0, $0xb8;
	[tilespmem:$0x18080] =	vst v63  }
0x87: {  	v3 =	vld [tilespmem:$0x60];
	_ =	sdelay $0x4  }
0x88: {  	v38 =	vshrl.u32 v3, $0x3  }
0x89: {  	v4 =	vmul.u32 $0x30, v38  }
0x8a: {  	v3 =	vand.u32 $0x7, v3  }
0x8b: {  	v3 =	vor.u32 v3, v4  }
0x8c: {  	v4 =	vperm.xlane v3, v0;
	_ =	sdelay $0x1  }
0x8d: {  	v4 =	vadd.s32 v1, v4;
	_ =	sdelay $0x3  }
0x8e: {  	s15 =	simm.s32 $0x12080;
	v3 =	vperm.xlane v3, v2  }
0x8f: {  	[tilespmem:s15], [sflag:$0x1] =	stream.indirect_vreg.gather [hbm4b:s3+s2], $0x80, v4, vm0, $0xb8;
	[tilespmem:$0x18080] =	vst v63  }
0x90: {  	s18 =	simm.s32 $0x12880;
	v3 =	vadd.s32 v1, v3  }
0x91: {  	[tilespmem:s18], [sflag:$0x1] =	stream.indirect_vreg.gather [hbm4b:s4+s2], $0x80, v4, vm0, $0xb8;
	[tilespmem:$0x18080] =	vst v63  }
0x92: {  	s19 =	simm.s32 $0x13080  }
0x93: {  	[tilespmem:s19], [sflag:$0x1] =	stream.indirect_vreg.gather [hbm4b:s5+s2], $0x80, v4, vm0, $0xb8;
	[tilespmem:$0x18080] =	vst v63  }
0x94: {  	s22 =	simm.s32 $0x13880  }
0x95: {  	[tilespmem:s22], [sflag:$0x1] =	stream.indirect_vreg.gather [hbm4b:s3+s2], $0x80, v3, vm0, $0xb8;
	[tilespmem:$0x18080] =	vst v63  }
0x96: {  	s31 =	simm.s32 $0x14080  }
0x97: {  	[tilespmem:s31], [sflag:$0x1] =	stream.indirect_vreg.gather [hbm4b:s4+s2], $0x80, v3, vm0, $0xb8;
	[tilespmem:$0x18080] =	vst v63  }
0x98: {  	s0 =	simm.s32 $0x14880  }
0x99: {  	[tilespmem:s0], [sflag:$0x1] =	stream.indirect_vreg.gather [hbm4b:s5+s2], $0x80, v3, vm0, $0xb8;
	[tilespmem:$0x18080] =	vst v63  }
0x9a: {  	v3 =	vld [tilespmem:$0x70];
	_ =	sdelay $0x4  }
0x9b: {  	v39 =	vshrl.u32 v3, $0x3  }
0x9c: {  	v4 =	vmul.u32 $0x30, v39  }
0x9d: {  	v3 =	vand.u32 $0x7, v3  }
0x9e: {  	v3 =	vor.u32 v3, v4  }
0x9f: {  	v4 =	vperm.xlane v3, v0;
	_ =	sdelay $0x1  }
0xa0: {  	v4 =	vadd.s32 v1, v4;
	_ =	sdelay $0x3  }
0xa1: {  	s8 =	simm.s32 $0x15080;
	v3 =	vperm.xlane v3, v2  }
0xa2: {  	[tilespmem:s8], [sflag:$0x1] =	stream.indirect_vreg.gather [hbm4b:s3+s2], $0x80, v4, vm0, $0xb8;
	[tilespmem:$0x18080] =	vst v63  }
0xa3: {  	s10 =	simm.s32 $0x15880;
	v3 =	vadd.s32 v1, v3  }
0xa4: {  	[tilespmem:s10], [sflag:$0x1] =	stream.indirect_vreg.gather [hbm4b:s4+s2], $0x80, v4, vm0, $0xb8;
	[tilespmem:$0x18080] =	vst v63  }
0xa5: {  	s11 =	simm.s32 $0x16080  }
0xa6: {  	[tilespmem:s11], [sflag:$0x1] =	stream.indirect_vreg.gather [hbm4b:s5+s2], $0x80, v4, vm0, $0xb8;
	[tilespmem:$0x18080] =	vst v63  }
0xa7: {  	s14 =	simm.s32 $0x16880  }
0xa8: {  	[tilespmem:s14], [sflag:$0x1] =	stream.indirect_vreg.gather [hbm4b:s3+s2], $0x80, v3, vm0, $0xb8;
	[tilespmem:$0x18080] =	vst v63  }
0xa9: {  	s15 =	simm.s32 $0x17080  }
0xaa: {  	[tilespmem:s15], [sflag:$0x1] =	stream.indirect_vreg.gather [hbm4b:s4+s2], $0x80, v3, vm0, $0xb8;
	[tilespmem:$0x18080] =	vst v63  }
0xab: {  	s18 =	simm.s32 $0x17880  }
0xac: {  	[tilespmem:s18], [sflag:$0x1] =	stream.indirect_vreg.gather [hbm4b:s5+s2], $0x80, v3, vm0, $0xb8;
	[tilespmem:$0x18080] =	vst v63  }
0xad: {  	_ =	swait.ge [sflag:s1], $0x18000  }
0xae: {  	[sflag:s1] =	ssyncset.done $0x0  }
0xaf: {  	s19 =	rddreg [dreg:$0x3];
	[sflag:s1] =	ssyncadd.s32 $0xFFFE8000  }
0xb0: {  	[hbm4b:s19+s2] =	stream.linear.scatter [tilespmem:s28], [sflag:$0x2], $0x18000, $0x38;
	[tilespmem:$0x18080] =	vst v63  }
0xb1: {  	_ =	swait.ge [sflag:s7], $0x18000  }
0xb2: {  	[sflag:s7] =	ssyncset.done $0x0  }
0xb3: {  	s22 =	rddreg [dreg:$0x4];
	[sflag:s7] =	ssyncadd.s32 $0xFFFE8000  }
0xb4: {  	[tilespmem:s2], [sflag:$0x2] =	stream.linear.gather [hbm4b:s22+s2], $0x80, $0x38;
	[tilespmem:$0x18080] =	vst v63  }
0xb5: {  	_ =	swait.ge [sflag:s7], $0x80  }
0xb6: {  	[sflag:s7] =	ssyncset.done $0x0  }
0xb7: {  	[sflag:s7] =	ssyncadd.s32 $0xFFFFFF80  }
0xb8: {  	v3 =	vld [tilespmem:$0x0];
	_ =	sdelay $0x4  }
0xb9: {  	v40 =	vshrl.u32 v3, $0x3  }
0xba: {  	v4 =	vmul.u32 $0x30, v40  }
0xbb: {  	v3 =	vand.u32 $0x7, v3  }
0xbc: {  	v3 =	vor.u32 v3, v4  }
0xbd: {  	v4 =	vperm.xlane v3, v0;
	_ =	sdelay $0x1  }
0xbe: {  	v4 =	vadd.s32 v1, v4;
	_ =	sdelay $0x3  }
0xbf: {  	v3 =	vperm.xlane v3, v2  }
0xc0: {  	[tilespmem:s28], [sflag:$0x1] =	stream.indirect_vreg.gather [hbm4b:s3+s2], $0x80, v4, vm0, $0xb8;
	[tilespmem:$0x18080] =	vst v63  }
0xc1: {  	s0 =	simm.s32 $0x880;
	v3 =	vadd.s32 v1, v3  }
0xc2: {  	[tilespmem:s0], [sflag:$0x1] =	stream.indirect_vreg.gather [hbm4b:s4+s2], $0x80, v4, vm0, $0xb8;
	[tilespmem:$0x18080] =	vst v63  }
0xc3: {  	s8 =	simm.s32 $0x1080  }
0xc4: {  	[tilespmem:s8], [sflag:$0x1] =	stream.indirect_vreg.gather [hbm4b:s5+s2], $0x80, v4, vm0, $0xb8;
	[tilespmem:$0x18080] =	vst v63  }
0xc5: {  	s10 =	simm.s32 $0x1880  }
0xc6: {  	[tilespmem:s10], [sflag:$0x1] =	stream.indirect_vreg.gather [hbm4b:s3+s2], $0x80, v3, vm0, $0xb8;
	[tilespmem:$0x18080] =	vst v63  }
0xc7: {  	s11 =	simm.s32 $0x2080  }
0xc8: {  	[tilespmem:s11], [sflag:$0x1] =	stream.indirect_vreg.gather [hbm4b:s4+s2], $0x80, v3, vm0, $0xb8;
	[tilespmem:$0x18080] =	vst v63  }
0xc9: {  	s12 =	simm.s32 $0x2880  }
0xca: {  	[tilespmem:s12], [sflag:$0x1] =	stream.indirect_vreg.gather [hbm4b:s5+s2], $0x80, v3, vm0, $0xb8;
	[tilespmem:$0x18080] =	vst v63  }
0xcb: {  	v3 =	vld [tilespmem:$0x10];
	_ =	sdelay $0x4  }
0xcc: {  	v41 =	vshrl.u32 v3, $0x3  }
0xcd: {  	v4 =	vmul.u32 $0x30, v41  }
0xce: {  	v3 =	vand.u32 $0x7, v3  }
0xcf: {  	v3 =	vor.u32 v3, v4  }
0xd0: {  	v4 =	vperm.xlane v3, v0;
	_ =	sdelay $0x1  }
0xd1: {  	v4 =	vadd.s32 v1, v4;
	_ =	sdelay $0x3  }
0xd2: {  	s13 =	simm.s32 $0x3080;
	v3 =	vperm.xlane v3, v2  }
0xd3: {  	[tilespmem:s13], [sflag:$0x1] =	stream.indirect_vreg.gather [hbm4b:s3+s2], $0x80, v4, vm0, $0xb8;
	[tilespmem:$0x18080] =	vst v63  }
0xd4: {  	s12 =	simm.s32 $0x3880;
	v3 =	vadd.s32 v1, v3  }
0xd5: {  	[tilespmem:s12], [sflag:$0x1] =	stream.indirect_vreg.gather [hbm4b:s4+s2], $0x80, v4, vm0, $0xb8;
	[tilespmem:$0x18080] =	vst v63  }
0xd6: {  	s13 =	simm.s32 $0x4080  }
0xd7: {  	[tilespmem:s13], [sflag:$0x1] =	stream.indirect_vreg.gather [hbm4b:s5+s2], $0x80, v4, vm0, $0xb8;
	[tilespmem:$0x18080] =	vst v63  }
0xd8: {  	s14 =	simm.s32 $0x4880  }
0xd9: {  	[tilespmem:s14], [sflag:$0x1] =	stream.indirect_vreg.gather [hbm4b:s3+s2], $0x80, v3, vm0, $0xb8;
	[tilespmem:$0x18080] =	vst v63  }
0xda: {  	s15 =	simm.s32 $0x5080  }
0xdb: {  	[tilespmem:s15], [sflag:$0x1] =	stream.indirect_vreg.gather [hbm4b:s4+s2], $0x80, v3, vm0, $0xb8;
	[tilespmem:$0x18080] =	vst v63  }
0xdc: {  	s16 =	simm.s32 $0x5880  }
0xdd: {  	[tilespmem:s16], [sflag:$0x1] =	stream.indirect_vreg.gather [hbm4b:s5+s2], $0x80, v3, vm0, $0xb8;
	[tilespmem:$0x18080] =	vst v63  }
0xde: {  	v3 =	vld [tilespmem:$0x20];
	_ =	sdelay $0x4  }
0xdf: {  	v42 =	vshrl.u32 v3, $0x3  }
0xe0: {  	v4 =	vmul.u32 $0x30, v42  }
0xe1: {  	v3 =	vand.u32 $0x7, v3  }
0xe2: {  	v3 =	vor.u32 v3, v4  }
0xe3: {  	v4 =	vperm.xlane v3, v0;
	_ =	sdelay $0x1  }
0xe4: {  	v4 =	vadd.s32 v1, v4;
	_ =	sdelay $0x3  }
0xe5: {  	s17 =	simm.s32 $0x6080;
	v3 =	vperm.xlane v3, v2  }
0xe6: {  	[tilespmem:s17], [sflag:$0x1] =	stream.indirect_vreg.gather [hbm4b:s3+s2], $0x80, v4, vm0, $0xb8;
	[tilespmem:$0x18080] =	vst v63  }
0xe7: {  	s16 =	simm.s32 $0x6880;
	v3 =	vadd.s32 v1, v3  }
0xe8: {  	[tilespmem:s16], [sflag:$0x1] =	stream.indirect_vreg.gather [hbm4b:s4+s2], $0x80, v4, vm0, $0xb8;
	[tilespmem:$0x18080] =	vst v63  }
0xe9: {  	s17 =	simm.s32 $0x7080  }
0xea: {  	[tilespmem:s17], [sflag:$0x1] =	stream.indirect_vreg.gather [hbm4b:s5+s2], $0x80, v4, vm0, $0xb8;
	[tilespmem:$0x18080] =	vst v63  }
0xeb: {  	s18 =	simm.s32 $0x7880  }
0xec: {  	[tilespmem:s18], [sflag:$0x1] =	stream.indirect_vreg.gather [hbm4b:s3+s2], $0x80, v3, vm0, $0xb8;
	[tilespmem:$0x18080] =	vst v63  }
0xed: {  	s19 =	simm.s32 $0x8080  }
0xee: {  	[tilespmem:s19], [sflag:$0x1] =	stream.indirect_vreg.gather [hbm4b:s4+s2], $0x80, v3, vm0, $0xb8;
	[tilespmem:$0x18080] =	vst v63  }
0xef: {  	s20 =	simm.s32 $0x8880  }
0xf0: {  	[tilespmem:s20], [sflag:$0x1] =	stream.indirect_vreg.gather [hbm4b:s5+s2], $0x80, v3, vm0, $0xb8;
	[tilespmem:$0x18080] =	vst v63  }
0xf1: {  	v3 =	vld [tilespmem:$0x30];
	_ =	sdelay $0x4  }
0xf2: {  	v43 =	vshrl.u32 v3, $0x3  }
0xf3: {  	v4 =	vmul.u32 $0x30, v43  }
0xf4: {  	v3 =	vand.u32 $0x7, v3  }
0xf5: {  	v3 =	vor.u32 v3, v4  }
0xf6: {  	v4 =	vperm.xlane v3, v0;
	_ =	sdelay $0x1  }
0xf7: {  	v4 =	vadd.s32 v1, v4;
	_ =	sdelay $0x3  }
0xf8: {  	s21 =	simm.s32 $0x9080;
	v3 =	vperm.xlane v3, v2  }
0xf9: {  	[tilespmem:s21], [sflag:$0x1] =	stream.indirect_vreg.gather [hbm4b:s3+s2], $0x80, v4, vm0, $0xb8;
	[tilespmem:$0x18080] =	vst v63  }
0xfa: {  	s20 =	simm.s32 $0x9880;
	v3 =	vadd.s32 v1, v3  }
0xfb: {  	[tilespmem:s20], [sflag:$0x1] =	stream.indirect_vreg.gather [hbm4b:s4+s2], $0x80, v4, vm0, $0xb8;
	[tilespmem:$0x18080] =	vst v63  }
0xfc: {  	s21 =	simm.s32 $0xA080  }
0xfd: {  	[tilespmem:s21], [sflag:$0x1] =	stream.indirect_vreg.gather [hbm4b:s5+s2], $0x80, v4, vm0, $0xb8;
	[tilespmem:$0x18080] =	vst v63  }
0xfe: {  	s22 =	simm.s32 $0xA880  }
0xff: {  	[tilespmem:s22], [sflag:$0x1] =	stream.indirect_vreg.gather [hbm4b:s3+s2], $0x80, v3, vm0, $0xb8;
	[tilespmem:$0x18080] =	vst v63  }
0x100: {  	s9 =	simm.s32 $0xB080  }
0x101: {  	[tilespmem:s9], [sflag:$0x1] =	stream.indirect_vreg.gather [hbm4b:s4+s2], $0x80, v3, vm0, $0xb8;
	[tilespmem:$0x18080] =	vst v63  }
0x102: {  	s23 =	simm.s32 $0xB880  }
0x103: {  	[tilespmem:s23], [sflag:$0x1] =	stream.indirect_vreg.gather [hbm4b:s5+s2], $0x80, v3, vm0, $0xb8;
	[tilespmem:$0x18080] =	vst v63  }
0x104: {  	v3 =	vld [tilespmem:$0x40];
	_ =	sdelay $0x4  }
0x105: {  	v44 =	vshrl.u32 v3, $0x3  }
0x106: {  	v4 =	vmul.u32 $0x30, v44  }
0x107: {  	v3 =	vand.u32 $0x7, v3  }
0x108: {  	v3 =	vor.u32 v3, v4  }
0x109: {  	v4 =	vperm.xlane v3, v0;
	_ =	sdelay $0x1  }
0x10a: {  	v4 =	vadd.s32 v1, v4;
	_ =	sdelay $0x3  }
0x10b: {  	s24 =	simm.s32 $0xC080;
	v3 =	vperm.xlane v3, v2  }
0x10c: {  	[tilespmem:s24], [sflag:$0x1] =	stream.indirect_vreg.gather [hbm4b:s3+s2], $0x80, v4, vm0, $0xb8;
	[tilespmem:$0x18080] =	vst v63  }
0x10d: {  	s23 =	simm.s32 $0xC880;
	v3 =	vadd.s32 v1, v3  }
0x10e: {  	[tilespmem:s23], [sflag:$0x1] =	stream.indirect_vreg.gather [hbm4b:s4+s2], $0x80, v4, vm0, $0xb8;
	[tilespmem:$0x18080] =	vst v63  }
0x10f: {  	s24 =	simm.s32 $0xD080  }
0x110: {  	[tilespmem:s24], [sflag:$0x1] =	stream.indirect_vreg.gather [hbm4b:s5+s2], $0x80, v4, vm0, $0xb8;
	[tilespmem:$0x18080] =	vst v63  }
0x111: {  	s9 =	simm.s32 $0xD880  }
0x112: {  	[tilespmem:s9], [sflag:$0x1] =	stream.indirect_vreg.gather [hbm4b:s3+s2], $0x80, v3, vm0, $0xb8;
	[tilespmem:$0x18080] =	vst v63  }
0x113: {  	s9 =	simm.s32 $0xE080  }
0x114: {  	[tilespmem:s9], [sflag:$0x1] =	stream.indirect_vreg.gather [hbm4b:s4+s2], $0x80, v3, vm0, $0xb8;
	[tilespmem:$0x18080] =	vst v63  }
0x115: {  	s25 =	simm.s32 $0xE880  }
0x116: {  	[tilespmem:s25], [sflag:$0x1] =	stream.indirect_vreg.gather [hbm4b:s5+s2], $0x80, v3, vm0, $0xb8;
	[tilespmem:$0x18080] =	vst v63  }
0x117: {  	v3 =	vld [tilespmem:$0x50];
	_ =	sdelay $0x4  }
0x118: {  	v45 =	vshrl.u32 v3, $0x3  }
0x119: {  	v4 =	vmul.u32 $0x30, v45  }
0x11a: {  	v3 =	vand.u32 $0x7, v3  }
0x11b: {  	v3 =	vor.u32 v3, v4  }
0x11c: {  	v4 =	vperm.xlane v3, v0;
	_ =	sdelay $0x1  }
0x11d: {  	v4 =	vadd.s32 v1, v4;
	_ =	sdelay $0x3  }
0x11e: {  	s26 =	simm.s32 $0xF080;
	v3 =	vperm.xlane v3, v2  }
0x11f: {  	[tilespmem:s26], [sflag:$0x1] =	stream.indirect_vreg.gather [hbm4b:s3+s2], $0x80, v4, vm0, $0xb8;
	[tilespmem:$0x18080] =	vst v63  }
0x120: {  	s25 =	simm.s32 $0xF880;
	v3 =	vadd.s32 v1, v3  }
0x121: {  	[tilespmem:s25], [sflag:$0x1] =	stream.indirect_vreg.gather [hbm4b:s4+s2], $0x80, v4, vm0, $0xb8;
	[tilespmem:$0x18080] =	vst v63  }
0x122: {  	s26 =	simm.s32 $0x10080  }
0x123: {  	[tilespmem:s26], [sflag:$0x1] =	stream.indirect_vreg.gather [hbm4b:s5+s2], $0x80, v4, vm0, $0xb8;
	[tilespmem:$0x18080] =	vst v63  }
0x124: {  	s25 =	simm.s32 $0x10880  }
0x125: {  	[tilespmem:s25], [sflag:$0x1] =	stream.indirect_vreg.gather [hbm4b:s3+s2], $0x80, v3, vm0, $0xb8;
	[tilespmem:$0x18080] =	vst v63  }
0x126: {  	s26 =	simm.s32 $0x11080  }
0x127: {  	[tilespmem:s26], [sflag:$0x1] =	stream.indirect_vreg.gather [hbm4b:s4+s2], $0x80, v3, vm0, $0xb8;
	[tilespmem:$0x18080] =	vst v63  }
0x128: {  	s29 =	simm.s32 $0x11880  }
0x129: {  	[tilespmem:s29], [sflag:$0x1] =	stream.indirect_vreg.gather [hbm4b:s5+s2], $0x80, v3, vm0, $0xb8;
	[tilespmem:$0x18080] =	vst v63  }
0x12a: {  	v3 =	vld [tilespmem:$0x60];
	_ =	sdelay $0x4  }
0x12b: {  	v46 =	vshrl.u32 v3, $0x3  }
0x12c: {  	v4 =	vmul.u32 $0x30, v46  }
0x12d: {  	v3 =	vand.u32 $0x7, v3  }
0x12e: {  	v3 =	vor.u32 v3, v4  }
0x12f: {  	v4 =	vperm.xlane v3, v0;
	_ =	sdelay $0x1  }
0x130: {  	v4 =	vadd.s32 v1, v4;
	_ =	sdelay $0x3  }
0x131: {  	s30 =	simm.s32 $0x12080;
	v3 =	vperm.xlane v3, v2  }
0x132: {  	[tilespmem:s30], [sflag:$0x1] =	stream.indirect_vreg.gather [hbm4b:s3+s2], $0x80, v4, vm0, $0xb8;
	[tilespmem:$0x18080] =	vst v63  }
0x133: {  	s25 =	simm.s32 $0x12880;
	v3 =	vadd.s32 v1, v3  }
0x134: {  	[tilespmem:s25], [sflag:$0x1] =	stream.indirect_vreg.gather [hbm4b:s4+s2], $0x80, v4, vm0, $0xb8;
	[tilespmem:$0x18080] =	vst v63  }
0x135: {  	s26 =	simm.s32 $0x13080  }
0x136: {  	[tilespmem:s26], [sflag:$0x1] =	stream.indirect_vreg.gather [hbm4b:s5+s2], $0x80, v4, vm0, $0xb8;
	[tilespmem:$0x18080] =	vst v63  }
0x137: {  	s29 =	simm.s32 $0x13880  }
0x138: {  	[tilespmem:s29], [sflag:$0x1] =	stream.indirect_vreg.gather [hbm4b:s3+s2], $0x80, v3, vm0, $0xb8;
	[tilespmem:$0x18080] =	vst v63  }
0x139: {  	s30 =	simm.s32 $0x14080  }
0x13a: {  	[tilespmem:s30], [sflag:$0x1] =	stream.indirect_vreg.gather [hbm4b:s4+s2], $0x80, v3, vm0, $0xb8;
	[tilespmem:$0x18080] =	vst v63  }
0x13b: {  	s31 =	simm.s32 $0x14880  }
0x13c: {  	[tilespmem:s31], [sflag:$0x1] =	stream.indirect_vreg.gather [hbm4b:s5+s2], $0x80, v3, vm0, $0xb8;
	[tilespmem:$0x18080] =	vst v63  }
0x13d: {  	v3 =	vld [tilespmem:$0x70];
	_ =	sdelay $0x4  }
0x13e: {  	v47 =	vshrl.u32 v3, $0x3  }
0x13f: {  	v4 =	vmul.u32 $0x30, v47  }
0x140: {  	v3 =	vand.u32 $0x7, v3  }
0x141: {  	v3 =	vor.u32 v3, v4  }
0x142: {  	v4 =	vperm.xlane v3, v0;
	_ =	sdelay $0x1  }
0x143: {  	v4 =	vadd.s32 v1, v4;
	_ =	sdelay $0x3  }
0x144: {  	s31 =	simm.s32 $0x15080;
	v3 =	vperm.xlane v3, v2  }
0x145: {  	[tilespmem:s31], [sflag:$0x1] =	stream.indirect_vreg.gather [hbm4b:s3+s2], $0x80, v4, vm0, $0xb8;
	[tilespmem:$0x18080] =	vst v63  }
0x146: {  	s25 =	simm.s32 $0x15880;
	v3 =	vadd.s32 v1, v3  }
0x147: {  	[tilespmem:s25], [sflag:$0x1] =	stream.indirect_vreg.gather [hbm4b:s4+s2], $0x80, v4, vm0, $0xb8;
	[tilespmem:$0x18080] =	vst v63  }
0x148: {  	s26 =	simm.s32 $0x16080  }
0x149: {  	[tilespmem:s26], [sflag:$0x1] =	stream.indirect_vreg.gather [hbm4b:s5+s2], $0x80, v4, vm0, $0xb8;
	[tilespmem:$0x18080] =	vst v63  }
0x14a: {  	s29 =	simm.s32 $0x16880  }
0x14b: {  	[tilespmem:s29], [sflag:$0x1] =	stream.indirect_vreg.gather [hbm4b:s3+s2], $0x80, v3, vm0, $0xb8;
	[tilespmem:$0x18080] =	vst v63  }
0x14c: {  	s30 =	simm.s32 $0x17080  }
0x14d: {  	[tilespmem:s30], [sflag:$0x1] =	stream.indirect_vreg.gather [hbm4b:s4+s2], $0x80, v3, vm0, $0xb8;
	[tilespmem:$0x18080] =	vst v63  }
0x14e: {  	s31 =	simm.s32 $0x17880  }
0x14f: {  	[tilespmem:s31], [sflag:$0x1] =	stream.indirect_vreg.gather [hbm4b:s5+s2], $0x80, v3, vm0, $0xb8;
	[tilespmem:$0x18080] =	vst v63  }
0x150: {  	_ =	swait.ge [sflag:s1], $0x18000  }
0x151: {  	[sflag:s1] =	ssyncset.done $0x0  }
0x152: {  	s25 =	rddreg [dreg:$0x5];
	[sflag:s1] =	ssyncadd.s32 $0xFFFE8000  }
0x153: {  	[hbm4b:s25+s2] =	stream.linear.scatter [tilespmem:s28], [sflag:$0x2], $0x18000, $0x38;
	[tilespmem:$0x18080] =	vst v63  }
0x154: {  	_ =	swait.ge [sflag:s7], $0x18000  }
0x155: {  	[sflag:s7] =	ssyncset.done $0x0  }
0x156: {  	s26 =	rddreg [dreg:$0x6];
	[sflag:s7] =	ssyncadd.s32 $0xFFFE8000  }
0x157: {  	[tilespmem:s2], [sflag:$0x2] =	stream.linear.gather [hbm4b:s26+s2], $0x80, $0x38;
	[tilespmem:$0x18080] =	vst v63  }
0x158: {  	_ =	swait.ge [sflag:s7], $0x80  }
0x159: {  	[sflag:s7] =	ssyncset.done $0x0  }
0x15a: {  	[sflag:s7] =	ssyncadd.s32 $0xFFFFFF80  }
0x15b: {  	v3 =	vld [tilespmem:$0x0];
	_ =	sdelay $0x4  }
0x15c: {  	v48 =	vshrl.u32 v3, $0x3  }
0x15d: {  	v4 =	vmul.u32 $0x30, v48  }
0x15e: {  	v3 =	vand.u32 $0x7, v3  }
0x15f: {  	v3 =	vor.u32 v3, v4  }
0x160: {  	v4 =	vperm.xlane v3, v0;
	_ =	sdelay $0x1  }
0x161: {  	v4 =	vadd.s32 v1, v4;
	_ =	sdelay $0x3  }
0x162: {  	v3 =	vperm.xlane v3, v2  }
0x163: {  	[tilespmem:s28], [sflag:$0x1] =	stream.indirect_vreg.gather [hbm4b:s3+s2], $0x80, v4, vm0, $0xb8;
	[tilespmem:$0x18080] =	vst v63  }
0x164: {  	v3 =	vadd.s32 v1, v3  }
0x165: {  	[tilespmem:s0], [sflag:$0x1] =	stream.indirect_vreg.gather [hbm4b:s4+s2], $0x80, v4, vm0, $0xb8;
	[tilespmem:$0x18080] =	vst v63  }
0x166: {  	_ = 	snop  }
0x167: {  	[tilespmem:s8], [sflag:$0x1] =	stream.indirect_vreg.gather [hbm4b:s5+s2], $0x80, v4, vm0, $0xb8;
	[tilespmem:$0x18080] =	vst v63  }
0x168: {  	_ = 	snop  }
0x169: {  	[tilespmem:s10], [sflag:$0x1] =	stream.indirect_vreg.gather [hbm4b:s3+s2], $0x80, v3, vm0, $0xb8;
	[tilespmem:$0x18080] =	vst v63  }
0x16a: {  	_ = 	snop  }
0x16b: {  	[tilespmem:s11], [sflag:$0x1] =	stream.indirect_vreg.gather [hbm4b:s4+s2], $0x80, v3, vm0, $0xb8;
	[tilespmem:$0x18080] =	vst v63  }
0x16c: {  	s29 =	simm.s32 $0x2880  }
0x16d: {  	[tilespmem:s29], [sflag:$0x1] =	stream.indirect_vreg.gather [hbm4b:s5+s2], $0x80, v3, vm0, $0xb8;
	[tilespmem:$0x18080] =	vst v63  }
0x16e: {  	v3 =	vld [tilespmem:$0x10];
	_ =	sdelay $0x4  }
0x16f: {  	v49 =	vshrl.u32 v3, $0x3  }
0x170: {  	v4 =	vmul.u32 $0x30, v49  }
0x171: {  	v3 =	vand.u32 $0x7, v3  }
0x172: {  	v3 =	vor.u32 v3, v4  }
0x173: {  	v4 =	vperm.xlane v3, v0;
	_ =	sdelay $0x1  }
0x174: {  	v4 =	vadd.s32 v1, v4;
	_ =	sdelay $0x3  }
0x175: {  	s30 =	simm.s32 $0x3080;
	v3 =	vperm.xlane v3, v2  }
0x176: {  	[tilespmem:s30], [sflag:$0x1] =	stream.indirect_vreg.gather [hbm4b:s3+s2], $0x80, v4, vm0, $0xb8;
	[tilespmem:$0x18080] =	vst v63  }
0x177: {  	v3 =	vadd.s32 v1, v3  }
0x178: {  	[tilespmem:s12], [sflag:$0x1] =	stream.indirect_vreg.gather [hbm4b:s4+s2], $0x80, v4, vm0, $0xb8;
	[tilespmem:$0x18080] =	vst v63  }
0x179: {  	_ = 	snop  }
0x17a: {  	[tilespmem:s13], [sflag:$0x1] =	stream.indirect_vreg.gather [hbm4b:s5+s2], $0x80, v4, vm0, $0xb8;
	[tilespmem:$0x18080] =	vst v63  }
0x17b: {  	_ = 	snop  }
0x17c: {  	[tilespmem:s14], [sflag:$0x1] =	stream.indirect_vreg.gather [hbm4b:s3+s2], $0x80, v3, vm0, $0xb8;
	[tilespmem:$0x18080] =	vst v63  }
0x17d: {  	_ = 	snop  }
0x17e: {  	[tilespmem:s15], [sflag:$0x1] =	stream.indirect_vreg.gather [hbm4b:s4+s2], $0x80, v3, vm0, $0xb8;
	[tilespmem:$0x18080] =	vst v63  }
0x17f: {  	s31 =	simm.s32 $0x5880  }
0x180: {  	[tilespmem:s31], [sflag:$0x1] =	stream.indirect_vreg.gather [hbm4b:s5+s2], $0x80, v3, vm0, $0xb8;
	[tilespmem:$0x18080] =	vst v63  }
0x181: {  	v3 =	vld [tilespmem:$0x20];
	_ =	sdelay $0x4  }
0x182: {  	v50 =	vshrl.u32 v3, $0x3  }
0x183: {  	v4 =	vmul.u32 $0x30, v50  }
0x184: {  	v3 =	vand.u32 $0x7, v3  }
0x185: {  	v3 =	vor.u32 v3, v4  }
0x186: {  	v4 =	vperm.xlane v3, v0;
	_ =	sdelay $0x1  }
0x187: {  	v4 =	vadd.s32 v1, v4;
	_ =	sdelay $0x3  }
0x188: {  	s25 =	simm.s32 $0x6080;
	v3 =	vperm.xlane v3, v2  }
0x189: {  	[tilespmem:s25], [sflag:$0x1] =	stream.indirect_vreg.gather [hbm4b:s3+s2], $0x80, v4, vm0, $0xb8;
	[tilespmem:$0x18080] =	vst v63  }
0x18a: {  	v3 =	vadd.s32 v1, v3  }
0x18b: {  	[tilespmem:s16], [sflag:$0x1] =	stream.indirect_vreg.gather [hbm4b:s4+s2], $0x80, v4, vm0, $0xb8;
	[tilespmem:$0x18080] =	vst v63  }
0x18c: {  	_ = 	snop  }
0x18d: {  	[tilespmem:s17], [sflag:$0x1] =	stream.indirect_vreg.gather [hbm4b:s5+s2], $0x80, v4, vm0, $0xb8;
	[tilespmem:$0x18080] =	vst v63  }
0x18e: {  	_ = 	snop  }
0x18f: {  	[tilespmem:s18], [sflag:$0x1] =	stream.indirect_vreg.gather [hbm4b:s3+s2], $0x80, v3, vm0, $0xb8;
	[tilespmem:$0x18080] =	vst v63  }
0x190: {  	_ = 	snop  }
0x191: {  	[tilespmem:s19], [sflag:$0x1] =	stream.indirect_vreg.gather [hbm4b:s4+s2], $0x80, v3, vm0, $0xb8;
	[tilespmem:$0x18080] =	vst v63  }
0x192: {  	s26 =	simm.s32 $0x8880  }
0x193: {  	[tilespmem:s26], [sflag:$0x1] =	stream.indirect_vreg.gather [hbm4b:s5+s2], $0x80, v3, vm0, $0xb8;
	[tilespmem:$0x18080] =	vst v63  }
0x194: {  	v3 =	vld [tilespmem:$0x30];
	_ =	sdelay $0x4  }
0x195: {  	v51 =	vshrl.u32 v3, $0x3  }
0x196: {  	v4 =	vmul.u32 $0x30, v51  }
0x197: {  	v3 =	vand.u32 $0x7, v3  }
0x198: {  	v3 =	vor.u32 v3, v4  }
0x199: {  	v4 =	vperm.xlane v3, v0;
	_ =	sdelay $0x1  }
0x19a: {  	v4 =	vadd.s32 v1, v4;
	_ =	sdelay $0x3  }
0x19b: {  	s29 =	simm.s32 $0x9080;
	v3 =	vperm.xlane v3, v2  }
0x19c: {  	[tilespmem:s29], [sflag:$0x1] =	stream.indirect_vreg.gather [hbm4b:s3+s2], $0x80, v4, vm0, $0xb8;
	[tilespmem:$0x18080] =	vst v63  }
0x19d: {  	v3 =	vadd.s32 v1, v3  }
0x19e: {  	[tilespmem:s20], [sflag:$0x1] =	stream.indirect_vreg.gather [hbm4b:s4+s2], $0x80, v4, vm0, $0xb8;
	[tilespmem:$0x18080] =	vst v63  }
0x19f: {  	_ = 	snop  }
0x1a0: {  	[tilespmem:s21], [sflag:$0x1] =	stream.indirect_vreg.gather [hbm4b:s5+s2], $0x80, v4, vm0, $0xb8;
	[tilespmem:$0x18080] =	vst v63  }
0x1a1: {  	_ = 	snop  }
0x1a2: {  	[tilespmem:s22], [sflag:$0x1] =	stream.indirect_vreg.gather [hbm4b:s3+s2], $0x80, v3, vm0, $0xb8;
	[tilespmem:$0x18080] =	vst v63  }
0x1a3: {  	s30 =	simm.s32 $0xB080  }
0x1a4: {  	[tilespmem:s30], [sflag:$0x1] =	stream.indirect_vreg.gather [hbm4b:s4+s2], $0x80, v3, vm0, $0xb8;
	[tilespmem:$0x18080] =	vst v63  }
0x1a5: {  	s31 =	simm.s32 $0xB880  }
0x1a6: {  	[tilespmem:s31], [sflag:$0x1] =	stream.indirect_vreg.gather [hbm4b:s5+s2], $0x80, v3, vm0, $0xb8;
	[tilespmem:$0x18080] =	vst v63  }
0x1a7: {  	v3 =	vld [tilespmem:$0x40];
	_ =	sdelay $0x4  }
0x1a8: {  	v52 =	vshrl.u32 v3, $0x3  }
0x1a9: {  	v4 =	vmul.u32 $0x30, v52  }
0x1aa: {  	v3 =	vand.u32 $0x7, v3  }
0x1ab: {  	v3 =	vor.u32 v3, v4  }
0x1ac: {  	v4 =	vperm.xlane v3, v0;
	_ =	sdelay $0x1  }
0x1ad: {  	v4 =	vadd.s32 v1, v4;
	_ =	sdelay $0x3  }
0x1ae: {  	s25 =	simm.s32 $0xC080;
	v3 =	vperm.xlane v3, v2  }
0x1af: {  	[tilespmem:s25], [sflag:$0x1] =	stream.indirect_vreg.gather [hbm4b:s3+s2], $0x80, v4, vm0, $0xb8;
	[tilespmem:$0x18080] =	vst v63  }
0x1b0: {  	s23 =	simm.s32 $0xC880;
	v3 =	vadd.s32 v1, v3  }
0x1b1: {  	[tilespmem:s23], [sflag:$0x1] =	stream.indirect_vreg.gather [hbm4b:s4+s2], $0x80, v4, vm0, $0xb8;
	[tilespmem:$0x18080] =	vst v63  }
0x1b2: {  	s24 =	simm.s32 $0xD080  }
0x1b3: {  	[tilespmem:s24], [sflag:$0x1] =	stream.indirect_vreg.gather [hbm4b:s5+s2], $0x80, v4, vm0, $0xb8;
	[tilespmem:$0x18080] =	vst v63  }
0x1b4: {  	s26 =	simm.s32 $0xD880  }
0x1b5: {  	[tilespmem:s26], [sflag:$0x1] =	stream.indirect_vreg.gather [hbm4b:s3+s2], $0x80, v3, vm0, $0xb8;
	[tilespmem:$0x18080] =	vst v63  }
0x1b6: {  	s29 =	simm.s32 $0xE080  }
0x1b7: {  	[tilespmem:s29], [sflag:$0x1] =	stream.indirect_vreg.gather [hbm4b:s4+s2], $0x80, v3, vm0, $0xb8;
	[tilespmem:$0x18080] =	vst v63  }
0x1b8: {  	s30 =	simm.s32 $0xE880  }
0x1b9: {  	[tilespmem:s30], [sflag:$0x1] =	stream.indirect_vreg.gather [hbm4b:s5+s2], $0x80, v3, vm0, $0xb8;
	[tilespmem:$0x18080] =	vst v63  }
0x1ba: {  	v3 =	vld [tilespmem:$0x50];
	_ =	sdelay $0x4  }
0x1bb: {  	v53 =	vshrl.u32 v3, $0x3  }
0x1bc: {  	v4 =	vmul.u32 $0x30, v53  }
0x1bd: {  	v3 =	vand.u32 $0x7, v3  }
0x1be: {  	v3 =	vor.u32 v3, v4  }
0x1bf: {  	v4 =	vperm.xlane v3, v0;
	_ =	sdelay $0x1  }
0x1c0: {  	v4 =	vadd.s32 v1, v4;
	_ =	sdelay $0x3  }
0x1c1: {  	s31 =	simm.s32 $0xF080;
	v3 =	vperm.xlane v3, v2  }
0x1c2: {  	[tilespmem:s31], [sflag:$0x1] =	stream.indirect_vreg.gather [hbm4b:s3+s2], $0x80, v4, vm0, $0xb8;
	[tilespmem:$0x18080] =	vst v63  }
0x1c3: {  	s29 =	simm.s32 $0xF880;
	v3 =	vadd.s32 v1, v3  }
0x1c4: {  	[tilespmem:s29], [sflag:$0x1] =	stream.indirect_vreg.gather [hbm4b:s4+s2], $0x80, v4, vm0, $0xb8;
	[tilespmem:$0x18080] =	vst v63  }
0x1c5: {  	s30 =	simm.s32 $0x10080  }
0x1c6: {  	[tilespmem:s30], [sflag:$0x1] =	stream.indirect_vreg.gather [hbm4b:s5+s2], $0x80, v4, vm0, $0xb8;
	[tilespmem:$0x18080] =	vst v63  }
0x1c7: {  	s31 =	simm.s32 $0x10880  }
0x1c8: {  	[tilespmem:s31], [sflag:$0x1] =	stream.indirect_vreg.gather [hbm4b:s3+s2], $0x80, v3, vm0, $0xb8;
	[tilespmem:$0x18080] =	vst v63  }
0x1c9: {  	s9 =	simm.s32 $0x11080  }
0x1ca: {  	[tilespmem:s9], [sflag:$0x1] =	stream.indirect_vreg.gather [hbm4b:s4+s2], $0x80, v3, vm0, $0xb8;
	[tilespmem:$0x18080] =	vst v63  }
0x1cb: {  	s9 =	simm.s32 $0x11880  }
0x1cc: {  	[tilespmem:s9], [sflag:$0x1] =	stream.indirect_vreg.gather [hbm4b:s5+s2], $0x80, v3, vm0, $0xb8;
	[tilespmem:$0x18080] =	vst v63  }
0x1cd: {  	v3 =	vld [tilespmem:$0x60];
	_ =	sdelay $0x4  }
0x1ce: {  	v54 =	vshrl.u32 v3, $0x3  }
0x1cf: {  	v4 =	vmul.u32 $0x30, v54  }
0x1d0: {  	v3 =	vand.u32 $0x7, v3  }
0x1d1: {  	v3 =	vor.u32 v3, v4  }
0x1d2: {  	v4 =	vperm.xlane v3, v0;
	_ =	sdelay $0x1  }
0x1d3: {  	v4 =	vadd.s32 v1, v4;
	_ =	sdelay $0x3  }
0x1d4: {  	s9 =	simm.s32 $0x12080;
	v3 =	vperm.xlane v3, v2  }
0x1d5: {  	[tilespmem:s9], [sflag:$0x1] =	stream.indirect_vreg.gather [hbm4b:s3+s2], $0x80, v4, vm0, $0xb8;
	[tilespmem:$0x18080] =	vst v63  }
0x1d6: {  	v3 =	vadd.s32 v1, v3;
	s9 =	simm.s32 $0x12880  }
0x1d7: {  	[tilespmem:s9], [sflag:$0x1] =	stream.indirect_vreg.gather [hbm4b:s4+s2], $0x80, v4, vm0, $0xb8;
	[tilespmem:$0x18080] =	vst v63  }
0x1d8: {  	s9 =	simm.s32 $0x13080  }
0x1d9: {  	[tilespmem:s9], [sflag:$0x1] =	stream.indirect_vreg.gather [hbm4b:s5+s2], $0x80, v4, vm0, $0xb8;
	[tilespmem:$0x18080] =	vst v63  }
0x1da: {  	s9 =	simm.s32 $0x13880  }
0x1db: {  	[tilespmem:s9], [sflag:$0x1] =	stream.indirect_vreg.gather [hbm4b:s3+s2], $0x80, v3, vm0, $0xb8;
	[tilespmem:$0x18080] =	vst v63  }
0x1dc: {  	s9 =	simm.s32 $0x14080  }
0x1dd: {  	[tilespmem:s9], [sflag:$0x1] =	stream.indirect_vreg.gather [hbm4b:s4+s2], $0x80, v3, vm0, $0xb8;
	[tilespmem:$0x18080] =	vst v63  }
0x1de: {  	s9 =	simm.s32 $0x14880  }
0x1df: {  	[tilespmem:s9], [sflag:$0x1] =	stream.indirect_vreg.gather [hbm4b:s5+s2], $0x80, v3, vm0, $0xb8;
	[tilespmem:$0x18080] =	vst v63  }
0x1e0: {  	v3 =	vld [tilespmem:$0x70];
	_ =	sdelay $0x4  }
0x1e1: {  	v55 =	vshrl.u32 v3, $0x3  }
0x1e2: {  	v4 =	vmul.u32 $0x30, v55  }
0x1e3: {  	v3 =	vand.u32 $0x7, v3  }
0x1e4: {  	v3 =	vor.u32 v3, v4  }
0x1e5: {  	v4 =	vperm.xlane v3, v0;
	_ =	sdelay $0x1  }
0x1e6: {  	v4 =	vadd.s32 v1, v4;
	_ =	sdelay $0x3  }
0x1e7: {  	s9 =	simm.s32 $0x15080;
	v3 =	vperm.xlane v3, v2  }
0x1e8: {  	[tilespmem:s9], [sflag:$0x1] =	stream.indirect_vreg.gather [hbm4b:s3+s2], $0x80, v4, vm0, $0xb8;
	[tilespmem:$0x18080] =	vst v63  }
0x1e9: {  	v3 =	vadd.s32 v1, v3;
	s9 =	simm.s32 $0x15880  }
0x1ea: {  	[tilespmem:s9], [sflag:$0x1] =	stream.indirect_vreg.gather [hbm4b:s4+s2], $0x80, v4, vm0, $0xb8;
	[tilespmem:$0x18080] =	vst v63  }
0x1eb: {  	s9 =	simm.s32 $0x16080  }
0x1ec: {  	[tilespmem:s9], [sflag:$0x1] =	stream.indirect_vreg.gather [hbm4b:s5+s2], $0x80, v4, vm0, $0xb8;
	[tilespmem:$0x18080] =	vst v63  }
0x1ed: {  	s9 =	simm.s32 $0x16880  }
0x1ee: {  	[tilespmem:s9], [sflag:$0x1] =	stream.indirect_vreg.gather [hbm4b:s3+s2], $0x80, v3, vm0, $0xb8;
	[tilespmem:$0x18080] =	vst v63  }
0x1ef: {  	s9 =	simm.s32 $0x17080  }
0x1f0: {  	[tilespmem:s9], [sflag:$0x1] =	stream.indirect_vreg.gather [hbm4b:s4+s2], $0x80, v3, vm0, $0xb8;
	[tilespmem:$0x18080] =	vst v63  }
0x1f1: {  	s9 =	simm.s32 $0x17880  }
0x1f2: {  	[tilespmem:s9], [sflag:$0x1] =	stream.indirect_vreg.gather [hbm4b:s5+s2], $0x80, v3, vm0, $0xb8;
	[tilespmem:$0x18080] =	vst v63  }
0x1f3: {  	_ =	swait.ge [sflag:s1], $0x18000  }
0x1f4: {  	[sflag:s1] =	ssyncset.done $0x0  }
0x1f5: {  	s9 =	rddreg [dreg:$0x7];
	[sflag:s1] =	ssyncadd.s32 $0xFFFE8000  }
0x1f6: {  	[hbm4b:s9+s2] =	stream.linear.scatter [tilespmem:s28], [sflag:$0x2], $0x18000, $0x38;
	[tilespmem:$0x18080] =	vst v63  }
0x1f7: {  	_ =	swait.ge [sflag:s7], $0x18000  }
0x1f8: {  	[sflag:s7] =	ssyncset.done $0x0  }
0x1f9: {  	s9 =	rddreg [dreg:$0x8];
	[sflag:s7] =	ssyncadd.s32 $0xFFFE8000  }
0x1fa: {  	[tilespmem:s2], [sflag:$0x2] =	stream.linear.gather [hbm4b:s9+s2], $0x80, $0x38;
	[tilespmem:$0x18080] =	vst v63  }
0x1fb: {  	_ =	swait.ge [sflag:s7], $0x80  }
0x1fc: {  	[sflag:s7] =	ssyncset.done $0x0  }
0x1fd: {  	[sflag:s7] =	ssyncadd.s32 $0xFFFFFF80  }
0x1fe: {  	v3 =	vld [tilespmem:$0x0];
	_ =	sdelay $0x4  }
0x1ff: {  	v56 =	vshrl.u32 v3, $0x3  }
0x200: {  	v4 =	vmul.u32 $0x30, v56  }
0x201: {  	v3 =	vand.u32 $0x7, v3  }
0x202: {  	v3 =	vor.u32 v3, v4  }
0x203: {  	v4 =	vperm.xlane v3, v0;
	_ =	sdelay $0x1  }
0x204: {  	v4 =	vadd.s32 v1, v4;
	_ =	sdelay $0x3  }
0x205: {  	v3 =	vperm.xlane v3, v2  }
0x206: {  	[tilespmem:s28], [sflag:$0x1] =	stream.indirect_vreg.gather [hbm4b:s3+s2], $0x80, v4, vm0, $0xb8;
	[tilespmem:$0x18080] =	vst v63  }
0x207: {  	s0 =	simm.s32 $0x880;
	v3 =	vadd.s32 v1, v3  }
0x208: {  	[tilespmem:s0], [sflag:$0x1] =	stream.indirect_vreg.gather [hbm4b:s4+s2], $0x80, v4, vm0, $0xb8;
	[tilespmem:$0x18080] =	vst v63  }
0x209: {  	s8 =	simm.s32 $0x1080  }
0x20a: {  	[tilespmem:s8], [sflag:$0x1] =	stream.indirect_vreg.gather [hbm4b:s5+s2], $0x80, v4, vm0, $0xb8;
	[tilespmem:$0x18080] =	vst v63  }
0x20b: {  	s10 =	simm.s32 $0x1880  }
0x20c: {  	[tilespmem:s10], [sflag:$0x1] =	stream.indirect_vreg.gather [hbm4b:s3+s2], $0x80, v3, vm0, $0xb8;
	[tilespmem:$0x18080] =	vst v63  }
0x20d: {  	s11 =	simm.s32 $0x2080  }
0x20e: {  	[tilespmem:s11], [sflag:$0x1] =	stream.indirect_vreg.gather [hbm4b:s4+s2], $0x80, v3, vm0, $0xb8;
	[tilespmem:$0x18080] =	vst v63  }
0x20f: {  	s10 =	simm.s32 $0x2880  }
0x210: {  	[tilespmem:s10], [sflag:$0x1] =	stream.indirect_vreg.gather [hbm4b:s5+s2], $0x80, v3, vm0, $0xb8;
	[tilespmem:$0x18080] =	vst v63  }
0x211: {  	v3 =	vld [tilespmem:$0x10];
	_ =	sdelay $0x4  }
0x212: {  	v57 =	vshrl.u32 v3, $0x3  }
0x213: {  	v4 =	vmul.u32 $0x30, v57  }
0x214: {  	v3 =	vand.u32 $0x7, v3  }
0x215: {  	v3 =	vor.u32 v3, v4  }
0x216: {  	v4 =	vperm.xlane v3, v0;
	_ =	sdelay $0x1  }
0x217: {  	v4 =	vadd.s32 v1, v4;
	_ =	sdelay $0x3  }
0x218: {  	s11 =	simm.s32 $0x3080;
	v3 =	vperm.xlane v3, v2  }
0x219: {  	[tilespmem:s11], [sflag:$0x1] =	stream.indirect_vreg.gather [hbm4b:s3+s2], $0x80, v4, vm0, $0xb8;
	[tilespmem:$0x18080] =	vst v63  }
0x21a: {  	s12 =	simm.s32 $0x3880;
	v3 =	vadd.s32 v1, v3  }
0x21b: {  	[tilespmem:s12], [sflag:$0x1] =	stream.indirect_vreg.gather [hbm4b:s4+s2], $0x80, v4, vm0, $0xb8;
	[tilespmem:$0x18080] =	vst v63  }
0x21c: {  	s13 =	simm.s32 $0x4080  }
0x21d: {  	[tilespmem:s13], [sflag:$0x1] =	stream.indirect_vreg.gather [hbm4b:s5+s2], $0x80, v4, vm0, $0xb8;
	[tilespmem:$0x18080] =	vst v63  }
0x21e: {  	s14 =	simm.s32 $0x4880  }
0x21f: {  	[tilespmem:s14], [sflag:$0x1] =	stream.indirect_vreg.gather [hbm4b:s3+s2], $0x80, v3, vm0, $0xb8;
	[tilespmem:$0x18080] =	vst v63  }
0x220: {  	s15 =	simm.s32 $0x5080  }
0x221: {  	[tilespmem:s15], [sflag:$0x1] =	stream.indirect_vreg.gather [hbm4b:s4+s2], $0x80, v3, vm0, $0xb8;
	[tilespmem:$0x18080] =	vst v63  }
0x222: {  	s14 =	simm.s32 $0x5880  }
0x223: {  	[tilespmem:s14], [sflag:$0x1] =	stream.indirect_vreg.gather [hbm4b:s5+s2], $0x80, v3, vm0, $0xb8;
	[tilespmem:$0x18080] =	vst v63  }
0x224: {  	v3 =	vld [tilespmem:$0x20];
	_ =	sdelay $0x4  }
0x225: {  	v58 =	vshrl.u32 v3, $0x3  }
0x226: {  	v4 =	vmul.u32 $0x30, v58  }
0x227: {  	v3 =	vand.u32 $0x7, v3  }
0x228: {  	v3 =	vor.u32 v3, v4  }
0x229: {  	v4 =	vperm.xlane v3, v0;
	_ =	sdelay $0x1  }
0x22a: {  	v4 =	vadd.s32 v1, v4;
	_ =	sdelay $0x3  }
0x22b: {  	s15 =	simm.s32 $0x6080;
	v3 =	vperm.xlane v3, v2  }
0x22c: {  	[tilespmem:s15], [sflag:$0x1] =	stream.indirect_vreg.gather [hbm4b:s3+s2], $0x80, v4, vm0, $0xb8;
	[tilespmem:$0x18080] =	vst v63  }
0x22d: {  	s16 =	simm.s32 $0x6880;
	v3 =	vadd.s32 v1, v3  }
0x22e: {  	[tilespmem:s16], [sflag:$0x1] =	stream.indirect_vreg.gather [hbm4b:s4+s2], $0x80, v4, vm0, $0xb8;
	[tilespmem:$0x18080] =	vst v63  }
0x22f: {  	s17 =	simm.s32 $0x7080  }
0x230: {  	[tilespmem:s17], [sflag:$0x1] =	stream.indirect_vreg.gather [hbm4b:s5+s2], $0x80, v4, vm0, $0xb8;
	[tilespmem:$0x18080] =	vst v63  }
0x231: {  	s18 =	simm.s32 $0x7880  }
0x232: {  	[tilespmem:s18], [sflag:$0x1] =	stream.indirect_vreg.gather [hbm4b:s3+s2], $0x80, v3, vm0, $0xb8;
	[tilespmem:$0x18080] =	vst v63  }
0x233: {  	s19 =	simm.s32 $0x8080  }
0x234: {  	[tilespmem:s19], [sflag:$0x1] =	stream.indirect_vreg.gather [hbm4b:s4+s2], $0x80, v3, vm0, $0xb8;
	[tilespmem:$0x18080] =	vst v63  }
0x235: {  	s8 =	simm.s32 $0x8880  }
0x236: {  	[tilespmem:s8], [sflag:$0x1] =	stream.indirect_vreg.gather [hbm4b:s5+s2], $0x80, v3, vm0, $0xb8;
	[tilespmem:$0x18080] =	vst v63  }
0x237: {  	v3 =	vld [tilespmem:$0x30];
	_ =	sdelay $0x4  }
0x238: {  	v59 =	vshrl.u32 v3, $0x3  }
0x239: {  	v4 =	vmul.u32 $0x30, v59  }
0x23a: {  	v3 =	vand.u32 $0x7, v3  }
0x23b: {  	v3 =	vor.u32 v3, v4  }
0x23c: {  	v4 =	vperm.xlane v3, v0;
	_ =	sdelay $0x1  }
0x23d: {  	v4 =	vadd.s32 v1, v4;
	_ =	sdelay $0x3  }
0x23e: {  	s9 =	simm.s32 $0x9080;
	v3 =	vperm.xlane v3, v2  }
0x23f: {  	[tilespmem:s9], [sflag:$0x1] =	stream.indirect_vreg.gather [hbm4b:s3+s2], $0x80, v4, vm0, $0xb8;
	[tilespmem:$0x18080] =	vst v63  }
0x240: {  	s20 =	simm.s32 $0x9880;
	v3 =	vadd.s32 v1, v3  }
0x241: {  	[tilespmem:s20], [sflag:$0x1] =	stream.indirect_vreg.gather [hbm4b:s4+s2], $0x80, v4, vm0, $0xb8;
	[tilespmem:$0x18080] =	vst v63  }
0x242: {  	s21 =	simm.s32 $0xA080  }
0x243: {  	[tilespmem:s21], [sflag:$0x1] =	stream.indirect_vreg.gather [hbm4b:s5+s2], $0x80, v4, vm0, $0xb8;
	[tilespmem:$0x18080] =	vst v63  }
0x244: {  	s22 =	simm.s32 $0xA880  }
0x245: {  	[tilespmem:s22], [sflag:$0x1] =	stream.indirect_vreg.gather [hbm4b:s3+s2], $0x80, v3, vm0, $0xb8;
	[tilespmem:$0x18080] =	vst v63  }
0x246: {  	s10 =	simm.s32 $0xB080  }
0x247: {  	[tilespmem:s10], [sflag:$0x1] =	stream.indirect_vreg.gather [hbm4b:s4+s2], $0x80, v3, vm0, $0xb8;
	[tilespmem:$0x18080] =	vst v63  }
0x248: {  	s11 =	simm.s32 $0xB880  }
0x249: {  	[tilespmem:s11], [sflag:$0x1] =	stream.indirect_vreg.gather [hbm4b:s5+s2], $0x80, v3, vm0, $0xb8;
	[tilespmem:$0x18080] =	vst v63  }
0x24a: {  	v3 =	vld [tilespmem:$0x40];
	_ =	sdelay $0x4  }
0x24b: {  	v60 =	vshrl.u32 v3, $0x3  }
0x24c: {  	v4 =	vmul.u32 $0x30, v60  }
0x24d: {  	v3 =	vand.u32 $0x7, v3  }
0x24e: {  	v3 =	vor.u32 v3, v4  }
0x24f: {  	v4 =	vperm.xlane v3, v0;
	_ =	sdelay $0x1  }
0x250: {  	v4 =	vadd.s32 v1, v4;
	_ =	sdelay $0x3  }
0x251: {  	s12 =	simm.s32 $0xC080;
	v3 =	vperm.xlane v3, v2  }
0x252: {  	[tilespmem:s12], [sflag:$0x1] =	stream.indirect_vreg.gather [hbm4b:s3+s2], $0x80, v4, vm0, $0xb8;
	[tilespmem:$0x18080] =	vst v63  }
0x253: {  	s23 =	simm.s32 $0xC880;
	v3 =	vadd.s32 v1, v3  }
0x254: {  	[tilespmem:s23], [sflag:$0x1] =	stream.indirect_vreg.gather [hbm4b:s4+s2], $0x80, v4, vm0, $0xb8;
	[tilespmem:$0x18080] =	vst v63  }
0x255: {  	s24 =	simm.s32 $0xD080  }
0x256: {  	[tilespmem:s24], [sflag:$0x1] =	stream.indirect_vreg.gather [hbm4b:s5+s2], $0x80, v4, vm0, $0xb8;
	[tilespmem:$0x18080] =	vst v63  }
0x257: {  	s25 =	simm.s32 $0xD880  }
0x258: {  	[tilespmem:s25], [sflag:$0x1] =	stream.indirect_vreg.gather [hbm4b:s3+s2], $0x80, v3, vm0, $0xb8;
	[tilespmem:$0x18080] =	vst v63  }
0x259: {  	s26 =	simm.s32 $0xE080  }
0x25a: {  	[tilespmem:s26], [sflag:$0x1] =	stream.indirect_vreg.gather [hbm4b:s4+s2], $0x80, v3, vm0, $0xb8;
	[tilespmem:$0x18080] =	vst v63  }
0x25b: {  	s13 =	simm.s32 $0xE880  }
0x25c: {  	[tilespmem:s13], [sflag:$0x1] =	stream.indirect_vreg.gather [hbm4b:s5+s2], $0x80, v3, vm0, $0xb8;
	[tilespmem:$0x18080] =	vst v63  }
0x25d: {  	v3 =	vld [tilespmem:$0x50];
	_ =	sdelay $0x4  }
0x25e: {  	v61 =	vshrl.u32 v3, $0x3  }
0x25f: {  	v4 =	vmul.u32 $0x30, v61  }
0x260: {  	v3 =	vand.u32 $0x7, v3  }
0x261: {  	v3 =	vor.u32 v3, v4  }
0x262: {  	v4 =	vperm.xlane v3, v0;
	_ =	sdelay $0x1  }
0x263: {  	v4 =	vadd.s32 v1, v4;
	_ =	sdelay $0x3  }
0x264: {  	s14 =	simm.s32 $0xF080;
	v3 =	vperm.xlane v3, v2  }
0x265: {  	[tilespmem:s14], [sflag:$0x1] =	stream.indirect_vreg.gather [hbm4b:s3+s2], $0x80, v4, vm0, $0xb8;
	[tilespmem:$0x18080] =	vst v63  }
0x266: {  	s29 =	simm.s32 $0xF880;
	v3 =	vadd.s32 v1, v3  }
0x267: {  	[tilespmem:s29], [sflag:$0x1] =	stream.indirect_vreg.gather [hbm4b:s4+s2], $0x80, v4, vm0, $0xb8;
	[tilespmem:$0x18080] =	vst v63  }
0x268: {  	s30 =	simm.s32 $0x10080  }
0x269: {  	[tilespmem:s30], [sflag:$0x1] =	stream.indirect_vreg.gather [hbm4b:s5+s2], $0x80, v4, vm0, $0xb8;
	[tilespmem:$0x18080] =	vst v63  }
0x26a: {  	s31 =	simm.s32 $0x10880  }
0x26b: {  	[tilespmem:s31], [sflag:$0x1] =	stream.indirect_vreg.gather [hbm4b:s3+s2], $0x80, v3, vm0, $0xb8;
	[tilespmem:$0x18080] =	vst v63  }
0x26c: {  	s15 =	simm.s32 $0x11080  }
0x26d: {  	[tilespmem:s15], [sflag:$0x1] =	stream.indirect_vreg.gather [hbm4b:s4+s2], $0x80, v3, vm0, $0xb8;
	[tilespmem:$0x18080] =	vst v63  }
0x26e: {  	s16 =	simm.s32 $0x11880  }
0x26f: {  	[tilespmem:s16], [sflag:$0x1] =	stream.indirect_vreg.gather [hbm4b:s5+s2], $0x80, v3, vm0, $0xb8;
	[tilespmem:$0x18080] =	vst v63  }
0x270: {  	v3 =	vld [tilespmem:$0x60];
	_ =	sdelay $0x4  }
0x271: {  	v62 =	vshrl.u32 v3, $0x3  }
0x272: {  	v4 =	vmul.u32 $0x30, v62  }
0x273: {  	v3 =	vand.u32 $0x7, v3  }
0x274: {  	v3 =	vor.u32 v3, v4  }
0x275: {  	v4 =	vperm.xlane v3, v0;
	_ =	sdelay $0x1  }
0x276: {  	v4 =	vadd.s32 v1, v4;
	_ =	sdelay $0x3  }
0x277: {  	s17 =	simm.s32 $0x12080;
	v3 =	vperm.xlane v3, v2  }
0x278: {  	[tilespmem:s17], [sflag:$0x1] =	stream.indirect_vreg.gather [hbm4b:s3+s2], $0x80, v4, vm0, $0xb8;
	[tilespmem:$0x18080] =	vst v63  }
0x279: {  	s18 =	simm.s32 $0x12880;
	v3 =	vadd.s32 v1, v3  }
0x27a: {  	[tilespmem:s18], [sflag:$0x1] =	stream.indirect_vreg.gather [hbm4b:s4+s2], $0x80, v4, vm0, $0xb8;
	[tilespmem:$0x18080] =	vst v63  }
0x27b: {  	s19 =	simm.s32 $0x13080  }
0x27c: {  	[tilespmem:s19], [sflag:$0x1] =	stream.indirect_vreg.gather [hbm4b:s5+s2], $0x80, v4, vm0, $0xb8;
	[tilespmem:$0x18080] =	vst v63  }
0x27d: {  	s20 =	simm.s32 $0x13880  }
0x27e: {  	[tilespmem:s20], [sflag:$0x1] =	stream.indirect_vreg.gather [hbm4b:s3+s2], $0x80, v3, vm0, $0xb8;
	[tilespmem:$0x18080] =	vst v63  }
0x27f: {  	s21 =	simm.s32 $0x14080  }
0x280: {  	[tilespmem:s21], [sflag:$0x1] =	stream.indirect_vreg.gather [hbm4b:s4+s2], $0x80, v3, vm0, $0xb8;
	[tilespmem:$0x18080] =	vst v63  }
0x281: {  	s22 =	simm.s32 $0x14880  }
0x282: {  	[tilespmem:s22], [sflag:$0x1] =	stream.indirect_vreg.gather [hbm4b:s5+s2], $0x80, v3, vm0, $0xb8;
	[tilespmem:$0x18080] =	vst v63  }
0x283: {  	v3 =	vld [tilespmem:$0x70];
	_ =	sdelay $0x4  }
0x284: {  	v63 =	vshrl.u32 v3, $0x3  }
0x285: {  	v4 =	vmul.u32 $0x30, v63  }
0x286: {  	v3 =	vand.u32 $0x7, v3  }
0x287: {  	v3 =	vor.u32 v3, v4  }
0x288: {  	v4 =	vperm.xlane v3, v0;
	_ =	sdelay $0x1  }
0x289: {  	v4 =	vadd.s32 v1, v4;
	_ =	sdelay $0x3  }
0x28a: {  	s23 =	simm.s32 $0x15080;
	v3 =	vperm.xlane v3, v2  }
0x28b: {  	[tilespmem:s23], [sflag:$0x1] =	stream.indirect_vreg.gather [hbm4b:s3+s2], $0x80, v4, vm0, $0xb8;
	[tilespmem:$0x18080] =	vst v63  }
0x28c: {  	s24 =	simm.s32 $0x15880;
	v3 =	vadd.s32 v1, v3  }
0x28d: {  	[tilespmem:s24], [sflag:$0x1] =	stream.indirect_vreg.gather [hbm4b:s4+s2], $0x80, v4, vm0, $0xb8;
	[tilespmem:$0x18080] =	vst v63  }
0x28e: {  	s25 =	simm.s32 $0x16080  }
0x28f: {  	[tilespmem:s25], [sflag:$0x1] =	stream.indirect_vreg.gather [hbm4b:s5+s2], $0x80, v4, vm0, $0xb8;
	[tilespmem:$0x18080] =	vst v63  }
0x290: {  	s26 =	simm.s32 $0x16880  }
0x291: {  	[tilespmem:s26], [sflag:$0x1] =	stream.indirect_vreg.gather [hbm4b:s3+s2], $0x80, v3, vm0, $0xb8;
	[tilespmem:$0x18080] =	vst v63  }
0x292: {  	s29 =	simm.s32 $0x17080  }
0x293: {  	[tilespmem:s29], [sflag:$0x1] =	stream.indirect_vreg.gather [hbm4b:s4+s2], $0x80, v3, vm0, $0xb8;
	[tilespmem:$0x18080] =	vst v63  }
0x294: {  	s30 =	simm.s32 $0x17880  }
0x295: {  	[tilespmem:s30], [sflag:$0x1] =	stream.indirect_vreg.gather [hbm4b:s5+s2], $0x80, v3, vm0, $0xb8;
	[tilespmem:$0x18080] =	vst v63  }
0x296: {  	_ =	swait.ge [sflag:s1], $0x18000  }
0x297: {  	p0 =	sne.s32 s6, $0x1;
	[sflag:s1] =	ssyncset.done $0x0  }
.Ltmp0:
0x298: {  	s31 =	rddreg [dreg:$0x9];
	[sflag:s1] =	ssyncadd.s32 $0xFFFE8000;
	(pc) =	sbr.rel @p0 .LBB2_1-.Ltmp0, $4  }
0x299: {  	[hbm4b:s31+s2] =	stream.linear.scatter [tilespmem:s28], [sflag:$0x2], $0x18000, $0x38;
	[tilespmem:$0x18080] =	vst v63  }
0x29a: {  	_ =	swait.ge [sflag:s7], $0x18000  }
0x29b: {  	[sflag:s7] =	ssyncset.done $0x0  }
0x29c: {  	s6 =	sadd.s32 $0xFFFFFFFF, s6;
	[sflag:s7] =	ssyncadd.s32 $0xFFFE8000  }
0x29d: {  	_ =	sfence.sel $0x180000  }
0x29e: {  	[bflag:$0x0] =	sbarrier.arrive $0xFFFF  }
0x29f: {  	_ =	strace $0x9000004A  }
0x2a0: {  	s0 =	stileid.u32;
	[bflag:$0x2] =	sbarrier.arrive $0xFFFF  }
0x2a1: {  	p0 =	sne.s32 s0, $0x0;
	s0 =	rddreg [dreg:$0x1]  }
0x2a2: {  	s0 =	sadd.s32 @!p0 $0x100000, s0  }
0x2a3: {  	[sflag:s0] =	ssyncadd.tile.s32 @!p0 $0x1;
	_ =	shalt  }
.Lfunc_end2:
_tile_overlayer_lowered:
.L_overlay_start_2:
0x2a4: {  	(tag) =	ssettag $0x2  }
0x2a5: {  	s0 =	rddreg [dreg:$0x0];
	s2 =	stileid.u32  }
0x2a6: {  	s1 =	rddreg [dreg:$0x1];
	p0 =	sne.s32 s2, $0x0  }
0x2a7: {  	s3 =	rddreg [dreg:$0x2];
	[bflag:$0x3] =	sbarrier.arrive $0xFFFF;
	s2 =	simm.s32 @!p0 $0x1C02  }
0x2a8: {  	[timem:s3], [sflag:s2] =	dma.local @!p0 [hbm:s0], s1  }
0x2a9: {  	s0 =	simm.s32 @!p0 $0x2  }
0x2aa: {  	_ =	swait.ge @!p0 [sflag:s0], s1  }
0x2ab: {  	s1 =	ssub.s32 @!p0 $0x0, s1;
	[sflag:s0] =	ssyncset.done @!p0 $0x0  }
0x2ac: {  	[sflag:s0] =	ssyncadd.s32 @!p0 s1  }
0x2ad: {  	[bflag:$0x3] =	sbarrier.arrive $0xFFFF  }
0x2ae: {  	_ =	shalt  }

// kernel: kernel.7.cloned.1.call-start
scs
__scs_entry_jumppad:
0x0: {  	(pc) =	sbr.rel $0x88, $3  }
0x1: {  	(tag) =	ssettag $0x0;
	lr =	simm.s32 $0x1  }
0x2: {  	[smem:$0x3F9A] =	sst lr;
	_ =	strace $0xD0000000  }
0x3: {  	_ = 	snop  }
0x4: {  	_ = 	snop  }
0x5: {  	_ = 	snop  }
0x6: {  	_ = 	snop  }
0x7: {  	_ = 	snop  }
__scs_overlays_trampoline_lowered:
0x8: {  	[smem:$0x3FA9] =	sst s0  }
0x9: {  	[smem:$0x3FAA] =	sst s1  }
0xa: {  	[smem:$0x3FAB] =	sst s2  }
0xb: {  	[smem:$0x3FAC] =	sst s3  }
0xc: {  	[smem:$0x3FAD] =	sst s4  }
0xd: {  	[smem:$0x3FAE] =	sst s5  }
0xe: {  	[smem:$0x3FAF] =	sst s6  }
0xf: {  	[smem:$0x3FB0] =	sst s7  }
0x10: {  	[smem:$0x3FB1] =	sst s8  }
0x11: {  	[smem:$0x3FB2] =	sst s9;
	s0 =	simm.s32 @!p0 $0x0  }
0x12: {  	s1 =	sld [smem:$0x3F98];
	s0 =	simm.s32 @p0 $0x1  }
0x13: {  	[smem:$0x3FB3] =	sst s0;
	s0 =	simm.s32 @!p1 $0x0  }
0x14: {  	s2 =	sld [smem:$0x3F97];
	s0 =	simm.s32 @p1 $0x1  }
0x15: {  	[smem:$0x3FB4] =	sst s0;
	s0 =	simm.s32 @!p2 $0x0  }
0x16: {  	s3 =	sld [smem:$0x3FDB];
	s0 =	simm.s32 @p2 $0x1  }
0x17: {  	s4 =	simm.s32 $0x1BF5;
	[smem:$0x3FB6] =	sst s0  }
0x18: {  	s0 =	sld [smem:$0x3F99];
	_ =	swait.ge [sflag:s4], $0x0  }
0x19: {  	s7 =	sld [smem:$0x3F9A]  }
0x1a: {  	s8 =	sadd.s32 $0xFFFFE003, lr  }
0x1b: {  	s9 =	sadd.s32 $0xFFFFFEF7, lr;
	s5 =	simm.s32 $0xFFFFFFFF;
	p2 =	slt.u32 s8, $0xFFFFF086  }
0x1c: {  	p1 =	slt.u32 s9, $0xF7A;
	s5 =	simm.s32 @!p2 $0x0  }
0x1d: {  	s5 =	simm.s32 @p1 $0x1;
	p0 =	seq.s32 s7, s2  }
0x1e: {  	s7 =	smul.u32 @!p0 $0xF7A, s2;
	p2 =	seq.s32 @!p0 s5, $0x0  }
0x1f: {  	s9 =	smul.u32 $0xF7A, s1;
	s8 =	simm.s32 @!p0 $0x1BF5;
	p2 =	por !p2, p0  }
0x20: {  	[sflag:s8] =	ssyncset.s32 @!p0 $0xFFFFF086;
	s6 =	sadd.s32 @!p0 s3, s7;
	s7 =	simm.s32 @!p0 $0x108  }
0x21: {  	s3 =	sadd.s32 s3, s9;
	s6 =	sadd.s32 @!p0 $0x88, s6;
	s7 =	simm.s32 @p2 $0x1082  }
0x22: {  	[simem:s7], [sflag:s8] =	dma.local @!p0 [hbm:s6], $0xF7A  }
0x23: {  	s9 =	sor.u32 $0xD0000000, s2;
	s6 =	simm.s32 $0x108;
	_ =	swait.ge @!p0 [sflag:s8], $0x0  }
0x24: {  	s3 =	sadd.s32 $0x88, s3;
	s6 =	simm.s32 @!p1 $0x1082;
	[sflag:s4] =	ssyncset.s32 $0xFFFFF086  }
0x25: {  	[simem:s6], [sflag:s4] =	dma.local [hbm:s3], $0xF7A  }
0x26: {  	[smem:$0x3F9A] =	sst s1;
	(tag) =	ssettag s2;
	_ =	strace s9  }
0x27: {  	s1 =	sld [smem:$0x3FAA]  }
0x28: {  	s2 =	sld [smem:$0x3FAB]  }
0x29: {  	s4 =	sld [smem:$0x3FAD]  }
0x2a: {  	p0 =	seq.s32 s5, $0x0;
	s5 =	sld [smem:$0x3FAE]  }
0x2b: {  	s6 =	sld [smem:$0x3FAF]  }
0x2c: {  	s7 =	sld [smem:$0x3FB0]  }
0x2d: {  	s3 =	simm.s32 $0x108;
	s8 =	sld [smem:$0x3FB1]  }
0x2e: {  	s3 =	simm.s32 @!p0 $0x1082;
	s9 =	sld [smem:$0x3FB2]  }
0x2f: {  	lr =	sadd.s32 s0, s3;
	s0 =	sld [smem:$0x3FA9]  }
0x30: {  	s3 =	sld [smem:$0x3FAC]  }
0x31: {  	[smem:$0x3FB5] =	sst s10  }
0x32: {  	s10 =	sld [smem:$0x3FB3];
	_ =	sdelay $0x3  }
0x33: {  	p0 =	seq.s32 s10, $0x1;
	s10 =	sld [smem:$0x3FB5];
	_ =	sdelay $0x3  }
0x34: {  	[smem:$0x3FB5] =	sst s10  }
0x35: {  	s10 =	sld [smem:$0x3FB4];
	_ =	sdelay $0x3  }
0x36: {  	p1 =	seq.s32 s10, $0x1;
	s10 =	sld [smem:$0x3FB5];
	_ =	sdelay $0x3  }
0x37: {  	[smem:$0x3FB5] =	sst s10  }
0x38: {  	s10 =	sld [smem:$0x3FB6]  }
0x39: {  	_ = 	snop;
	(pc) =	sbr.ind lr, $3  }
0x3a: {  	_ = 	snop  }
0x3b: {  	_ = 	snop  }
0x3c: {  	p2 =	seq.s32 s10, $0x1;
	s10 =	sld [smem:$0x3FB5]  }
0x3d: {  	_ =	shalt  }
0x3e: {  	_ =	shalt  }
0x3f: {  	_ =	shalt  }
0x40: {  	_ =	shalt  }
0x41: {  	_ =	shalt  }
0x42: {  	_ =	shalt  }
0x43: {  	_ =	shalt  }
0x44: {  	_ =	shalt  }
0x45: {  	_ =	shalt  }
0x46: {  	_ =	shalt  }
0x47: {  	_ =	shalt  }
0x48: {  	_ =	shalt  }
0x49: {  	_ =	shalt  }
0x4a: {  	_ =	shalt  }
0x4b: {  	_ =	shalt  }
0x4c: {  	_ =	shalt  }
0x4d: {  	_ =	shalt  }
0x4e: {  	_ =	shalt  }
0x4f: {  	_ =	shalt  }
0x50: {  	_ =	shalt  }
0x51: {  	_ =	shalt  }
0x52: {  	_ =	shalt  }
0x53: {  	_ =	shalt  }
0x54: {  	_ =	shalt  }
0x55: {  	_ =	shalt  }
0x56: {  	_ =	shalt  }
0x57: {  	_ =	shalt  }
0x58: {  	_ =	shalt  }
0x59: {  	_ =	shalt  }
0x5a: {  	_ =	shalt  }
0x5b: {  	_ =	shalt  }
0x5c: {  	_ =	shalt  }
0x5d: {  	_ =	shalt  }
0x5e: {  	_ =	shalt  }
0x5f: {  	_ =	shalt  }
0x60: {  	_ =	shalt  }
0x61: {  	_ =	shalt  }
0x62: {  	_ =	shalt  }
0x63: {  	_ =	shalt  }
0x64: {  	_ =	shalt  }
0x65: {  	_ =	shalt  }
0x66: {  	_ =	shalt  }
0x67: {  	_ =	shalt  }
0x68: {  	_ =	shalt  }
0x69: {  	_ =	shalt  }
0x6a: {  	_ =	shalt  }
0x6b: {  	_ =	shalt  }
0x6c: {  	_ =	shalt  }
0x6d: {  	_ =	shalt  }
0x6e: {  	_ =	shalt  }
0x6f: {  	_ =	shalt  }
0x70: {  	_ =	shalt  }
0x71: {  	_ =	shalt  }
0x72: {  	_ =	shalt  }
0x73: {  	_ =	shalt  }
0x74: {  	_ =	shalt  }
0x75: {  	_ =	shalt  }
0x76: {  	_ =	shalt  }
0x77: {  	_ =	shalt  }
0x78: {  	_ =	shalt  }
0x79: {  	_ =	shalt  }
0x7a: {  	_ =	shalt  }
0x7b: {  	_ =	shalt  }
0x7c: {  	_ =	shalt  }
0x7d: {  	_ =	shalt  }
0x7e: {  	_ =	shalt  }
0x7f: {  	_ =	shalt  }
0x80: {  	_ =	shalt  }
0x81: {  	_ =	shalt  }
0x82: {  	_ =	shalt  }
0x83: {  	_ =	shalt  }
0x84: {  	_ =	shalt  }
0x85: {  	_ =	shalt  }
0x86: {  	_ =	shalt  }
0x87: {  	_ =	shalt  }
.Lfunc_end0:
.L_simem_size_0:
called_computation_lowered:
.L_overlay_start_0:
0x88: {  	s2 =	sld [smem:$0x3FD9]  }
0x89: {  	s3 =	sld [smem:$0x3FFE];
	_ =	sdelay $0x1  }
0x8a: {  	s1 =	srdreg.scid  }
0x8b: {  	s0 =	sand.u32 $0x1, s1  }
0x8c: {  	s17 =	sshll.u32 s0, $0xA;
	s2 =	sadd.s32 s3, s2  }
0x8d: {  	s2 =	sadd.s32 s2, s17  }
0x8e: {  	[smem:$0x3FC1] =	sst s2  }
0x8f: {  	_ = 	snop  }
0x90: {  	s2 =	sld [smem:$0x3FC9];
	(tm) =	ssettm $0x1  }
0x91: {  	s18 =	sld [smem:$0x3FFB];
	_ =	sdelay $0x3  }
0x92: {  	_ =	strace s18  }
0x93: {  	s3 =	sld [smem:$0x3FFC];
	_ =	sdelay $0x3  }
0x94: {  	_ =	strace s3  }
0x95: {  	s3 =	sld [smem:$0x3FFD];
	_ =	sdelay $0x3  }
0x96: {  	_ =	strace s3  }
0x97: {  	_ =	strace $0x8FFFFFFF  }
0x98: {  	s19 =	sld [smem:$0x3FDB];
	_ =	sdelay $0x1  }
0x99: {  	s4 =	simm.s32 $_scs_section_size  }
0x9a: {  	s5 =	simm.s32 $_size__tile_overlayer_lowered;
	s6 =	simm.s32 $_tile_overlayer_lowered  }
0x9b: {  	s22 =	simm.s32 $0x1BFF;
	s21 =	sshll.u32 s6, $0x1;
	s3 =	sadd.s32 s4, s19  }
0x9c: {  	s7 =	simm.s32 $0x0;
	s20 =	sshll.u32 s5, $0x1;
	s5 =	sadd.s32 s21, s3  }
0x9d: {  	[timem:s7], [sflag:s22] =	dma.local [hbm:s5], s20  }
0x9e: {  	_ =	swait.ge [sflag:s22], s20  }
0x9f: {  	s4 =	ssub.s32 $0x0, s20;
	[sflag:s22] =	ssyncset.done $0x0  }
0xa0: {  	[sflag:s22] =	ssyncadd.s32 s4;
	_ =	sdelay $0x1  }
0xa1: {  	s23 =	simm.s32 $0x1B8B  }
0xa2: {  	_ =	swait.ge [sflag:s23], $0x1  }
0xa3: {  	[sflag:s23] =	ssyncset.done $0x0  }
0xa4: {  	s25 =	simm.s32 $0x1B8E;
	s24 =	sld [smem:$0x3FFE];
	[sflag:s23] =	ssyncadd.s32 $0xFFFFFFFF  }
0xa5: {  	s26 =	simm.s32 $execute0_lowered;
	[smem:$0x3FD2] =	sst s25  }
0xa6: {  	s5 =	sshll.u32 s26, $0x1;
	_ =	strace $0x80000046;
	[dreg:$0x1] =	wrdreg $0xFFFFFFFF  }
0xa7: {  	s28 =	simm.s32 $_size_execute0_lowered;
	s3 =	sadd.s32 s3, s5;
	[dreg:$0x0] =	wrdreg $0x0  }
0xa8: {  	s5 =	sshll.u32 s28, $0x1;
	[dreg:$0x2] =	wrdreg s3  }
0xa9: {  	[dreg:$0x3] =	wrdreg s5  }
0xaa: {  	[dreg:$0x4] =	wrdreg $0xC0  }
0xab: {  	_ =	task [dreg:s7], $0x5FFFF  }
0xac: {  	[dreg:$0x1] =	wrdreg $0xFFFFFFFF  }
0xad: {  	[dreg:$0x0] =	wrdreg $0x60  }
0xae: {  	[dreg:$0x2] =	wrdreg s2  }
0xaf: {  	[dreg:$0x3] =	wrdreg s24  }
0xb0: {  	[dreg:$0x4] =	wrdreg $0x9  }
0xb1: {  	_ =	task.clear_ibuf [dreg:s7], $0x5FFFF;
	_ =	strace $0x90000046  }
0xb2: {  	s29 =	simm.s32 $0x9;
	_ =	strace $0x80000048  }
0xb3: {  	_ =	swait.ge [sflag:s29], $0x1  }
0xb4: {  	[sflag:s29] =	ssyncadd.s32 $0xFFFFFFFF  }
0xb5: {  	_ =	strace $0x90000048  }
0xb6: {  	_ =	sfence  }
0xb7: {  	s30 =	sld [smem:$0x0];
	_ =	sdelay $0x2  }
0xb8: {  	s31 =	sshll.u32 s1, $0xD;
	s1 =	sshrl.u32 s1, $0x2  }
0xb9: {  	s3 =	sand.u32 $0x4000, s31;
	s1 =	sadd.s32 s1, s30  }
0xba: {  	s0 =	sor.u32 s3, s0;
	s1 =	sshll.u32 s1, $0x11  }
0xbb: {  	s0 =	sor.u32 s1, s0  }
0xbc: {  	s0 =	sadd.s32 $0x8F2B, s0  }
0xbd: {  	[sflag:s0] =	ssyncadd.remote.s32 $0x1  }
0xbe: {  	_ =	sfence.sel $0xFFFF  }
0xbf: {  	[dreg:$0x0] =	wrdreg $0xFFFFFFFF;
	(pc) =	sbr.abs _section_cstart, $3  }
0xc0: {  	[dreg:$0x1] =	wrdreg $0xFFFFFFFF  }
0xc1: {  	_ =	task.clear_ibuf [dreg:s7], $0x2FFFF;
	_ =	strace $0x9FFFFFFF  }
0xc2: {  	(tm) =	ssettm $0x7FFFFFFF  }
0xc3: {  	_ =	shalt  }
tec
execute0_lowered:
.L_overlay_start_1:
0x0: {  	(tag) =	ssettag $0x1  }
0x1: {  	s0 =	srdreg.scid;
	s1 =	rddreg [dreg:$0x0]  }
0x2: {  	s2 =	stileid.u32;
	s4 =	rddreg [dreg:$0x1]  }
0x3: {  	s0 =	sand.u32 $0x1, s0;
	s3 =	sshll.u32 s2, $0x7;
	s2 =	simm.s32 $0x0  }
0x4: {  	s29 =	simm.s32 $0x80;
	s5 =	sshll.u32 s0, $0x6;
	[smem:$0x7FF] =	sst s2  }
0x5: {  	s0 =	ssub.s32 $0x2, s0;
	s3 =	sor.u32 s5, s3;
	_ =	strace $0x80000047  }
0x6: {  	s30 =	sshrl.u32 s0, $0x1;
	s5 =	sand.u32 $0x1C0, s3;
	s6 =	sadd.s32 s3, s4  }
0x7: {  	s3 =	sadd.s32 $0x11000, s4;
	s0 =	ssub.s32 s0, s30;
	s8 =	sadd.s32 $0x10800, s6  }
0x8: {  	s7 =	smul.u32 $0x300, s5;
	s25 =	sadd.s32 $0x10810, s6;
	[dreg:$0x3] =	wrdreg s8  }
0x9: {  	s5 =	smul.u32 $0x1800, s5;
	s28 =	sadd.s32 $0x10820, s6;
	[dreg:$0x4] =	wrdreg s25  }
0xa: {  	s31 =	sadd.s32 $0x10830, s6;
	s6 =	sadd.s32 $0x11200, s4;
	[dreg:$0x6] =	wrdreg s28  }
0xb: {  	[dreg:$0x8] =	wrdreg s31;
	s24 =	sadd.s32 s1, s7;
	s5 =	sshrl.u32 s5, $0x3  }
0xc: {  	[dreg:$0xa] =	wrdreg s24;
	s26 =	sadd.s32 $0x3000, s24;
	s1 =	sadd.s32 s1, s5  }
0xd: {  	v2 =	vlaneseq.u32;
	s8 =	simm.s32 $0x2;
	[dreg:$0x5] =	wrdreg s26;
	s5 =	sadd.s32 $0x6000, s1  }
0xe: {  	vm0 =	vmmov $0xffff;
	v1 =	vshrl.u32 v2, $0x3;
	s7 =	smax.u32 s0, $0x1;
	s1 =	sadd.s32 $0x9000, s1;
	[dreg:$0x7] =	wrdreg s5  }
0xf: {  	v0 =	vand.u32 $0x7, v2;
	v2 =	vor.u32 $0x8, v2;
	v1 =	vmul.u32 $0x8, v1;
	s5 =	sadd.s32 $0x11100, s4;
	[dreg:$0x9] =	wrdreg s1;
	s4 =	simm.s32 $0x1  }
.LBB2_1:
0x10: {  	s10 =	rddreg [dreg:$0x3]  }
0x11: {  	[tilespmem:s2], [sflag:$0x2] =	stream.linear.gather [hbm4b:s10+s2], $0x80, $0x38;
	[tilespmem:$0x18080] =	vst v63  }
0x12: {  	_ =	swait.ge [sflag:s8], $0x80  }
0x13: {  	[sflag:s8] =	ssyncset.done $0x0  }
0x14: {  	s14 =	rddreg [dreg:$0xa];
	[sflag:s8] =	ssyncadd.s32 $0xFFFFFF80  }
0x15: {  	[tilespmem:s29], [sflag:$0x2] =	stream.linear.gather [hbm4b:s14+s2], $0x18000, $0x38;
	[tilespmem:$0x18080] =	vst v63  }
0x16: {  	_ =	swait.ge [sflag:s8], $0x18000  }
0x17: {  	[sflag:s8] =	ssyncset.done $0x0  }
0x18: {  	[sflag:s8] =	ssyncadd.s32 $0xFFFE8000  }
0x19: {  	v3 =	vld [tilespmem:$0x0];
	_ =	sdelay $0x4  }
0x1a: {  	v4 =	vshrl.u32 v3, $0x3  }
0x1b: {  	v4 =	vmul.u32 $0x30, v4  }
0x1c: {  	v3 =	vand.u32 $0x7, v3  }
0x1d: {  	v3 =	vor.u32 v3, v4  }
0x1e: {  	v4 =	vperm.xlane v3, v0;
	_ =	sdelay $0x1  }
0x1f: {  	v4 =	vadd.s32 v1, v4;
	_ =	sdelay $0x3  }
0x20: {  	v3 =	vperm.xlane v3, v2  }
0x21: {  	[hbm4b:s3+s2] =	stream.indirect_vreg.scatter [tilespmem:s29], [sflag:$0x1], $0x80, v4, vm0, $0xb8;
	[tilespmem:$0x18080] =	vst v63  }
0x22: {  	s0 =	simm.s32 $0x880;
	v3 =	vadd.s32 v1, v3  }
0x23: {  	[hbm4b:s5+s2] =	stream.indirect_vreg.scatter [tilespmem:s0], [sflag:$0x1], $0x80, v4, vm0, $0xb8;
	[tilespmem:$0x18080] =	vst v63  }
0x24: {  	s15 =	simm.s32 $0x1080  }
0x25: {  	[hbm4b:s6+s2] =	stream.indirect_vreg.scatter [tilespmem:s15], [sflag:$0x1], $0x80, v4, vm0, $0xb8;
	[tilespmem:$0x18080] =	vst v63  }
0x26: {  	s16 =	simm.s32 $0x1880  }
0x27: {  	[hbm4b:s3+s2] =	stream.indirect_vreg.scatter [tilespmem:s16], [sflag:$0x1], $0x80, v3, vm0, $0xb8;
	[tilespmem:$0x18080] =	vst v63  }
0x28: {  	s17 =	simm.s32 $0x2080  }
0x29: {  	[hbm4b:s5+s2] =	stream.indirect_vreg.scatter [tilespmem:s17], [sflag:$0x1], $0x80, v3, vm0, $0xb8;
	[tilespmem:$0x18080] =	vst v63  }
0x2a: {  	s18 =	simm.s32 $0x2880  }
0x2b: {  	[hbm4b:s6+s2] =	stream.indirect_vreg.scatter [tilespmem:s18], [sflag:$0x1], $0x80, v3, vm0, $0xb8;
	[tilespmem:$0x18080] =	vst v63  }
0x2c: {  	v3 =	vld [tilespmem:$0x10];
	_ =	sdelay $0x4  }
0x2d: {  	v33 =	vshrl.u32 v3, $0x3  }
0x2e: {  	v4 =	vmul.u32 $0x30, v33  }
0x2f: {  	v3 =	vand.u32 $0x7, v3  }
0x30: {  	v3 =	vor.u32 v3, v4  }
0x31: {  	v4 =	vperm.xlane v3, v0;
	_ =	sdelay $0x1  }
0x32: {  	v4 =	vadd.s32 v1, v4;
	_ =	sdelay $0x3  }
0x33: {  	s19 =	simm.s32 $0x3080;
	v3 =	vperm.xlane v3, v2  }
0x34: {  	[hbm4b:s3+s2] =	stream.indirect_vreg.scatter [tilespmem:s19], [sflag:$0x1], $0x80, v4, vm0, $0xb8;
	[tilespmem:$0x18080] =	vst v63  }
0x35: {  	s20 =	simm.s32 $0x3880;
	v3 =	vadd.s32 v1, v3  }
0x36: {  	[hbm4b:s5+s2] =	stream.indirect_vreg.scatter [tilespmem:s20], [sflag:$0x1], $0x80, v4, vm0, $0xb8;
	[tilespmem:$0x18080] =	vst v63  }
0x37: {  	s21 =	simm.s32 $0x4080  }
0x38: {  	[hbm4b:s6+s2] =	stream.indirect_vreg.scatter [tilespmem:s21], [sflag:$0x1], $0x80, v4, vm0, $0xb8;
	[tilespmem:$0x18080] =	vst v63  }
0x39: {  	s22 =	simm.s32 $0x4880  }
0x3a: {  	[hbm4b:s3+s2] =	stream.indirect_vreg.scatter [tilespmem:s22], [sflag:$0x1], $0x80, v3, vm0, $0xb8;
	[tilespmem:$0x18080] =	vst v63  }
0x3b: {  	s23 =	simm.s32 $0x5080  }
0x3c: {  	[hbm4b:s5+s2] =	stream.indirect_vreg.scatter [tilespmem:s23], [sflag:$0x1], $0x80, v3, vm0, $0xb8;
	[tilespmem:$0x18080] =	vst v63  }
0x3d: {  	s24 =	simm.s32 $0x5880  }
0x3e: {  	[hbm4b:s6+s2] =	stream.indirect_vreg.scatter [tilespmem:s24], [sflag:$0x1], $0x80, v3, vm0, $0xb8;
	[tilespmem:$0x18080] =	vst v63  }
0x3f: {  	v3 =	vld [tilespmem:$0x20];
	_ =	sdelay $0x4  }
0x40: {  	v34 =	vshrl.u32 v3, $0x3  }
0x41: {  	v4 =	vmul.u32 $0x30, v34  }
0x42: {  	v3 =	vand.u32 $0x7, v3  }
0x43: {  	v3 =	vor.u32 v3, v4  }
0x44: {  	v4 =	vperm.xlane v3, v0;
	_ =	sdelay $0x1  }
0x45: {  	v4 =	vadd.s32 v1, v4;
	_ =	sdelay $0x3  }
0x46: {  	s25 =	simm.s32 $0x6080;
	v3 =	vperm.xlane v3, v2  }
0x47: {  	[hbm4b:s3+s2] =	stream.indirect_vreg.scatter [tilespmem:s25], [sflag:$0x1], $0x80, v4, vm0, $0xb8;
	[tilespmem:$0x18080] =	vst v63  }
0x48: {  	s26 =	simm.s32 $0x6880;
	v3 =	vadd.s32 v1, v3  }
0x49: {  	[hbm4b:s5+s2] =	stream.indirect_vreg.scatter [tilespmem:s26], [sflag:$0x1], $0x80, v4, vm0, $0xb8;
	[tilespmem:$0x18080] =	vst v63  }
0x4a: {  	s28 =	simm.s32 $0x7080  }
0x4b: {  	[hbm4b:s6+s2] =	stream.indirect_vreg.scatter [tilespmem:s28], [sflag:$0x1], $0x80, v4, vm0, $0xb8;
	[tilespmem:$0x18080] =	vst v63  }
0x4c: {  	s30 =	simm.s32 $0x7880  }
0x4d: {  	[hbm4b:s3+s2] =	stream.indirect_vreg.scatter [tilespmem:s30], [sflag:$0x1], $0x80, v3, vm0, $0xb8;
	[tilespmem:$0x18080] =	vst v63  }
0x4e: {  	s31 =	simm.s32 $0x8080  }
0x4f: {  	[hbm4b:s5+s2] =	stream.indirect_vreg.scatter [tilespmem:s31], [sflag:$0x1], $0x80, v3, vm0, $0xb8;
	[tilespmem:$0x18080] =	vst v63  }
0x50: {  	s1 =	simm.s32 $0x8880  }
0x51: {  	[hbm4b:s6+s2] =	stream.indirect_vreg.scatter [tilespmem:s1], [sflag:$0x1], $0x80, v3, vm0, $0xb8;
	[tilespmem:$0x18080] =	vst v63  }
0x52: {  	v3 =	vld [tilespmem:$0x30];
	_ =	sdelay $0x4  }
0x53: {  	v35 =	vshrl.u32 v3, $0x3  }
0x54: {  	v4 =	vmul.u32 $0x30, v35  }
0x55: {  	v3 =	vand.u32 $0x7, v3  }
0x56: {  	v3 =	vor.u32 v3, v4  }
0x57: {  	v4 =	vperm.xlane v3, v0;
	_ =	sdelay $0x1  }
0x58: {  	v4 =	vadd.s32 v1, v4;
	_ =	sdelay $0x3  }
0x59: {  	s9 =	simm.s32 $0x9080;
	v3 =	vperm.xlane v3, v2  }
0x5a: {  	[hbm4b:s3+s2] =	stream.indirect_vreg.scatter [tilespmem:s9], [sflag:$0x1], $0x80, v4, vm0, $0xb8;
	[tilespmem:$0x18080] =	vst v63  }
0x5b: {  	s10 =	simm.s32 $0x9880;
	v3 =	vadd.s32 v1, v3  }
0x5c: {  	[hbm4b:s5+s2] =	stream.indirect_vreg.scatter [tilespmem:s10], [sflag:$0x1], $0x80, v4, vm0, $0xb8;
	[tilespmem:$0x18080] =	vst v63  }
0x5d: {  	s11 =	simm.s32 $0xA080  }
0x5e: {  	[hbm4b:s6+s2] =	stream.indirect_vreg.scatter [tilespmem:s11], [sflag:$0x1], $0x80, v4, vm0, $0xb8;
	[tilespmem:$0x18080] =	vst v63  }
0x5f: {  	s12 =	simm.s32 $0xA880  }
0x60: {  	[hbm4b:s3+s2] =	stream.indirect_vreg.scatter [tilespmem:s12], [sflag:$0x1], $0x80, v3, vm0, $0xb8;
	[tilespmem:$0x18080] =	vst v63  }
0x61: {  	s15 =	simm.s32 $0xB080  }
0x62: {  	[hbm4b:s5+s2] =	stream.indirect_vreg.scatter [tilespmem:s15], [sflag:$0x1], $0x80, v3, vm0, $0xb8;
	[tilespmem:$0x18080] =	vst v63  }
0x63: {  	s16 =	simm.s32 $0xB880  }
0x64: {  	[hbm4b:s6+s2] =	stream.indirect_vreg.scatter [tilespmem:s16], [sflag:$0x1], $0x80, v3, vm0, $0xb8;
	[tilespmem:$0x18080] =	vst v63  }
0x65: {  	v3 =	vld [tilespmem:$0x40];
	_ =	sdelay $0x4  }
0x66: {  	v36 =	vshrl.u32 v3, $0x3  }
0x67: {  	v4 =	vmul.u32 $0x30, v36  }
0x68: {  	v3 =	vand.u32 $0x7, v3  }
0x69: {  	v3 =	vor.u32 v3, v4  }
0x6a: {  	v4 =	vperm.xlane v3, v0;
	_ =	sdelay $0x1  }
0x6b: {  	v4 =	vadd.s32 v1, v4;
	_ =	sdelay $0x3  }
0x6c: {  	s19 =	simm.s32 $0xC080;
	v3 =	vperm.xlane v3, v2  }
0x6d: {  	[hbm4b:s3+s2] =	stream.indirect_vreg.scatter [tilespmem:s19], [sflag:$0x1], $0x80, v4, vm0, $0xb8;
	[tilespmem:$0x18080] =	vst v63  }
0x6e: {  	s20 =	simm.s32 $0xC880;
	v3 =	vadd.s32 v1, v3  }
0x6f: {  	[hbm4b:s5+s2] =	stream.indirect_vreg.scatter [tilespmem:s20], [sflag:$0x1], $0x80, v4, vm0, $0xb8;
	[tilespmem:$0x18080] =	vst v63  }
0x70: {  	s25 =	simm.s32 $0xD080  }
0x71: {  	[hbm4b:s6+s2] =	stream.indirect_vreg.scatter [tilespmem:s25], [sflag:$0x1], $0x80, v4, vm0, $0xb8;
	[tilespmem:$0x18080] =	vst v63  }
0x72: {  	s26 =	simm.s32 $0xD880  }
0x73: {  	[hbm4b:s3+s2] =	stream.indirect_vreg.scatter [tilespmem:s26], [sflag:$0x1], $0x80, v3, vm0, $0xb8;
	[tilespmem:$0x18080] =	vst v63  }
0x74: {  	s28 =	simm.s32 $0xE080  }
0x75: {  	[hbm4b:s5+s2] =	stream.indirect_vreg.scatter [tilespmem:s28], [sflag:$0x1], $0x80, v3, vm0, $0xb8;
	[tilespmem:$0x18080] =	vst v63  }
0x76: {  	s30 =	simm.s32 $0xE880  }
0x77: {  	[hbm4b:s6+s2] =	stream.indirect_vreg.scatter [tilespmem:s30], [sflag:$0x1], $0x80, v3, vm0, $0xb8;
	[tilespmem:$0x18080] =	vst v63  }
0x78: {  	v3 =	vld [tilespmem:$0x50];
	_ =	sdelay $0x4  }
0x79: {  	v37 =	vshrl.u32 v3, $0x3  }
0x7a: {  	v4 =	vmul.u32 $0x30, v37  }
0x7b: {  	v3 =	vand.u32 $0x7, v3  }
0x7c: {  	v3 =	vor.u32 v3, v4  }
0x7d: {  	v4 =	vperm.xlane v3, v0;
	_ =	sdelay $0x1  }
0x7e: {  	v4 =	vadd.s32 v1, v4;
	_ =	sdelay $0x3  }
0x7f: {  	s31 =	simm.s32 $0xF080;
	v3 =	vperm.xlane v3, v2  }
0x80: {  	[hbm4b:s3+s2] =	stream.indirect_vreg.scatter [tilespmem:s31], [sflag:$0x1], $0x80, v4, vm0, $0xb8;
	[tilespmem:$0x18080] =	vst v63  }
0x81: {  	s0 =	simm.s32 $0xF880;
	v3 =	vadd.s32 v1, v3  }
0x82: {  	[hbm4b:s5+s2] =	stream.indirect_vreg.scatter [tilespmem:s0], [sflag:$0x1], $0x80, v4, vm0, $0xb8;
	[tilespmem:$0x18080] =	vst v63  }
0x83: {  	s1 =	simm.s32 $0x10080  }
0x84: {  	[hbm4b:s6+s2] =	stream.indirect_vreg.scatter [tilespmem:s1], [sflag:$0x1], $0x80, v4, vm0, $0xb8;
	[tilespmem:$0x18080] =	vst v63  }
0x85: {  	s9 =	simm.s32 $0x10880  }
0x86: {  	[hbm4b:s3+s2] =	stream.indirect_vreg.scatter [tilespmem:s9], [sflag:$0x1], $0x80, v3, vm0, $0xb8;
	[tilespmem:$0x18080] =	vst v63  }
0x87: {  	s11 =	simm.s32 $0x11080  }
0x88: {  	[hbm4b:s5+s2] =	stream.indirect_vreg.scatter [tilespmem:s11], [sflag:$0x1], $0x80, v3, vm0, $0xb8;
	[tilespmem:$0x18080] =	vst v63  }
0x89: {  	s12 =	simm.s32 $0x11880  }
0x8a: {  	[hbm4b:s6+s2] =	stream.indirect_vreg.scatter [tilespmem:s12], [sflag:$0x1], $0x80, v3, vm0, $0xb8;
	[tilespmem:$0x18080] =	vst v63  }
0x8b: {  	v3 =	vld [tilespmem:$0x60];
	_ =	sdelay $0x4  }
0x8c: {  	v38 =	vshrl.u32 v3, $0x3  }
0x8d: {  	v4 =	vmul.u32 $0x30, v38  }
0x8e: {  	v3 =	vand.u32 $0x7, v3  }
0x8f: {  	v3 =	vor.u32 v3, v4  }
0x90: {  	v4 =	vperm.xlane v3, v0;
	_ =	sdelay $0x1  }
0x91: {  	v4 =	vadd.s32 v1, v4;
	_ =	sdelay $0x3  }
0x92: {  	s15 =	simm.s32 $0x12080;
	v3 =	vperm.xlane v3, v2  }
0x93: {  	[hbm4b:s3+s2] =	stream.indirect_vreg.scatter [tilespmem:s15], [sflag:$0x1], $0x80, v4, vm0, $0xb8;
	[tilespmem:$0x18080] =	vst v63  }
0x94: {  	s16 =	simm.s32 $0x12880;
	v3 =	vadd.s32 v1, v3  }
0x95: {  	[hbm4b:s5+s2] =	stream.indirect_vreg.scatter [tilespmem:s16], [sflag:$0x1], $0x80, v4, vm0, $0xb8;
	[tilespmem:$0x18080] =	vst v63  }
0x96: {  	s19 =	simm.s32 $0x13080  }
0x97: {  	[hbm4b:s6+s2] =	stream.indirect_vreg.scatter [tilespmem:s19], [sflag:$0x1], $0x80, v4, vm0, $0xb8;
	[tilespmem:$0x18080] =	vst v63  }
0x98: {  	s20 =	simm.s32 $0x13880  }
0x99: {  	[hbm4b:s3+s2] =	stream.indirect_vreg.scatter [tilespmem:s20], [sflag:$0x1], $0x80, v3, vm0, $0xb8;
	[tilespmem:$0x18080] =	vst v63  }
0x9a: {  	s31 =	simm.s32 $0x14080  }
0x9b: {  	[hbm4b:s5+s2] =	stream.indirect_vreg.scatter [tilespmem:s31], [sflag:$0x1], $0x80, v3, vm0, $0xb8;
	[tilespmem:$0x18080] =	vst v63  }
0x9c: {  	s0 =	simm.s32 $0x14880  }
0x9d: {  	[hbm4b:s6+s2] =	stream.indirect_vreg.scatter [tilespmem:s0], [sflag:$0x1], $0x80, v3, vm0, $0xb8;
	[tilespmem:$0x18080] =	vst v63  }
0x9e: {  	v3 =	vld [tilespmem:$0x70];
	_ =	sdelay $0x4  }
0x9f: {  	v39 =	vshrl.u32 v3, $0x3  }
0xa0: {  	v4 =	vmul.u32 $0x30, v39  }
0xa1: {  	v3 =	vand.u32 $0x7, v3  }
0xa2: {  	v3 =	vor.u32 v3, v4  }
0xa3: {  	v4 =	vperm.xlane v3, v0;
	_ =	sdelay $0x1  }
0xa4: {  	v4 =	vadd.s32 v1, v4;
	_ =	sdelay $0x3  }
0xa5: {  	s1 =	simm.s32 $0x15080;
	v3 =	vperm.xlane v3, v2  }
0xa6: {  	[hbm4b:s3+s2] =	stream.indirect_vreg.scatter [tilespmem:s1], [sflag:$0x1], $0x80, v4, vm0, $0xb8;
	[tilespmem:$0x18080] =	vst v63  }
0xa7: {  	s9 =	simm.s32 $0x15880;
	v3 =	vadd.s32 v1, v3  }
0xa8: {  	[hbm4b:s5+s2] =	stream.indirect_vreg.scatter [tilespmem:s9], [sflag:$0x1], $0x80, v4, vm0, $0xb8;
	[tilespmem:$0x18080] =	vst v63  }
0xa9: {  	s11 =	simm.s32 $0x16080  }
0xaa: {  	[hbm4b:s6+s2] =	stream.indirect_vreg.scatter [tilespmem:s11], [sflag:$0x1], $0x80, v4, vm0, $0xb8;
	[tilespmem:$0x18080] =	vst v63  }
0xab: {  	s12 =	simm.s32 $0x16880  }
0xac: {  	[hbm4b:s3+s2] =	stream.indirect_vreg.scatter [tilespmem:s12], [sflag:$0x1], $0x80, v3, vm0, $0xb8;
	[tilespmem:$0x18080] =	vst v63  }
0xad: {  	s15 =	simm.s32 $0x17080  }
0xae: {  	[hbm4b:s5+s2] =	stream.indirect_vreg.scatter [tilespmem:s15], [sflag:$0x1], $0x80, v3, vm0, $0xb8;
	[tilespmem:$0x18080] =	vst v63  }
0xaf: {  	s16 =	simm.s32 $0x17880  }
0xb0: {  	[hbm4b:s6+s2] =	stream.indirect_vreg.scatter [tilespmem:s16], [sflag:$0x1], $0x80, v3, vm0, $0xb8;
	[tilespmem:$0x18080] =	vst v63  }
0xb1: {  	_ =	swait.ge [sflag:s4], $0x18000  }
0xb2: {  	[sflag:s4] =	ssyncset.done $0x0  }
0xb3: {  	s19 =	rddreg [dreg:$0x4];
	[sflag:s4] =	ssyncadd.s32 $0xFFFE8000  }
0xb4: {  	[tilespmem:s2], [sflag:$0x2] =	stream.linear.gather [hbm4b:s19+s2], $0x80, $0x38;
	[tilespmem:$0x18080] =	vst v63  }
0xb5: {  	_ =	swait.ge [sflag:s8], $0x80  }
0xb6: {  	[sflag:s8] =	ssyncset.done $0x0  }
0xb7: {  	s20 =	rddreg [dreg:$0x5];
	[sflag:s8] =	ssyncadd.s32 $0xFFFFFF80  }
0xb8: {  	[tilespmem:s29], [sflag:$0x2] =	stream.linear.gather [hbm4b:s20+s2], $0x18000, $0x38;
	[tilespmem:$0x18080] =	vst v63  }
0xb9: {  	_ =	swait.ge [sflag:s8], $0x18000  }
0xba: {  	[sflag:s8] =	ssyncset.done $0x0  }
0xbb: {  	[sflag:s8] =	ssyncadd.s32 $0xFFFE8000  }
0xbc: {  	v3 =	vld [tilespmem:$0x0];
	_ =	sdelay $0x4  }
0xbd: {  	v40 =	vshrl.u32 v3, $0x3  }
0xbe: {  	v4 =	vmul.u32 $0x30, v40  }
0xbf: {  	v3 =	vand.u32 $0x7, v3  }
0xc0: {  	v3 =	vor.u32 v3, v4  }
0xc1: {  	v4 =	vperm.xlane v3, v0;
	_ =	sdelay $0x1  }
0xc2: {  	v4 =	vadd.s32 v1, v4;
	_ =	sdelay $0x3  }
0xc3: {  	v3 =	vperm.xlane v3, v2  }
0xc4: {  	[hbm4b:s3+s2] =	stream.indirect_vreg.scatter [tilespmem:s29], [sflag:$0x1], $0x80, v4, vm0, $0xb8;
	[tilespmem:$0x18080] =	vst v63  }
0xc5: {  	s1 =	simm.s32 $0x880;
	v3 =	vadd.s32 v1, v3  }
0xc6: {  	[hbm4b:s5+s2] =	stream.indirect_vreg.scatter [tilespmem:s1], [sflag:$0x1], $0x80, v4, vm0, $0xb8;
	[tilespmem:$0x18080] =	vst v63  }
0xc7: {  	s9 =	simm.s32 $0x1080  }
0xc8: {  	[hbm4b:s6+s2] =	stream.indirect_vreg.scatter [tilespmem:s9], [sflag:$0x1], $0x80, v4, vm0, $0xb8;
	[tilespmem:$0x18080] =	vst v63  }
0xc9: {  	s11 =	simm.s32 $0x1880  }
0xca: {  	[hbm4b:s3+s2] =	stream.indirect_vreg.scatter [tilespmem:s11], [sflag:$0x1], $0x80, v3, vm0, $0xb8;
	[tilespmem:$0x18080] =	vst v63  }
0xcb: {  	s12 =	simm.s32 $0x2080  }
0xcc: {  	[hbm4b:s5+s2] =	stream.indirect_vreg.scatter [tilespmem:s12], [sflag:$0x1], $0x80, v3, vm0, $0xb8;
	[tilespmem:$0x18080] =	vst v63  }
0xcd: {  	s13 =	simm.s32 $0x2880  }
0xce: {  	[hbm4b:s6+s2] =	stream.indirect_vreg.scatter [tilespmem:s13], [sflag:$0x1], $0x80, v3, vm0, $0xb8;
	[tilespmem:$0x18080] =	vst v63  }
0xcf: {  	v3 =	vld [tilespmem:$0x10];
	_ =	sdelay $0x4  }
0xd0: {  	v41 =	vshrl.u32 v3, $0x3  }
0xd1: {  	v4 =	vmul.u32 $0x30, v41  }
0xd2: {  	v3 =	vand.u32 $0x7, v3  }
0xd3: {  	v3 =	vor.u32 v3, v4  }
0xd4: {  	v4 =	vperm.xlane v3, v0;
	_ =	sdelay $0x1  }
0xd5: {  	v4 =	vadd.s32 v1, v4;
	_ =	sdelay $0x3  }
0xd6: {  	s14 =	simm.s32 $0x3080;
	v3 =	vperm.xlane v3, v2  }
0xd7: {  	[hbm4b:s3+s2] =	stream.indirect_vreg.scatter [tilespmem:s14], [sflag:$0x1], $0x80, v4, vm0, $0xb8;
	[tilespmem:$0x18080] =	vst v63  }
0xd8: {  	s13 =	simm.s32 $0x3880;
	v3 =	vadd.s32 v1, v3  }
0xd9: {  	[hbm4b:s5+s2] =	stream.indirect_vreg.scatter [tilespmem:s13], [sflag:$0x1], $0x80, v4, vm0, $0xb8;
	[tilespmem:$0x18080] =	vst v63  }
0xda: {  	s14 =	simm.s32 $0x4080  }
0xdb: {  	[hbm4b:s6+s2] =	stream.indirect_vreg.scatter [tilespmem:s14], [sflag:$0x1], $0x80, v4, vm0, $0xb8;
	[tilespmem:$0x18080] =	vst v63  }
0xdc: {  	s15 =	simm.s32 $0x4880  }
0xdd: {  	[hbm4b:s3+s2] =	stream.indirect_vreg.scatter [tilespmem:s15], [sflag:$0x1], $0x80, v3, vm0, $0xb8;
	[tilespmem:$0x18080] =	vst v63  }
0xde: {  	s16 =	simm.s32 $0x5080  }
0xdf: {  	[hbm4b:s5+s2] =	stream.indirect_vreg.scatter [tilespmem:s16], [sflag:$0x1], $0x80, v3, vm0, $0xb8;
	[tilespmem:$0x18080] =	vst v63  }
0xe0: {  	s17 =	simm.s32 $0x5880  }
0xe1: {  	[hbm4b:s6+s2] =	stream.indirect_vreg.scatter [tilespmem:s17], [sflag:$0x1], $0x80, v3, vm0, $0xb8;
	[tilespmem:$0x18080] =	vst v63  }
0xe2: {  	v3 =	vld [tilespmem:$0x20];
	_ =	sdelay $0x4  }
0xe3: {  	v42 =	vshrl.u32 v3, $0x3  }
0xe4: {  	v4 =	vmul.u32 $0x30, v42  }
0xe5: {  	v3 =	vand.u32 $0x7, v3  }
0xe6: {  	v3 =	vor.u32 v3, v4  }
0xe7: {  	v4 =	vperm.xlane v3, v0;
	_ =	sdelay $0x1  }
0xe8: {  	v4 =	vadd.s32 v1, v4;
	_ =	sdelay $0x3  }
0xe9: {  	s18 =	simm.s32 $0x6080;
	v3 =	vperm.xlane v3, v2  }
0xea: {  	[hbm4b:s3+s2] =	stream.indirect_vreg.scatter [tilespmem:s18], [sflag:$0x1], $0x80, v4, vm0, $0xb8;
	[tilespmem:$0x18080] =	vst v63  }
0xeb: {  	s17 =	simm.s32 $0x6880;
	v3 =	vadd.s32 v1, v3  }
0xec: {  	[hbm4b:s5+s2] =	stream.indirect_vreg.scatter [tilespmem:s17], [sflag:$0x1], $0x80, v4, vm0, $0xb8;
	[tilespmem:$0x18080] =	vst v63  }
0xed: {  	s18 =	simm.s32 $0x7080  }
0xee: {  	[hbm4b:s6+s2] =	stream.indirect_vreg.scatter [tilespmem:s18], [sflag:$0x1], $0x80, v4, vm0, $0xb8;
	[tilespmem:$0x18080] =	vst v63  }
0xef: {  	s19 =	simm.s32 $0x7880  }
0xf0: {  	[hbm4b:s3+s2] =	stream.indirect_vreg.scatter [tilespmem:s19], [sflag:$0x1], $0x80, v3, vm0, $0xb8;
	[tilespmem:$0x18080] =	vst v63  }
0xf1: {  	s20 =	simm.s32 $0x8080  }
0xf2: {  	[hbm4b:s5+s2] =	stream.indirect_vreg.scatter [tilespmem:s20], [sflag:$0x1], $0x80, v3, vm0, $0xb8;
	[tilespmem:$0x18080] =	vst v63  }
0xf3: {  	s21 =	simm.s32 $0x8880  }
0xf4: {  	[hbm4b:s6+s2] =	stream.indirect_vreg.scatter [tilespmem:s21], [sflag:$0x1], $0x80, v3, vm0, $0xb8;
	[tilespmem:$0x18080] =	vst v63  }
0xf5: {  	v3 =	vld [tilespmem:$0x30];
	_ =	sdelay $0x4  }
0xf6: {  	v43 =	vshrl.u32 v3, $0x3  }
0xf7: {  	v4 =	vmul.u32 $0x30, v43  }
0xf8: {  	v3 =	vand.u32 $0x7, v3  }
0xf9: {  	v3 =	vor.u32 v3, v4  }
0xfa: {  	v4 =	vperm.xlane v3, v0;
	_ =	sdelay $0x1  }
0xfb: {  	v4 =	vadd.s32 v1, v4;
	_ =	sdelay $0x3  }
0xfc: {  	s22 =	simm.s32 $0x9080;
	v3 =	vperm.xlane v3, v2  }
0xfd: {  	[hbm4b:s3+s2] =	stream.indirect_vreg.scatter [tilespmem:s22], [sflag:$0x1], $0x80, v4, vm0, $0xb8;
	[tilespmem:$0x18080] =	vst v63  }
0xfe: {  	s21 =	simm.s32 $0x9880;
	v3 =	vadd.s32 v1, v3  }
0xff: {  	[hbm4b:s5+s2] =	stream.indirect_vreg.scatter [tilespmem:s21], [sflag:$0x1], $0x80, v4, vm0, $0xb8;
	[tilespmem:$0x18080] =	vst v63  }
0x100: {  	s22 =	simm.s32 $0xA080  }
0x101: {  	[hbm4b:s6+s2] =	stream.indirect_vreg.scatter [tilespmem:s22], [sflag:$0x1], $0x80, v4, vm0, $0xb8;
	[tilespmem:$0x18080] =	vst v63  }
0x102: {  	s0 =	simm.s32 $0xA880  }
0x103: {  	[hbm4b:s3+s2] =	stream.indirect_vreg.scatter [tilespmem:s0], [sflag:$0x1], $0x80, v3, vm0, $0xb8;
	[tilespmem:$0x18080] =	vst v63  }
0x104: {  	s10 =	simm.s32 $0xB080  }
0x105: {  	[hbm4b:s5+s2] =	stream.indirect_vreg.scatter [tilespmem:s10], [sflag:$0x1], $0x80, v3, vm0, $0xb8;
	[tilespmem:$0x18080] =	vst v63  }
0x106: {  	s23 =	simm.s32 $0xB880  }
0x107: {  	[hbm4b:s6+s2] =	stream.indirect_vreg.scatter [tilespmem:s23], [sflag:$0x1], $0x80, v3, vm0, $0xb8;
	[tilespmem:$0x18080] =	vst v63  }
0x108: {  	v3 =	vld [tilespmem:$0x40];
	_ =	sdelay $0x4  }
0x109: {  	v44 =	vshrl.u32 v3, $0x3  }
0x10a: {  	v4 =	vmul.u32 $0x30, v44  }
0x10b: {  	v3 =	vand.u32 $0x7, v3  }
0x10c: {  	v3 =	vor.u32 v3, v4  }
0x10d: {  	v4 =	vperm.xlane v3, v0;
	_ =	sdelay $0x1  }
0x10e: {  	v4 =	vadd.s32 v1, v4;
	_ =	sdelay $0x3  }
0x10f: {  	s24 =	simm.s32 $0xC080;
	v3 =	vperm.xlane v3, v2  }
0x110: {  	[hbm4b:s3+s2] =	stream.indirect_vreg.scatter [tilespmem:s24], [sflag:$0x1], $0x80, v4, vm0, $0xb8;
	[tilespmem:$0x18080] =	vst v63  }
0x111: {  	s23 =	simm.s32 $0xC880;
	v3 =	vadd.s32 v1, v3  }
0x112: {  	[hbm4b:s5+s2] =	stream.indirect_vreg.scatter [tilespmem:s23], [sflag:$0x1], $0x80, v4, vm0, $0xb8;
	[tilespmem:$0x18080] =	vst v63  }
0x113: {  	s24 =	simm.s32 $0xD080  }
0x114: {  	[hbm4b:s6+s2] =	stream.indirect_vreg.scatter [tilespmem:s24], [sflag:$0x1], $0x80, v4, vm0, $0xb8;
	[tilespmem:$0x18080] =	vst v63  }
0x115: {  	s10 =	simm.s32 $0xD880  }
0x116: {  	[hbm4b:s3+s2] =	stream.indirect_vreg.scatter [tilespmem:s10], [sflag:$0x1], $0x80, v3, vm0, $0xb8;
	[tilespmem:$0x18080] =	vst v63  }
0x117: {  	s10 =	simm.s32 $0xE080  }
0x118: {  	[hbm4b:s5+s2] =	stream.indirect_vreg.scatter [tilespmem:s10], [sflag:$0x1], $0x80, v3, vm0, $0xb8;
	[tilespmem:$0x18080] =	vst v63  }
0x119: {  	s25 =	simm.s32 $0xE880  }
0x11a: {  	[hbm4b:s6+s2] =	stream.indirect_vreg.scatter [tilespmem:s25], [sflag:$0x1], $0x80, v3, vm0, $0xb8;
	[tilespmem:$0x18080] =	vst v63  }
0x11b: {  	v3 =	vld [tilespmem:$0x50];
	_ =	sdelay $0x4  }
0x11c: {  	v45 =	vshrl.u32 v3, $0x3  }
0x11d: {  	v4 =	vmul.u32 $0x30, v45  }
0x11e: {  	v3 =	vand.u32 $0x7, v3  }
0x11f: {  	v3 =	vor.u32 v3, v4  }
0x120: {  	v4 =	vperm.xlane v3, v0;
	_ =	sdelay $0x1  }
0x121: {  	v4 =	vadd.s32 v1, v4;
	_ =	sdelay $0x3  }
0x122: {  	s26 =	simm.s32 $0xF080;
	v3 =	vperm.xlane v3, v2  }
0x123: {  	[hbm4b:s3+s2] =	stream.indirect_vreg.scatter [tilespmem:s26], [sflag:$0x1], $0x80, v4, vm0, $0xb8;
	[tilespmem:$0x18080] =	vst v63  }
0x124: {  	s25 =	simm.s32 $0xF880;
	v3 =	vadd.s32 v1, v3  }
0x125: {  	[hbm4b:s5+s2] =	stream.indirect_vreg.scatter [tilespmem:s25], [sflag:$0x1], $0x80, v4, vm0, $0xb8;
	[tilespmem:$0x18080] =	vst v63  }
0x126: {  	s26 =	simm.s32 $0x10080  }
0x127: {  	[hbm4b:s6+s2] =	stream.indirect_vreg.scatter [tilespmem:s26], [sflag:$0x1], $0x80, v4, vm0, $0xb8;
	[tilespmem:$0x18080] =	vst v63  }
0x128: {  	s25 =	simm.s32 $0x10880  }
0x129: {  	[hbm4b:s3+s2] =	stream.indirect_vreg.scatter [tilespmem:s25], [sflag:$0x1], $0x80, v3, vm0, $0xb8;
	[tilespmem:$0x18080] =	vst v63  }
0x12a: {  	s26 =	simm.s32 $0x11080  }
0x12b: {  	[hbm4b:s5+s2] =	stream.indirect_vreg.scatter [tilespmem:s26], [sflag:$0x1], $0x80, v3, vm0, $0xb8;
	[tilespmem:$0x18080] =	vst v63  }
0x12c: {  	s28 =	simm.s32 $0x11880  }
0x12d: {  	[hbm4b:s6+s2] =	stream.indirect_vreg.scatter [tilespmem:s28], [sflag:$0x1], $0x80, v3, vm0, $0xb8;
	[tilespmem:$0x18080] =	vst v63  }
0x12e: {  	v3 =	vld [tilespmem:$0x60];
	_ =	sdelay $0x4  }
0x12f: {  	v46 =	vshrl.u32 v3, $0x3  }
0x130: {  	v4 =	vmul.u32 $0x30, v46  }
0x131: {  	v3 =	vand.u32 $0x7, v3  }
0x132: {  	v3 =	vor.u32 v3, v4  }
0x133: {  	v4 =	vperm.xlane v3, v0;
	_ =	sdelay $0x1  }
0x134: {  	v4 =	vadd.s32 v1, v4;
	_ =	sdelay $0x3  }
0x135: {  	s30 =	simm.s32 $0x12080;
	v3 =	vperm.xlane v3, v2  }
0x136: {  	[hbm4b:s3+s2] =	stream.indirect_vreg.scatter [tilespmem:s30], [sflag:$0x1], $0x80, v4, vm0, $0xb8;
	[tilespmem:$0x18080] =	vst v63  }
0x137: {  	s25 =	simm.s32 $0x12880;
	v3 =	vadd.s32 v1, v3  }
0x138: {  	[hbm4b:s5+s2] =	stream.indirect_vreg.scatter [tilespmem:s25], [sflag:$0x1], $0x80, v4, vm0, $0xb8;
	[tilespmem:$0x18080] =	vst v63  }
0x139: {  	s26 =	simm.s32 $0x13080  }
0x13a: {  	[hbm4b:s6+s2] =	stream.indirect_vreg.scatter [tilespmem:s26], [sflag:$0x1], $0x80, v4, vm0, $0xb8;
	[tilespmem:$0x18080] =	vst v63  }
0x13b: {  	s28 =	simm.s32 $0x13880  }
0x13c: {  	[hbm4b:s3+s2] =	stream.indirect_vreg.scatter [tilespmem:s28], [sflag:$0x1], $0x80, v3, vm0, $0xb8;
	[tilespmem:$0x18080] =	vst v63  }
0x13d: {  	s30 =	simm.s32 $0x14080  }
0x13e: {  	[hbm4b:s5+s2] =	stream.indirect_vreg.scatter [tilespmem:s30], [sflag:$0x1], $0x80, v3, vm0, $0xb8;
	[tilespmem:$0x18080] =	vst v63  }
0x13f: {  	s31 =	simm.s32 $0x14880  }
0x140: {  	[hbm4b:s6+s2] =	stream.indirect_vreg.scatter [tilespmem:s31], [sflag:$0x1], $0x80, v3, vm0, $0xb8;
	[tilespmem:$0x18080] =	vst v63  }
0x141: {  	v3 =	vld [tilespmem:$0x70];
	_ =	sdelay $0x4  }
0x142: {  	v47 =	vshrl.u32 v3, $0x3  }
0x143: {  	v4 =	vmul.u32 $0x30, v47  }
0x144: {  	v3 =	vand.u32 $0x7, v3  }
0x145: {  	v3 =	vor.u32 v3, v4  }
0x146: {  	v4 =	vperm.xlane v3, v0;
	_ =	sdelay $0x1  }
0x147: {  	v4 =	vadd.s32 v1, v4;
	_ =	sdelay $0x3  }
0x148: {  	s31 =	simm.s32 $0x15080;
	v3 =	vperm.xlane v3, v2  }
0x149: {  	[hbm4b:s3+s2] =	stream.indirect_vreg.scatter [tilespmem:s31], [sflag:$0x1], $0x80, v4, vm0, $0xb8;
	[tilespmem:$0x18080] =	vst v63  }
0x14a: {  	s25 =	simm.s32 $0x15880;
	v3 =	vadd.s32 v1, v3  }
0x14b: {  	[hbm4b:s5+s2] =	stream.indirect_vreg.scatter [tilespmem:s25], [sflag:$0x1], $0x80, v4, vm0, $0xb8;
	[tilespmem:$0x18080] =	vst v63  }
0x14c: {  	s26 =	simm.s32 $0x16080  }
0x14d: {  	[hbm4b:s6+s2] =	stream.indirect_vreg.scatter [tilespmem:s26], [sflag:$0x1], $0x80, v4, vm0, $0xb8;
	[tilespmem:$0x18080] =	vst v63  }
0x14e: {  	s28 =	simm.s32 $0x16880  }
0x14f: {  	[hbm4b:s3+s2] =	stream.indirect_vreg.scatter [tilespmem:s28], [sflag:$0x1], $0x80, v3, vm0, $0xb8;
	[tilespmem:$0x18080] =	vst v63  }
0x150: {  	s30 =	simm.s32 $0x17080  }
0x151: {  	[hbm4b:s5+s2] =	stream.indirect_vreg.scatter [tilespmem:s30], [sflag:$0x1], $0x80, v3, vm0, $0xb8;
	[tilespmem:$0x18080] =	vst v63  }
0x152: {  	s31 =	simm.s32 $0x17880  }
0x153: {  	[hbm4b:s6+s2] =	stream.indirect_vreg.scatter [tilespmem:s31], [sflag:$0x1], $0x80, v3, vm0, $0xb8;
	[tilespmem:$0x18080] =	vst v63  }
0x154: {  	_ =	swait.ge [sflag:s4], $0x18000  }
0x155: {  	[sflag:s4] =	ssyncset.done $0x0  }
0x156: {  	s25 =	rddreg [dreg:$0x6];
	[sflag:s4] =	ssyncadd.s32 $0xFFFE8000  }
0x157: {  	[tilespmem:s2], [sflag:$0x2] =	stream.linear.gather [hbm4b:s25+s2], $0x80, $0x38;
	[tilespmem:$0x18080] =	vst v63  }
0x158: {  	_ =	swait.ge [sflag:s8], $0x80  }
0x159: {  	[sflag:s8] =	ssyncset.done $0x0  }
0x15a: {  	s26 =	rddreg [dreg:$0x7];
	[sflag:s8] =	ssyncadd.s32 $0xFFFFFF80  }
0x15b: {  	[tilespmem:s29], [sflag:$0x2] =	stream.linear.gather [hbm4b:s26+s2], $0x18000, $0x38;
	[tilespmem:$0x18080] =	vst v63  }
0x15c: {  	_ =	swait.ge [sflag:s8], $0x18000  }
0x15d: {  	[sflag:s8] =	ssyncset.done $0x0  }
0x15e: {  	[sflag:s8] =	ssyncadd.s32 $0xFFFE8000  }
0x15f: {  	v3 =	vld [tilespmem:$0x0];
	_ =	sdelay $0x4  }
0x160: {  	v48 =	vshrl.u32 v3, $0x3  }
0x161: {  	v4 =	vmul.u32 $0x30, v48  }
0x162: {  	v3 =	vand.u32 $0x7, v3  }
0x163: {  	v3 =	vor.u32 v3, v4  }
0x164: {  	v4 =	vperm.xlane v3, v0;
	_ =	sdelay $0x1  }
0x165: {  	v4 =	vadd.s32 v1, v4;
	_ =	sdelay $0x3  }
0x166: {  	v3 =	vperm.xlane v3, v2  }
0x167: {  	[hbm4b:s3+s2] =	stream.indirect_vreg.scatter [tilespmem:s29], [sflag:$0x1], $0x80, v4, vm0, $0xb8;
	[tilespmem:$0x18080] =	vst v63  }
0x168: {  	v3 =	vadd.s32 v1, v3  }
0x169: {  	[hbm4b:s5+s2] =	stream.indirect_vreg.scatter [tilespmem:s1], [sflag:$0x1], $0x80, v4, vm0, $0xb8;
	[tilespmem:$0x18080] =	vst v63  }
0x16a: {  	_ = 	snop  }
0x16b: {  	[hbm4b:s6+s2] =	stream.indirect_vreg.scatter [tilespmem:s9], [sflag:$0x1], $0x80, v4, vm0, $0xb8;
	[tilespmem:$0x18080] =	vst v63  }
0x16c: {  	_ = 	snop  }
0x16d: {  	[hbm4b:s3+s2] =	stream.indirect_vreg.scatter [tilespmem:s11], [sflag:$0x1], $0x80, v3, vm0, $0xb8;
	[tilespmem:$0x18080] =	vst v63  }
0x16e: {  	_ = 	snop  }
0x16f: {  	[hbm4b:s5+s2] =	stream.indirect_vreg.scatter [tilespmem:s12], [sflag:$0x1], $0x80, v3, vm0, $0xb8;
	[tilespmem:$0x18080] =	vst v63  }
0x170: {  	s28 =	simm.s32 $0x2880  }
0x171: {  	[hbm4b:s6+s2] =	stream.indirect_vreg.scatter [tilespmem:s28], [sflag:$0x1], $0x80, v3, vm0, $0xb8;
	[tilespmem:$0x18080] =	vst v63  }
0x172: {  	v3 =	vld [tilespmem:$0x10];
	_ =	sdelay $0x4  }
0x173: {  	v49 =	vshrl.u32 v3, $0x3  }
0x174: {  	v4 =	vmul.u32 $0x30, v49  }
0x175: {  	v3 =	vand.u32 $0x7, v3  }
0x176: {  	v3 =	vor.u32 v3, v4  }
0x177: {  	v4 =	vperm.xlane v3, v0;
	_ =	sdelay $0x1  }
0x178: {  	v4 =	vadd.s32 v1, v4;
	_ =	sdelay $0x3  }
0x179: {  	s30 =	simm.s32 $0x3080;
	v3 =	vperm.xlane v3, v2  }
0x17a: {  	[hbm4b:s3+s2] =	stream.indirect_vreg.scatter [tilespmem:s30], [sflag:$0x1], $0x80, v4, vm0, $0xb8;
	[tilespmem:$0x18080] =	vst v63  }
0x17b: {  	v3 =	vadd.s32 v1, v3  }
0x17c: {  	[hbm4b:s5+s2] =	stream.indirect_vreg.scatter [tilespmem:s13], [sflag:$0x1], $0x80, v4, vm0, $0xb8;
	[tilespmem:$0x18080] =	vst v63  }
0x17d: {  	_ = 	snop  }
0x17e: {  	[hbm4b:s6+s2] =	stream.indirect_vreg.scatter [tilespmem:s14], [sflag:$0x1], $0x80, v4, vm0, $0xb8;
	[tilespmem:$0x18080] =	vst v63  }
0x17f: {  	_ = 	snop  }
0x180: {  	[hbm4b:s3+s2] =	stream.indirect_vreg.scatter [tilespmem:s15], [sflag:$0x1], $0x80, v3, vm0, $0xb8;
	[tilespmem:$0x18080] =	vst v63  }
0x181: {  	_ = 	snop  }
0x182: {  	[hbm4b:s5+s2] =	stream.indirect_vreg.scatter [tilespmem:s16], [sflag:$0x1], $0x80, v3, vm0, $0xb8;
	[tilespmem:$0x18080] =	vst v63  }
0x183: {  	s31 =	simm.s32 $0x5880  }
0x184: {  	[hbm4b:s6+s2] =	stream.indirect_vreg.scatter [tilespmem:s31], [sflag:$0x1], $0x80, v3, vm0, $0xb8;
	[tilespmem:$0x18080] =	vst v63  }
0x185: {  	v3 =	vld [tilespmem:$0x20];
	_ =	sdelay $0x4  }
0x186: {  	v50 =	vshrl.u32 v3, $0x3  }
0x187: {  	v4 =	vmul.u32 $0x30, v50  }
0x188: {  	v3 =	vand.u32 $0x7, v3  }
0x189: {  	v3 =	vor.u32 v3, v4  }
0x18a: {  	v4 =	vperm.xlane v3, v0;
	_ =	sdelay $0x1  }
0x18b: {  	v4 =	vadd.s32 v1, v4;
	_ =	sdelay $0x3  }
0x18c: {  	s25 =	simm.s32 $0x6080;
	v3 =	vperm.xlane v3, v2  }
0x18d: {  	[hbm4b:s3+s2] =	stream.indirect_vreg.scatter [tilespmem:s25], [sflag:$0x1], $0x80, v4, vm0, $0xb8;
	[tilespmem:$0x18080] =	vst v63  }
0x18e: {  	v3 =	vadd.s32 v1, v3  }
0x18f: {  	[hbm4b:s5+s2] =	stream.indirect_vreg.scatter [tilespmem:s17], [sflag:$0x1], $0x80, v4, vm0, $0xb8;
	[tilespmem:$0x18080] =	vst v63  }
0x190: {  	_ = 	snop  }
0x191: {  	[hbm4b:s6+s2] =	stream.indirect_vreg.scatter [tilespmem:s18], [sflag:$0x1], $0x80, v4, vm0, $0xb8;
	[tilespmem:$0x18080] =	vst v63  }
0x192: {  	_ = 	snop  }
0x193: {  	[hbm4b:s3+s2] =	stream.indirect_vreg.scatter [tilespmem:s19], [sflag:$0x1], $0x80, v3, vm0, $0xb8;
	[tilespmem:$0x18080] =	vst v63  }
0x194: {  	_ = 	snop  }
0x195: {  	[hbm4b:s5+s2] =	stream.indirect_vreg.scatter [tilespmem:s20], [sflag:$0x1], $0x80, v3, vm0, $0xb8;
	[tilespmem:$0x18080] =	vst v63  }
0x196: {  	s26 =	simm.s32 $0x8880  }
0x197: {  	[hbm4b:s6+s2] =	stream.indirect_vreg.scatter [tilespmem:s26], [sflag:$0x1], $0x80, v3, vm0, $0xb8;
	[tilespmem:$0x18080] =	vst v63  }
0x198: {  	v3 =	vld [tilespmem:$0x30];
	_ =	sdelay $0x4  }
0x199: {  	v51 =	vshrl.u32 v3, $0x3  }
0x19a: {  	v4 =	vmul.u32 $0x30, v51  }
0x19b: {  	v3 =	vand.u32 $0x7, v3  }
0x19c: {  	v3 =	vor.u32 v3, v4  }
0x19d: {  	v4 =	vperm.xlane v3, v0;
	_ =	sdelay $0x1  }
0x19e: {  	v4 =	vadd.s32 v1, v4;
	_ =	sdelay $0x3  }
0x19f: {  	s28 =	simm.s32 $0x9080;
	v3 =	vperm.xlane v3, v2  }
0x1a0: {  	[hbm4b:s3+s2] =	stream.indirect_vreg.scatter [tilespmem:s28], [sflag:$0x1], $0x80, v4, vm0, $0xb8;
	[tilespmem:$0x18080] =	vst v63  }
0x1a1: {  	v3 =	vadd.s32 v1, v3  }
0x1a2: {  	[hbm4b:s5+s2] =	stream.indirect_vreg.scatter [tilespmem:s21], [sflag:$0x1], $0x80, v4, vm0, $0xb8;
	[tilespmem:$0x18080] =	vst v63  }
0x1a3: {  	_ = 	snop  }
0x1a4: {  	[hbm4b:s6+s2] =	stream.indirect_vreg.scatter [tilespmem:s22], [sflag:$0x1], $0x80, v4, vm0, $0xb8;
	[tilespmem:$0x18080] =	vst v63  }
0x1a5: {  	_ = 	snop  }
0x1a6: {  	[hbm4b:s3+s2] =	stream.indirect_vreg.scatter [tilespmem:s0], [sflag:$0x1], $0x80, v3, vm0, $0xb8;
	[tilespmem:$0x18080] =	vst v63  }
0x1a7: {  	s30 =	simm.s32 $0xB080  }
0x1a8: {  	[hbm4b:s5+s2] =	stream.indirect_vreg.scatter [tilespmem:s30], [sflag:$0x1], $0x80, v3, vm0, $0xb8;
	[tilespmem:$0x18080] =	vst v63  }
0x1a9: {  	s31 =	simm.s32 $0xB880  }
0x1aa: {  	[hbm4b:s6+s2] =	stream.indirect_vreg.scatter [tilespmem:s31], [sflag:$0x1], $0x80, v3, vm0, $0xb8;
	[tilespmem:$0x18080] =	vst v63  }
0x1ab: {  	v3 =	vld [tilespmem:$0x40];
	_ =	sdelay $0x4  }
0x1ac: {  	v52 =	vshrl.u32 v3, $0x3  }
0x1ad: {  	v4 =	vmul.u32 $0x30, v52  }
0x1ae: {  	v3 =	vand.u32 $0x7, v3  }
0x1af: {  	v3 =	vor.u32 v3, v4  }
0x1b0: {  	v4 =	vperm.xlane v3, v0;
	_ =	sdelay $0x1  }
0x1b1: {  	v4 =	vadd.s32 v1, v4;
	_ =	sdelay $0x3  }
0x1b2: {  	s25 =	simm.s32 $0xC080;
	v3 =	vperm.xlane v3, v2  }
0x1b3: {  	[hbm4b:s3+s2] =	stream.indirect_vreg.scatter [tilespmem:s25], [sflag:$0x1], $0x80, v4, vm0, $0xb8;
	[tilespmem:$0x18080] =	vst v63  }
0x1b4: {  	s23 =	simm.s32 $0xC880;
	v3 =	vadd.s32 v1, v3  }
0x1b5: {  	[hbm4b:s5+s2] =	stream.indirect_vreg.scatter [tilespmem:s23], [sflag:$0x1], $0x80, v4, vm0, $0xb8;
	[tilespmem:$0x18080] =	vst v63  }
0x1b6: {  	s24 =	simm.s32 $0xD080  }
0x1b7: {  	[hbm4b:s6+s2] =	stream.indirect_vreg.scatter [tilespmem:s24], [sflag:$0x1], $0x80, v4, vm0, $0xb8;
	[tilespmem:$0x18080] =	vst v63  }
0x1b8: {  	s26 =	simm.s32 $0xD880  }
0x1b9: {  	[hbm4b:s3+s2] =	stream.indirect_vreg.scatter [tilespmem:s26], [sflag:$0x1], $0x80, v3, vm0, $0xb8;
	[tilespmem:$0x18080] =	vst v63  }
0x1ba: {  	s28 =	simm.s32 $0xE080  }
0x1bb: {  	[hbm4b:s5+s2] =	stream.indirect_vreg.scatter [tilespmem:s28], [sflag:$0x1], $0x80, v3, vm0, $0xb8;
	[tilespmem:$0x18080] =	vst v63  }
0x1bc: {  	s30 =	simm.s32 $0xE880  }
0x1bd: {  	[hbm4b:s6+s2] =	stream.indirect_vreg.scatter [tilespmem:s30], [sflag:$0x1], $0x80, v3, vm0, $0xb8;
	[tilespmem:$0x18080] =	vst v63  }
0x1be: {  	v3 =	vld [tilespmem:$0x50];
	_ =	sdelay $0x4  }
0x1bf: {  	v53 =	vshrl.u32 v3, $0x3  }
0x1c0: {  	v4 =	vmul.u32 $0x30, v53  }
0x1c1: {  	v3 =	vand.u32 $0x7, v3  }
0x1c2: {  	v3 =	vor.u32 v3, v4  }
0x1c3: {  	v4 =	vperm.xlane v3, v0;
	_ =	sdelay $0x1  }
0x1c4: {  	v4 =	vadd.s32 v1, v4;
	_ =	sdelay $0x3  }
0x1c5: {  	s31 =	simm.s32 $0xF080;
	v3 =	vperm.xlane v3, v2  }
0x1c6: {  	[hbm4b:s3+s2] =	stream.indirect_vreg.scatter [tilespmem:s31], [sflag:$0x1], $0x80, v4, vm0, $0xb8;
	[tilespmem:$0x18080] =	vst v63  }
0x1c7: {  	s28 =	simm.s32 $0xF880;
	v3 =	vadd.s32 v1, v3  }
0x1c8: {  	[hbm4b:s5+s2] =	stream.indirect_vreg.scatter [tilespmem:s28], [sflag:$0x1], $0x80, v4, vm0, $0xb8;
	[tilespmem:$0x18080] =	vst v63  }
0x1c9: {  	s30 =	simm.s32 $0x10080  }
0x1ca: {  	[hbm4b:s6+s2] =	stream.indirect_vreg.scatter [tilespmem:s30], [sflag:$0x1], $0x80, v4, vm0, $0xb8;
	[tilespmem:$0x18080] =	vst v63  }
0x1cb: {  	s31 =	simm.s32 $0x10880  }
0x1cc: {  	[hbm4b:s3+s2] =	stream.indirect_vreg.scatter [tilespmem:s31], [sflag:$0x1], $0x80, v3, vm0, $0xb8;
	[tilespmem:$0x18080] =	vst v63  }
0x1cd: {  	s10 =	simm.s32 $0x11080  }
0x1ce: {  	[hbm4b:s5+s2] =	stream.indirect_vreg.scatter [tilespmem:s10], [sflag:$0x1], $0x80, v3, vm0, $0xb8;
	[tilespmem:$0x18080] =	vst v63  }
0x1cf: {  	s10 =	simm.s32 $0x11880  }
0x1d0: {  	[hbm4b:s6+s2] =	stream.indirect_vreg.scatter [tilespmem:s10], [sflag:$0x1], $0x80, v3, vm0, $0xb8;
	[tilespmem:$0x18080] =	vst v63  }
0x1d1: {  	v3 =	vld [tilespmem:$0x60];
	_ =	sdelay $0x4  }
0x1d2: {  	v54 =	vshrl.u32 v3, $0x3  }
0x1d3: {  	v4 =	vmul.u32 $0x30, v54  }
0x1d4: {  	v3 =	vand.u32 $0x7, v3  }
0x1d5: {  	v3 =	vor.u32 v3, v4  }
0x1d6: {  	v4 =	vperm.xlane v3, v0;
	_ =	sdelay $0x1  }
0x1d7: {  	v4 =	vadd.s32 v1, v4;
	_ =	sdelay $0x3  }
0x1d8: {  	s10 =	simm.s32 $0x12080;
	v3 =	vperm.xlane v3, v2  }
0x1d9: {  	[hbm4b:s3+s2] =	stream.indirect_vreg.scatter [tilespmem:s10], [sflag:$0x1], $0x80, v4, vm0, $0xb8;
	[tilespmem:$0x18080] =	vst v63  }
0x1da: {  	v3 =	vadd.s32 v1, v3;
	s10 =	simm.s32 $0x12880  }
0x1db: {  	[hbm4b:s5+s2] =	stream.indirect_vreg.scatter [tilespmem:s10], [sflag:$0x1], $0x80, v4, vm0, $0xb8;
	[tilespmem:$0x18080] =	vst v63  }
0x1dc: {  	s10 =	simm.s32 $0x13080  }
0x1dd: {  	[hbm4b:s6+s2] =	stream.indirect_vreg.scatter [tilespmem:s10], [sflag:$0x1], $0x80, v4, vm0, $0xb8;
	[tilespmem:$0x18080] =	vst v63  }
0x1de: {  	s10 =	simm.s32 $0x13880  }
0x1df: {  	[hbm4b:s3+s2] =	stream.indirect_vreg.scatter [tilespmem:s10], [sflag:$0x1], $0x80, v3, vm0, $0xb8;
	[tilespmem:$0x18080] =	vst v63  }
0x1e0: {  	s10 =	simm.s32 $0x14080  }
0x1e1: {  	[hbm4b:s5+s2] =	stream.indirect_vreg.scatter [tilespmem:s10], [sflag:$0x1], $0x80, v3, vm0, $0xb8;
	[tilespmem:$0x18080] =	vst v63  }
0x1e2: {  	s10 =	simm.s32 $0x14880  }
0x1e3: {  	[hbm4b:s6+s2] =	stream.indirect_vreg.scatter [tilespmem:s10], [sflag:$0x1], $0x80, v3, vm0, $0xb8;
	[tilespmem:$0x18080] =	vst v63  }
0x1e4: {  	v3 =	vld [tilespmem:$0x70];
	_ =	sdelay $0x4  }
0x1e5: {  	v55 =	vshrl.u32 v3, $0x3  }
0x1e6: {  	v4 =	vmul.u32 $0x30, v55  }
0x1e7: {  	v3 =	vand.u32 $0x7, v3  }
0x1e8: {  	v3 =	vor.u32 v3, v4  }
0x1e9: {  	v4 =	vperm.xlane v3, v0;
	_ =	sdelay $0x1  }
0x1ea: {  	v4 =	vadd.s32 v1, v4;
	_ =	sdelay $0x3  }
0x1eb: {  	s10 =	simm.s32 $0x15080;
	v3 =	vperm.xlane v3, v2  }
0x1ec: {  	[hbm4b:s3+s2] =	stream.indirect_vreg.scatter [tilespmem:s10], [sflag:$0x1], $0x80, v4, vm0, $0xb8;
	[tilespmem:$0x18080] =	vst v63  }
0x1ed: {  	v3 =	vadd.s32 v1, v3;
	s10 =	simm.s32 $0x15880  }
0x1ee: {  	[hbm4b:s5+s2] =	stream.indirect_vreg.scatter [tilespmem:s10], [sflag:$0x1], $0x80, v4, vm0, $0xb8;
	[tilespmem:$0x18080] =	vst v63  }
0x1ef: {  	s10 =	simm.s32 $0x16080  }
0x1f0: {  	[hbm4b:s6+s2] =	stream.indirect_vreg.scatter [tilespmem:s10], [sflag:$0x1], $0x80, v4, vm0, $0xb8;
	[tilespmem:$0x18080] =	vst v63  }
0x1f1: {  	s10 =	simm.s32 $0x16880  }
0x1f2: {  	[hbm4b:s3+s2] =	stream.indirect_vreg.scatter [tilespmem:s10], [sflag:$0x1], $0x80, v3, vm0, $0xb8;
	[tilespmem:$0x18080] =	vst v63  }
0x1f3: {  	s10 =	simm.s32 $0x17080  }
0x1f4: {  	[hbm4b:s5+s2] =	stream.indirect_vreg.scatter [tilespmem:s10], [sflag:$0x1], $0x80, v3, vm0, $0xb8;
	[tilespmem:$0x18080] =	vst v63  }
0x1f5: {  	s10 =	simm.s32 $0x17880  }
0x1f6: {  	[hbm4b:s6+s2] =	stream.indirect_vreg.scatter [tilespmem:s10], [sflag:$0x1], $0x80, v3, vm0, $0xb8;
	[tilespmem:$0x18080] =	vst v63  }
0x1f7: {  	_ =	swait.ge [sflag:s4], $0x18000  }
0x1f8: {  	[sflag:s4] =	ssyncset.done $0x0  }
0x1f9: {  	s10 =	rddreg [dreg:$0x8];
	[sflag:s4] =	ssyncadd.s32 $0xFFFE8000  }
0x1fa: {  	[tilespmem:s2], [sflag:$0x2] =	stream.linear.gather [hbm4b:s10+s2], $0x80, $0x38;
	[tilespmem:$0x18080] =	vst v63  }
0x1fb: {  	_ =	swait.ge [sflag:s8], $0x80  }
0x1fc: {  	[sflag:s8] =	ssyncset.done $0x0  }
0x1fd: {  	s10 =	rddreg [dreg:$0x9];
	[sflag:s8] =	ssyncadd.s32 $0xFFFFFF80  }
0x1fe: {  	[tilespmem:s29], [sflag:$0x2] =	stream.linear.gather [hbm4b:s10+s2], $0x18000, $0x38;
	[tilespmem:$0x18080] =	vst v63  }
0x1ff: {  	_ =	swait.ge [sflag:s8], $0x18000  }
0x200: {  	[sflag:s8] =	ssyncset.done $0x0  }
0x201: {  	[sflag:s8] =	ssyncadd.s32 $0xFFFE8000  }
0x202: {  	v3 =	vld [tilespmem:$0x0];
	_ =	sdelay $0x4  }
0x203: {  	v56 =	vshrl.u32 v3, $0x3  }
0x204: {  	v4 =	vmul.u32 $0x30, v56  }
0x205: {  	v3 =	vand.u32 $0x7, v3  }
0x206: {  	v3 =	vor.u32 v3, v4  }
0x207: {  	v4 =	vperm.xlane v3, v0;
	_ =	sdelay $0x1  }
0x208: {  	v4 =	vadd.s32 v1, v4;
	_ =	sdelay $0x3  }
0x209: {  	v3 =	vperm.xlane v3, v2  }
0x20a: {  	[hbm4b:s3+s2] =	stream.indirect_vreg.scatter [tilespmem:s29], [sflag:$0x1], $0x80, v4, vm0, $0xb8;
	[tilespmem:$0x18080] =	vst v63  }
0x20b: {  	s1 =	simm.s32 $0x880;
	v3 =	vadd.s32 v1, v3  }
0x20c: {  	[hbm4b:s5+s2] =	stream.indirect_vreg.scatter [tilespmem:s1], [sflag:$0x1], $0x80, v4, vm0, $0xb8;
	[tilespmem:$0x18080] =	vst v63  }
0x20d: {  	s9 =	simm.s32 $0x1080  }
0x20e: {  	[hbm4b:s6+s2] =	stream.indirect_vreg.scatter [tilespmem:s9], [sflag:$0x1], $0x80, v4, vm0, $0xb8;
	[tilespmem:$0x18080] =	vst v63  }
0x20f: {  	s11 =	simm.s32 $0x1880  }
0x210: {  	[hbm4b:s3+s2] =	stream.indirect_vreg.scatter [tilespmem:s11], [sflag:$0x1], $0x80, v3, vm0, $0xb8;
	[tilespmem:$0x18080] =	vst v63  }
0x211: {  	s12 =	simm.s32 $0x2080  }
0x212: {  	[hbm4b:s5+s2] =	stream.indirect_vreg.scatter [tilespmem:s12], [sflag:$0x1], $0x80, v3, vm0, $0xb8;
	[tilespmem:$0x18080] =	vst v63  }
0x213: {  	s11 =	simm.s32 $0x2880  }
0x214: {  	[hbm4b:s6+s2] =	stream.indirect_vreg.scatter [tilespmem:s11], [sflag:$0x1], $0x80, v3, vm0, $0xb8;
	[tilespmem:$0x18080] =	vst v63  }
0x215: {  	v3 =	vld [tilespmem:$0x10];
	_ =	sdelay $0x4  }
0x216: {  	v57 =	vshrl.u32 v3, $0x3  }
0x217: {  	v4 =	vmul.u32 $0x30, v57  }
0x218: {  	v3 =	vand.u32 $0x7, v3  }
0x219: {  	v3 =	vor.u32 v3, v4  }
0x21a: {  	v4 =	vperm.xlane v3, v0;
	_ =	sdelay $0x1  }
0x21b: {  	v4 =	vadd.s32 v1, v4;
	_ =	sdelay $0x3  }
0x21c: {  	s12 =	simm.s32 $0x3080;
	v3 =	vperm.xlane v3, v2  }
0x21d: {  	[hbm4b:s3+s2] =	stream.indirect_vreg.scatter [tilespmem:s12], [sflag:$0x1], $0x80, v4, vm0, $0xb8;
	[tilespmem:$0x18080] =	vst v63  }
0x21e: {  	s13 =	simm.s32 $0x3880;
	v3 =	vadd.s32 v1, v3  }
0x21f: {  	[hbm4b:s5+s2] =	stream.indirect_vreg.scatter [tilespmem:s13], [sflag:$0x1], $0x80, v4, vm0, $0xb8;
	[tilespmem:$0x18080] =	vst v63  }
0x220: {  	s14 =	simm.s32 $0x4080  }
0x221: {  	[hbm4b:s6+s2] =	stream.indirect_vreg.scatter [tilespmem:s14], [sflag:$0x1], $0x80, v4, vm0, $0xb8;
	[tilespmem:$0x18080] =	vst v63  }
0x222: {  	s15 =	simm.s32 $0x4880  }
0x223: {  	[hbm4b:s3+s2] =	stream.indirect_vreg.scatter [tilespmem:s15], [sflag:$0x1], $0x80, v3, vm0, $0xb8;
	[tilespmem:$0x18080] =	vst v63  }
0x224: {  	s16 =	simm.s32 $0x5080  }
0x225: {  	[hbm4b:s5+s2] =	stream.indirect_vreg.scatter [tilespmem:s16], [sflag:$0x1], $0x80, v3, vm0, $0xb8;
	[tilespmem:$0x18080] =	vst v63  }
0x226: {  	s15 =	simm.s32 $0x5880  }
0x227: {  	[hbm4b:s6+s2] =	stream.indirect_vreg.scatter [tilespmem:s15], [sflag:$0x1], $0x80, v3, vm0, $0xb8;
	[tilespmem:$0x18080] =	vst v63  }
0x228: {  	v3 =	vld [tilespmem:$0x20];
	_ =	sdelay $0x4  }
0x229: {  	v58 =	vshrl.u32 v3, $0x3  }
0x22a: {  	v4 =	vmul.u32 $0x30, v58  }
0x22b: {  	v3 =	vand.u32 $0x7, v3  }
0x22c: {  	v3 =	vor.u32 v3, v4  }
0x22d: {  	v4 =	vperm.xlane v3, v0;
	_ =	sdelay $0x1  }
0x22e: {  	v4 =	vadd.s32 v1, v4;
	_ =	sdelay $0x3  }
0x22f: {  	s16 =	simm.s32 $0x6080;
	v3 =	vperm.xlane v3, v2  }
0x230: {  	[hbm4b:s3+s2] =	stream.indirect_vreg.scatter [tilespmem:s16], [sflag:$0x1], $0x80, v4, vm0, $0xb8;
	[tilespmem:$0x18080] =	vst v63  }
0x231: {  	s17 =	simm.s32 $0x6880;
	v3 =	vadd.s32 v1, v3  }
0x232: {  	[hbm4b:s5+s2] =	stream.indirect_vreg.scatter [tilespmem:s17], [sflag:$0x1], $0x80, v4, vm0, $0xb8;
	[tilespmem:$0x18080] =	vst v63  }
0x233: {  	s18 =	simm.s32 $0x7080  }
0x234: {  	[hbm4b:s6+s2] =	stream.indirect_vreg.scatter [tilespmem:s18], [sflag:$0x1], $0x80, v4, vm0, $0xb8;
	[tilespmem:$0x18080] =	vst v63  }
0x235: {  	s19 =	simm.s32 $0x7880  }
0x236: {  	[hbm4b:s3+s2] =	stream.indirect_vreg.scatter [tilespmem:s19], [sflag:$0x1], $0x80, v3, vm0, $0xb8;
	[tilespmem:$0x18080] =	vst v63  }
0x237: {  	s20 =	simm.s32 $0x8080  }
0x238: {  	[hbm4b:s5+s2] =	stream.indirect_vreg.scatter [tilespmem:s20], [sflag:$0x1], $0x80, v3, vm0, $0xb8;
	[tilespmem:$0x18080] =	vst v63  }
0x239: {  	s9 =	simm.s32 $0x8880  }
0x23a: {  	[hbm4b:s6+s2] =	stream.indirect_vreg.scatter [tilespmem:s9], [sflag:$0x1], $0x80, v3, vm0, $0xb8;
	[tilespmem:$0x18080] =	vst v63  }
0x23b: {  	v3 =	vld [tilespmem:$0x30];
	_ =	sdelay $0x4  }
0x23c: {  	v59 =	vshrl.u32 v3, $0x3  }
0x23d: {  	v4 =	vmul.u32 $0x30, v59  }
0x23e: {  	v3 =	vand.u32 $0x7, v3  }
0x23f: {  	v3 =	vor.u32 v3, v4  }
0x240: {  	v4 =	vperm.xlane v3, v0;
	_ =	sdelay $0x1  }
0x241: {  	v4 =	vadd.s32 v1, v4;
	_ =	sdelay $0x3  }
0x242: {  	s10 =	simm.s32 $0x9080;
	v3 =	vperm.xlane v3, v2  }
0x243: {  	[hbm4b:s3+s2] =	stream.indirect_vreg.scatter [tilespmem:s10], [sflag:$0x1], $0x80, v4, vm0, $0xb8;
	[tilespmem:$0x18080] =	vst v63  }
0x244: {  	s21 =	simm.s32 $0x9880;
	v3 =	vadd.s32 v1, v3  }
0x245: {  	[hbm4b:s5+s2] =	stream.indirect_vreg.scatter [tilespmem:s21], [sflag:$0x1], $0x80, v4, vm0, $0xb8;
	[tilespmem:$0x18080] =	vst v63  }
0x246: {  	s22 =	simm.s32 $0xA080  }
0x247: {  	[hbm4b:s6+s2] =	stream.indirect_vreg.scatter [tilespmem:s22], [sflag:$0x1], $0x80, v4, vm0, $0xb8;
	[tilespmem:$0x18080] =	vst v63  }
0x248: {  	s0 =	simm.s32 $0xA880  }
0x249: {  	[hbm4b:s3+s2] =	stream.indirect_vreg.scatter [tilespmem:s0], [sflag:$0x1], $0x80, v3, vm0, $0xb8;
	[tilespmem:$0x18080] =	vst v63  }
0x24a: {  	s11 =	simm.s32 $0xB080  }
0x24b: {  	[hbm4b:s5+s2] =	stream.indirect_vreg.scatter [tilespmem:s11], [sflag:$0x1], $0x80, v3, vm0, $0xb8;
	[tilespmem:$0x18080] =	vst v63  }
0x24c: {  	s12 =	simm.s32 $0xB880  }
0x24d: {  	[hbm4b:s6+s2] =	stream.indirect_vreg.scatter [tilespmem:s12], [sflag:$0x1], $0x80, v3, vm0, $0xb8;
	[tilespmem:$0x18080] =	vst v63  }
0x24e: {  	v3 =	vld [tilespmem:$0x40];
	_ =	sdelay $0x4  }
0x24f: {  	v60 =	vshrl.u32 v3, $0x3  }
0x250: {  	v4 =	vmul.u32 $0x30, v60  }
0x251: {  	v3 =	vand.u32 $0x7, v3  }
0x252: {  	v3 =	vor.u32 v3, v4  }
0x253: {  	v4 =	vperm.xlane v3, v0;
	_ =	sdelay $0x1  }
0x254: {  	v4 =	vadd.s32 v1, v4;
	_ =	sdelay $0x3  }
0x255: {  	s13 =	simm.s32 $0xC080;
	v3 =	vperm.xlane v3, v2  }
0x256: {  	[hbm4b:s3+s2] =	stream.indirect_vreg.scatter [tilespmem:s13], [sflag:$0x1], $0x80, v4, vm0, $0xb8;
	[tilespmem:$0x18080] =	vst v63  }
0x257: {  	s23 =	simm.s32 $0xC880;
	v3 =	vadd.s32 v1, v3  }
0x258: {  	[hbm4b:s5+s2] =	stream.indirect_vreg.scatter [tilespmem:s23], [sflag:$0x1], $0x80, v4, vm0, $0xb8;
	[tilespmem:$0x18080] =	vst v63  }
0x259: {  	s24 =	simm.s32 $0xD080  }
0x25a: {  	[hbm4b:s6+s2] =	stream.indirect_vreg.scatter [tilespmem:s24], [sflag:$0x1], $0x80, v4, vm0, $0xb8;
	[tilespmem:$0x18080] =	vst v63  }
0x25b: {  	s25 =	simm.s32 $0xD880  }
0x25c: {  	[hbm4b:s3+s2] =	stream.indirect_vreg.scatter [tilespmem:s25], [sflag:$0x1], $0x80, v3, vm0, $0xb8;
	[tilespmem:$0x18080] =	vst v63  }
0x25d: {  	s26 =	simm.s32 $0xE080  }
0x25e: {  	[hbm4b:s5+s2] =	stream.indirect_vreg.scatter [tilespmem:s26], [sflag:$0x1], $0x80, v3, vm0, $0xb8;
	[tilespmem:$0x18080] =	vst v63  }
0x25f: {  	s14 =	simm.s32 $0xE880  }
0x260: {  	[hbm4b:s6+s2] =	stream.indirect_vreg.scatter [tilespmem:s14], [sflag:$0x1], $0x80, v3, vm0, $0xb8;
	[tilespmem:$0x18080] =	vst v63  }
0x261: {  	v3 =	vld [tilespmem:$0x50];
	_ =	sdelay $0x4  }
0x262: {  	v61 =	vshrl.u32 v3, $0x3  }
0x263: {  	v4 =	vmul.u32 $0x30, v61  }
0x264: {  	v3 =	vand.u32 $0x7, v3  }
0x265: {  	v3 =	vor.u32 v3, v4  }
0x266: {  	v4 =	vperm.xlane v3, v0;
	_ =	sdelay $0x1  }
0x267: {  	v4 =	vadd.s32 v1, v4;
	_ =	sdelay $0x3  }
0x268: {  	s15 =	simm.s32 $0xF080;
	v3 =	vperm.xlane v3, v2  }
0x269: {  	[hbm4b:s3+s2] =	stream.indirect_vreg.scatter [tilespmem:s15], [sflag:$0x1], $0x80, v4, vm0, $0xb8;
	[tilespmem:$0x18080] =	vst v63  }
0x26a: {  	s28 =	simm.s32 $0xF880;
	v3 =	vadd.s32 v1, v3  }
0x26b: {  	[hbm4b:s5+s2] =	stream.indirect_vreg.scatter [tilespmem:s28], [sflag:$0x1], $0x80, v4, vm0, $0xb8;
	[tilespmem:$0x18080] =	vst v63  }
0x26c: {  	s30 =	simm.s32 $0x10080  }
0x26d: {  	[hbm4b:s6+s2] =	stream.indirect_vreg.scatter [tilespmem:s30], [sflag:$0x1], $0x80, v4, vm0, $0xb8;
	[tilespmem:$0x18080] =	vst v63  }
0x26e: {  	s31 =	simm.s32 $0x10880  }
0x26f: {  	[hbm4b:s3+s2] =	stream.indirect_vreg.scatter [tilespmem:s31], [sflag:$0x1], $0x80, v3, vm0, $0xb8;
	[tilespmem:$0x18080] =	vst v63  }
0x270: {  	s16 =	simm.s32 $0x11080  }
0x271: {  	[hbm4b:s5+s2] =	stream.indirect_vreg.scatter [tilespmem:s16], [sflag:$0x1], $0x80, v3, vm0, $0xb8;
	[tilespmem:$0x18080] =	vst v63  }
0x272: {  	s17 =	simm.s32 $0x11880  }
0x273: {  	[hbm4b:s6+s2] =	stream.indirect_vreg.scatter [tilespmem:s17], [sflag:$0x1], $0x80, v3, vm0, $0xb8;
	[tilespmem:$0x18080] =	vst v63  }
0x274: {  	v3 =	vld [tilespmem:$0x60];
	_ =	sdelay $0x4  }
0x275: {  	v62 =	vshrl.u32 v3, $0x3  }
0x276: {  	v4 =	vmul.u32 $0x30, v62  }
0x277: {  	v3 =	vand.u32 $0x7, v3  }
0x278: {  	v3 =	vor.u32 v3, v4  }
0x279: {  	v4 =	vperm.xlane v3, v0;
	_ =	sdelay $0x1  }
0x27a: {  	v4 =	vadd.s32 v1, v4;
	_ =	sdelay $0x3  }
0x27b: {  	s18 =	simm.s32 $0x12080;
	v3 =	vperm.xlane v3, v2  }
0x27c: {  	[hbm4b:s3+s2] =	stream.indirect_vreg.scatter [tilespmem:s18], [sflag:$0x1], $0x80, v4, vm0, $0xb8;
	[tilespmem:$0x18080] =	vst v63  }
0x27d: {  	s19 =	simm.s32 $0x12880;
	v3 =	vadd.s32 v1, v3  }
0x27e: {  	[hbm4b:s5+s2] =	stream.indirect_vreg.scatter [tilespmem:s19], [sflag:$0x1], $0x80, v4, vm0, $0xb8;
	[tilespmem:$0x18080] =	vst v63  }
0x27f: {  	s20 =	simm.s32 $0x13080  }
0x280: {  	[hbm4b:s6+s2] =	stream.indirect_vreg.scatter [tilespmem:s20], [sflag:$0x1], $0x80, v4, vm0, $0xb8;
	[tilespmem:$0x18080] =	vst v63  }
0x281: {  	s21 =	simm.s32 $0x13880  }
0x282: {  	[hbm4b:s3+s2] =	stream.indirect_vreg.scatter [tilespmem:s21], [sflag:$0x1], $0x80, v3, vm0, $0xb8;
	[tilespmem:$0x18080] =	vst v63  }
0x283: {  	s22 =	simm.s32 $0x14080  }
0x284: {  	[hbm4b:s5+s2] =	stream.indirect_vreg.scatter [tilespmem:s22], [sflag:$0x1], $0x80, v3, vm0, $0xb8;
	[tilespmem:$0x18080] =	vst v63  }
0x285: {  	s23 =	simm.s32 $0x14880  }
0x286: {  	[hbm4b:s6+s2] =	stream.indirect_vreg.scatter [tilespmem:s23], [sflag:$0x1], $0x80, v3, vm0, $0xb8;
	[tilespmem:$0x18080] =	vst v63  }
0x287: {  	v3 =	vld [tilespmem:$0x70];
	_ =	sdelay $0x4  }
0x288: {  	v63 =	vshrl.u32 v3, $0x3  }
0x289: {  	v4 =	vmul.u32 $0x30, v63  }
0x28a: {  	v3 =	vand.u32 $0x7, v3  }
0x28b: {  	v3 =	vor.u32 v3, v4  }
0x28c: {  	v4 =	vperm.xlane v3, v0;
	_ =	sdelay $0x1  }
0x28d: {  	v4 =	vadd.s32 v1, v4;
	_ =	sdelay $0x3  }
0x28e: {  	s24 =	simm.s32 $0x15080;
	v3 =	vperm.xlane v3, v2  }
0x28f: {  	[hbm4b:s3+s2] =	stream.indirect_vreg.scatter [tilespmem:s24], [sflag:$0x1], $0x80, v4, vm0, $0xb8;
	[tilespmem:$0x18080] =	vst v63  }
0x290: {  	s25 =	simm.s32 $0x15880;
	v3 =	vadd.s32 v1, v3  }
0x291: {  	[hbm4b:s5+s2] =	stream.indirect_vreg.scatter [tilespmem:s25], [sflag:$0x1], $0x80, v4, vm0, $0xb8;
	[tilespmem:$0x18080] =	vst v63  }
0x292: {  	s26 =	simm.s32 $0x16080  }
0x293: {  	[hbm4b:s6+s2] =	stream.indirect_vreg.scatter [tilespmem:s26], [sflag:$0x1], $0x80, v4, vm0, $0xb8;
	[tilespmem:$0x18080] =	vst v63  }
0x294: {  	s28 =	simm.s32 $0x16880  }
0x295: {  	[hbm4b:s3+s2] =	stream.indirect_vreg.scatter [tilespmem:s28], [sflag:$0x1], $0x80, v3, vm0, $0xb8;
	[tilespmem:$0x18080] =	vst v63  }
0x296: {  	p0 =	sne.s32 s7, $0x1;
	s30 =	simm.s32 $0x17080  }
0x297: {  	[hbm4b:s5+s2] =	stream.indirect_vreg.scatter [tilespmem:s30], [sflag:$0x1], $0x80, v3, vm0, $0xb8;
	[tilespmem:$0x18080] =	vst v63  }
.Ltmp0:
0x298: {  	s31 =	simm.s32 $0x17880;
	(pc) =	sbr.rel @p0 .LBB2_1-.Ltmp0, $4  }
0x299: {  	[hbm4b:s6+s2] =	stream.indirect_vreg.scatter [tilespmem:s31], [sflag:$0x1], $0x80, v3, vm0, $0xb8;
	[tilespmem:$0x18080] =	vst v63  }
0x29a: {  	_ =	swait.ge [sflag:s4], $0x18000  }
0x29b: {  	[sflag:s4] =	ssyncset.done $0x0  }
0x29c: {  	s7 =	sadd.s32 $0xFFFFFFFF, s7;
	[sflag:s4] =	ssyncadd.s32 $0xFFFE8000  }
0x29d: {  	_ =	sfence.sel $0x180000  }
0x29e: {  	[bflag:$0x0] =	sbarrier.arrive $0xFFFF  }
0x29f: {  	_ =	strace $0x90000047  }
0x2a0: {  	s0 =	stileid.u32;
	[bflag:$0x2] =	sbarrier.arrive $0xFFFF  }
0x2a1: {  	p0 =	sne.s32 s0, $0x0;
	s0 =	rddreg [dreg:$0x2]  }
0x2a2: {  	s0 =	sadd.s32 @!p0 $0x100000, s0  }
0x2a3: {  	[sflag:s0] =	ssyncadd.tile.s32 @!p0 $0x1;
	_ =	shalt  }
.Lfunc_end2:
_tile_overlayer_lowered:
.L_overlay_start_2:
0x2a4: {  	(tag) =	ssettag $0x2  }
0x2a5: {  	s0 =	rddreg [dreg:$0x0];
	s2 =	stileid.u32  }
0x2a6: {  	s1 =	rddreg [dreg:$0x1];
	p0 =	sne.s32 s2, $0x0  }
0x2a7: {  	s3 =	rddreg [dreg:$0x2];
	[bflag:$0x3] =	sbarrier.arrive $0xFFFF;
	s2 =	simm.s32 @!p0 $0x1C02  }
0x2a8: {  	[timem:s3], [sflag:s2] =	dma.local @!p0 [hbm:s0], s1  }
0x2a9: {  	s0 =	simm.s32 @!p0 $0x2  }
0x2aa: {  	_ =	swait.ge @!p0 [sflag:s0], s1  }
0x2ab: {  	s1 =	ssub.s32 @!p0 $0x0, s1;
	[sflag:s0] =	ssyncset.done @!p0 $0x0  }
0x2ac: {  	[sflag:s0] =	ssyncadd.s32 @!p0 s1  }
0x2ad: {  	[bflag:$0x3] =	sbarrier.arrive $0xFFFF  }
0x2ae: {  	_ =	shalt  }

</sc_bundles>
